<compile_context>
chip_gen: v7x
topology: tpu7x:2x2x1
jax: 0.10.2.dev20260603
libtpu: 0.0.44.dev20260713+nightly
codegen_flags: <defaults>
</compile_context>

<pallas_src>
import functools

import jax
import jax.numpy as jnp
from jax import lax
from jax.experimental import pallas as pl
from jax.experimental.pallas import tpu as pltpu
from jax.experimental.pallas import tpu_sc as plsc

N = 10000
D_IN = 128
D_HID = 256
E = 320000

NC, NS = 2, 16
NW = NC * NS
N_PAD = 10240
ROWS_PER_TILE = N_PAD // NS

W3 = 40
GW3 = E // W3
T3 = GW3 // NW
W15 = 128
GW15 = E // W15
T15_LO = GW15 // NW
T15_EXTRA = GW15 - NW * T15_LO

_MESH = plsc.VectorSubcoreMesh(core_axis_name="c", subcore_axis_name="s")
_SC_PARAMS = pltpu.CompilerParams(use_tc_tiling_on_sc=False)


def _zero_fill(ref, n16):
    def body(i, _):
        ref[pl.ds(i * 16, 16)] = jnp.zeros((16,), jnp.float32)
        return 0
    lax.fori_loop(0, n16, body, 0)


def _ring(src_hbm, sfn, dfn, buf, dst_sh, gsems, ssems, cnt):
    pltpu.async_copy(src_hbm.at[sfn(0)], buf.at[0], gsems[0])
    pltpu.async_copy(src_hbm.at[sfn(1)], buf.at[1], gsems[1])

    def one(j, b):
        f = (b + 2) % 4
        pltpu.make_async_copy(src_hbm.at[sfn(j)], buf.at[b],
                              gsems[b]).wait()
        pltpu.async_copy(buf.at[b], dst_sh.at[dfn(j)], ssems[b], add=True)

        @pl.when(j >= 2)
        def _():
            pltpu.make_async_copy(buf.at[f], dst_sh.at[dfn(j - 2)],
                                  ssems[f]).wait()

        @pl.when(j + 2 < cnt)
        def _():
            pltpu.async_copy(src_hbm.at[sfn(j + 2)], buf.at[f], gsems[f])

    def body(k, _):
        for b in range(4):
            one(k * 4 + b, b)
        return 0
    lax.fori_loop(0, cnt // 4, body, 0)
    for j in range(4 * (cnt // 4), cnt):
        one(j, j % 4)
    for j in range(cnt - 2, cnt):
        pltpu.make_async_copy(buf.at[j % 4], dst_sh.at[dfn(j)],
                              ssems[j % 4]).wait()


@functools.partial(
    pl.kernel,
    out_type=jax.ShapeDtypeStruct((NC, N_PAD), jnp.float32),
    mesh=_MESH,
    scratch_types=[
        pltpu.VMEM((T15_LO + 1, W15), jnp.int32),
        pltpu.VMEM((W15,), jnp.float32),
        pltpu.VMEM((ROWS_PER_TILE,), jnp.float32),
        pltpu.VMEM_SHARED((N_PAD,), jnp.float32),
        [pltpu.SemaphoreType.DMA] * 2,
    ],
    compiler_params=_SC_PARAMS,
)
def _deg_kernel(ei15_hbm, deg_hbm, didx, ones_v, zero_v, deg_sh, ssems):
    c = lax.axis_index("c")
    s = lax.axis_index("s")
    wid = c * NS + s

    def fill_ones(i, _):
        ones_v[pl.ds(i * 16, 16)] = jnp.ones((16,), jnp.float32)
        return 0
    lax.fori_loop(0, W15 // 16, fill_ones, 0)
    _zero_fill(zero_v, ROWS_PER_TILE // 16)

    pltpu.sync_copy(zero_v, deg_sh.at[pl.ds(s * ROWS_PER_TILE, ROWS_PER_TILE)])
    plsc.subcore_barrier()

    def scatter_ones(base, cnt):
        pltpu.sync_copy(ei15_hbm.at[1, pl.ds(base, cnt)],
                        didx.at[pl.ds(0, cnt)])

        def one(j, b):
            @pl.when(j >= 2)
            def _():
                pltpu.make_async_copy(ones_v, deg_sh.at[didx.at[j - 2]],
                                      ssems[b]).wait()
            pltpu.async_copy(ones_v, deg_sh.at[didx.at[j]], ssems[b],
                             add=True)

        def body(k, _):
            for b in range(2):
                one(k * 2 + b, b)
            return 0
        lax.fori_loop(0, cnt // 2, body, 0)
        for j in range(2 * (cnt // 2), cnt):
            one(j, j % 2)
        for j in range(cnt - 2, cnt):
            pltpu.make_async_copy(ones_v, deg_sh.at[didx.at[j]],
                                  ssems[j % 2]).wait()

    @pl.when(wid < T15_EXTRA)
    def _():
        scatter_ones((T15_LO + 1) * wid, T15_LO + 1)

    @pl.when(wid >= T15_EXTRA)
    def _():
        scatter_ones(T15_LO * wid + T15_EXTRA, T15_LO)

    plsc.subcore_barrier()
    sl = pl.ds(s * ROWS_PER_TILE, ROWS_PER_TILE)
    pltpu.sync_copy(deg_sh.at[sl], deg_hbm.at[c, sl])


def _scale_body(deg2, x, dinv_o, xs_o):
    d = deg2[0, :N] + deg2[1, :N] + 1.0
    dv = lax.rsqrt(d)
    dinv_o[...] = dv
    xs_o[...] = x[...] * dv[:, None]


def _scale_call(deg2, x):
    return pl.pallas_call(
        _scale_body,
        out_shape=[
            jax.ShapeDtypeStruct((N,), jnp.float32),
            jax.ShapeDtypeStruct((N, D_IN), jnp.float32),
        ],
    )(deg2, x)


@functools.partial(
    pl.kernel,
    out_type=jax.ShapeDtypeStruct((NC, N_PAD, D_IN), jnp.float32),
    mesh=_MESH,
    scratch_types=[
        pltpu.VMEM((128 * W3,), jnp.int32),
        pltpu.VMEM((128 * W3,), jnp.int32),
        pltpu.VMEM((4, W3, D_IN), jnp.float32),
        pltpu.VMEM((16, D_IN), jnp.float32),
        pltpu.VMEM_SHARED((N_PAD, D_IN), jnp.float32),
        [pltpu.SemaphoreType.DMA] * 4,
        [pltpu.SemaphoreType.DMA] * 4,
    ],
    compiler_params=_SC_PARAMS,
)
def _prop_kernel(ei3_hbm, xs_hbm, p_hbm,
                 sidx, didx, buf, zrow, p_sh, gsems, ssems):
    c = lax.axis_index("c")
    s = lax.axis_index("s")
    wid = c * NS + s

    def zfill(i, _):
        zrow[i // 8, pl.ds((i % 8) * 16, 16)] = jnp.zeros((16,), jnp.float32)
        return 0
    lax.fori_loop(0, 16 * (D_IN // 16), zfill, 0)
    row0 = s * ROWS_PER_TILE

    def zbody(k, _):
        pltpu.sync_copy(zrow, p_sh.at[pl.ds(row0 + k * 16, 16)])
        return 0
    lax.fori_loop(0, ROWS_PER_TILE // 16, zbody, 0)
    plsc.subcore_barrier()

    off = 0
    for cnt in (128, T3 - 128):
        e0 = (wid * T3 + off) * W3
        pltpu.sync_copy(ei3_hbm.at[0, pl.ds(e0, cnt * W3)],
                        sidx.at[pl.ds(0, cnt * W3)])
        pltpu.sync_copy(ei3_hbm.at[1, pl.ds(e0, cnt * W3)],
                        didx.at[pl.ds(0, cnt * W3)])
        _ring(xs_hbm,
              lambda j: sidx.at[pl.ds(j * W3, W3)],
              lambda j: didx.at[pl.ds(j * W3, W3)],
              buf, p_sh, gsems, ssems, cnt)
        off += cnt

    plsc.subcore_barrier()
    sl = pl.ds(row0, ROWS_PER_TILE)
    pltpu.sync_copy(p_sh.at[sl], p_hbm.at[c, sl])


def _dense_body(pA, pB, xs, dinv2, W1, b1, W2t, zs_o):
    i = pl.program_id(0)
    dv = dinv2[i]
    u = (pA[0] + pB[0] + xs[...]) * dv[:, None]
    h1 = jnp.dot(u, W1[...], preferred_element_type=jnp.float32,
                 precision=jax.lax.Precision.HIGHEST)
    h1 = jnp.maximum(h1 + b1[...], 0.0)
    z = jnp.sum(h1 * W2t[...], axis=1)
    zs_o[i] = z * dv


def _dense_call(p2, xs, dinv2, W1, b1, W2t):
    blk = 1000
    return pl.pallas_call(
        _dense_body,
        grid=(N // blk,),
        in_specs=[
            pl.BlockSpec((1, blk, D_IN), lambda i: (0, i, 0)),
            pl.BlockSpec((1, blk, D_IN), lambda i: (1, i, 0)),
            pl.BlockSpec((blk, D_IN), lambda i: (i, 0)),
            pl.BlockSpec((N // blk, blk), lambda i: (0, 0)),
            pl.BlockSpec((D_IN, D_HID), lambda i: (0, 0)),
            pl.BlockSpec((1, D_HID), lambda i: (0, 0)),
            pl.BlockSpec((1, D_HID), lambda i: (0, 0)),
        ],
        out_specs=pl.BlockSpec((N // blk, blk), lambda i: (0, 0)),
        out_shape=jax.ShapeDtypeStruct((N // blk, blk), jnp.float32),
    )(p2, p2, xs, dinv2, W1, b1, W2t)


@functools.partial(
    pl.kernel,
    out_type=jax.ShapeDtypeStruct((NC, N_PAD), jnp.float32),
    mesh=_MESH,
    scratch_types=[
        pltpu.VMEM((T15_LO + 1, W15), jnp.int32),
        pltpu.VMEM((T15_LO + 1, W15), jnp.int32),
        pltpu.VMEM((N,), jnp.float32),
        pltpu.VMEM((2, W15), jnp.float32),
        pltpu.VMEM((ROWS_PER_TILE,), jnp.float32),
        pltpu.VMEM_SHARED((N_PAD,), jnp.float32),
        [pltpu.SemaphoreType.DMA] * 2,
    ],
    compiler_params=pltpu.CompilerParams(needs_layout_passes=False,
                                         use_tc_tiling_on_sc=False),
)
def _sprop_kernel(ei15_hbm, zs_hbm, o_hbm,
                  sidx, didx, zs_v, vals, zero_v, o_sh, ssems):
    c = lax.axis_index("c")
    s = lax.axis_index("s")
    wid = c * NS + s

    _zero_fill(zero_v, ROWS_PER_TILE // 16)
    pltpu.sync_copy(zero_v, o_sh.at[pl.ds(s * ROWS_PER_TILE, ROWS_PER_TILE)])
    plsc.subcore_barrier()

    pltpu.sync_copy(zs_hbm, zs_v)

    def run(base, cnt):
        pltpu.sync_copy(ei15_hbm.at[0, pl.ds(base, cnt)],
                        sidx.at[pl.ds(0, cnt)])
        pltpu.sync_copy(ei15_hbm.at[1, pl.ds(base, cnt)],
                        didx.at[pl.ds(0, cnt)])

        def one(j, b):
            @pl.when(j >= 2)
            def _():
                pltpu.make_async_copy(vals.at[b], o_sh.at[didx.at[j - 2]],
                                      ssems[b]).wait()
            for k in range(W15 // 16):
                i16 = sidx[j, pl.ds(k * 16, 16)]
                vals[b, pl.ds(k * 16, 16)] = plsc.load_gather(zs_v, [i16])
            pltpu.async_copy(vals.at[b], o_sh.at[didx.at[j]], ssems[b],
                             add=True)

        def body(k, _):
            for b in range(2):
                one(k * 2 + b, b)
            return 0
        lax.fori_loop(0, cnt // 2, body, 0)
        for j in range(2 * (cnt // 2), cnt):
            one(j, j % 2)
        for j in range(cnt - 2, cnt):
            pltpu.make_async_copy(vals.at[j % 2], o_sh.at[didx.at[j]],
                                  ssems[j % 2]).wait()

    @pl.when(wid < T15_EXTRA)
    def _():
        run((T15_LO + 1) * wid, T15_LO + 1)

    @pl.when(wid >= T15_EXTRA)
    def _():
        run(T15_LO * wid + T15_EXTRA, T15_LO)

    plsc.subcore_barrier()
    sl = pl.ds(s * ROWS_PER_TILE, ROWS_PER_TILE)
    pltpu.sync_copy(o_sh.at[sl], o_hbm.at[c, sl])


def _comb_body(o2, zs, dinv, b2, out_o):
    out_o[...] = (o2[0, :N] + o2[1, :N] + zs[...]) * dinv[...] + b2[0]


def _comb_call(o2, zs, dinv, b2):
    return pl.pallas_call(
        _comb_body,
        in_specs=[
            pl.BlockSpec(),
            pl.BlockSpec(),
            pl.BlockSpec(),
            pl.BlockSpec(memory_space=pltpu.SMEM),
        ],
        out_specs=pl.BlockSpec(),
        out_shape=jax.ShapeDtypeStruct((N,), jnp.float32),
    )(o2, zs, dinv, b2)


def kernel(x, edge_index, W1, b1, W2, b2):
    ei = edge_index.astype(jnp.int32)
    ei15 = ei.reshape(2, GW15, W15)

    deg2 = _deg_kernel(ei15)
    dinv, xs = _scale_call(deg2, x)
    p2 = _prop_kernel(ei, xs)
    zs = _dense_call(p2, xs, dinv.reshape(N // 1000, 1000), W1,
                     b1.reshape(1, D_HID), W2.reshape(1, D_HID)).reshape(N)
    o2 = _sprop_kernel(ei15, zs)
    out = _comb_call(o2, zs, dinv, b2)
    return out[:, None]

# --- scband reference (transcript-rebuilt; emitter-appended) ---
"""Pipeline reference for scband-gnnmodel-14405320310913 (READ-ONLY COPY).

The authoritative reference and input builder live on the scoring server;
editing this copy changes nothing except your own understanding.
"""

import jax, jax.numpy as jnp
import numpy as np

N_NODES = 10000
IN_CH = 128
HID_CH = 256
N_EDGES = 320000


def gcn_conv(x, edge_index, W, b):
    num_nodes = x.shape[0]
    src = edge_index[0]
    dst = edge_index[1]
    # add self-loops (PyG GCNConv default add_self_loops=True)
    loop = jnp.arange(num_nodes, dtype=src.dtype)
    src = jnp.concatenate([src, loop])
    dst = jnp.concatenate([dst, loop])
    # symmetric normalization with edge weights = 1
    deg = jnp.zeros((num_nodes,), dtype=x.dtype).at[dst].add(1.0)
    deg_inv_sqrt = jnp.where(deg > 0, jax.lax.rsqrt(deg), 0.0)
    norm = deg_inv_sqrt[src] * deg_inv_sqrt[dst]
    # linear transform then propagate (gather -> scale -> scatter-add)
    h = x @ W
    msg = h[src] * norm[:, None]
    out = jnp.zeros((num_nodes, W.shape[1]), dtype=x.dtype).at[dst].add(msg)
    return out + b


def setup_inputs(seed: int = 0) -> dict:
    key = jax.random.key(seed)
    k_x, k_e, k_w1, k_w2 = jax.random.split(key, 4)
    x = jax.random.normal(k_x, (N_NODES, IN_CH), dtype=jnp.float32)
    edge_index = jax.random.randint(k_e, (2, N_EDGES), 0, N_NODES, dtype=jnp.int64)
    # glorot-style init like PyG GCNConv
    s1 = float(np.sqrt(6.0 / (IN_CH + HID_CH)))
    W1 = jax.random.uniform(k_w1, (IN_CH, HID_CH), minval=-s1, maxval=s1, dtype=jnp.float32)
    b1 = jnp.zeros((HID_CH,), dtype=jnp.float32)
    s2 = float(np.sqrt(6.0 / (HID_CH + 1)))
    W2 = jax.random.uniform(k_w2, (HID_CH, 1), minval=-s2, maxval=s2, dtype=jnp.float32)
    b2 = jnp.zeros((1,), dtype=jnp.float32)
    return {"x": x, "edge_index": edge_index, "W1": W1, "b1": b1, "W2": W2, "b2": b2}


def reference(x, edge_index, W1, b1, W2, b2):
    h = gcn_conv(x, edge_index, W1, b1)
    h = jax.nn.relu(h)
    out = gcn_conv(h, edge_index, W2, b2)
    return out

if __name__ == "__main__":
    import jax
    _d = setup_inputs()
    print(jax.jit(kernel)(*tuple(_d.values())))

</pallas_src>

<mosaic_0001>
#map = affine_map<(d0, d1) -> (0, 0, 0)>
#map1 = affine_map<(d0, d1) -> (0)>
#map2 = affine_map<(d0, d1) -> (0, 0)>
module attributes {stable_mosaic.version = 14 : i64} {
  func.func @_sprop_kernel(%arg0: i32, %arg1: i32, %arg2: memref<2x2500x128xi32, #tpu.memory_space<hbm>>, %arg3: memref<10000xf32, #tpu.memory_space<hbm>>, %arg4: memref<2x10240xf32, #tpu.memory_space<hbm>>, %arg5: memref<79x128xi32, #tpu.memory_space<vmem>>, %arg6: memref<79x128xi32, #tpu.memory_space<vmem>>, %arg7: memref<10000xf32, #tpu.memory_space<vmem>>, %arg8: memref<2x128xf32, #tpu.memory_space<vmem>>, %arg9: memref<640xf32, #tpu.memory_space<vmem>>, %arg10: memref<10240xf32, #tpu.memory_space<vmem_shared>>, %arg11: memref<!tpu.dma_semaphore, #tpu.memory_space<semaphore_mem>>, %arg12: memref<!tpu.dma_semaphore, #tpu.memory_space<semaphore_mem>>) attributes {dimension_semantics = [#tpu.dimension_semantics<core_parallel>, #tpu.dimension_semantics<subcore_parallel>], iteration_bounds = array<i64: 2, 16>, scalar_prefetch = 0 : i64, scratch_operands = 8 : i64, tpu.core_type = #tpu.core_type<sc_vector_subcore>, window_params = [{transform_indices = #map}, {transform_indices = #map1}, {transform_indices = #map2}]} {
    %mul3A = arith.constant 16 : i32
    %mul3A_0 = arith.muli %arg0, %mul3A : i32
    %add3A = arith.addi %mul3A_0, %arg1 : i32
    %scan3A = arith.constant 0 : i32
    %scan3A_1 = arith.constant 0 : i32
    %scan3A_2 = arith.constant 40 : i32
    %scan3A_3 = arith.addi %scan3A_1, %scan3A_2 : i32
    %scan3A_4 = arith.constant 1 : i32
    %scan3A_5 = scf.for %scan3A_18 = %scan3A_1 to %scan3A_3 step %scan3A_4 iter_args(%scan3A_19 = %scan3A) -> (i32)  : i32 {
      %broadcast_in_dim3A = arith.constant 0.000000e+00 : f32
      %broadcast_in_dim3A_20 = vector.broadcast %broadcast_in_dim3A : f32 to vector<16xf32>
      %mul3A_21 = arith.constant 16 : i32
      %mul3A_22 = arith.muli %scan3A_18, %mul3A_21 : i32
      %swap3A = arith.index_cast %mul3A_22 : i32 to index
      %swap3A_23 = tpu.vector_load %arg9[%swap3A] {strides = array<i32>} : memref<640xf32, #tpu.memory_space<vmem>>, vector<16xf32>,
      %swap3A_24 = vector.shape_cast %swap3A_23 : vector<16xf32> to vector<16xf32>
      %swap3A_25 = vector.shape_cast %broadcast_in_dim3A_20 : vector<16xf32> to vector<16xf32>
      tpu.vector_store %arg9[%swap3A], %swap3A_25 {strides = array<i32>} : memref<640xf32, #tpu.memory_space<vmem>>, vector<16xf32>,
      %scan3A_26 = arith.constant 0 : i32
      scf.yield %scan3A_26 : i32
    }
    %scan3A_6 = arith.constant 40 : i32
    %mul3A_7 = arith.constant 640 : i32
    %mul3A_8 = arith.muli %arg1, %mul3A_7 : i32
    "tpu.region"() ({
      %run_scoped3A = tpu.sem_alloc : memref<!tpu.dma_semaphore, #tpu.memory_space<semaphore_mem>>
      %dma_start3A = tpu.memref_slice %arg10[%mul3A_8] : memref<10240xf32, #tpu.memory_space<vmem_shared>> -> memref<640xf32, #tpu.memory_space<vmem_shared>>
      %dma_start3A_18 = tpu.memref_slice %arg10[%mul3A_8] : memref<10240xf32, #tpu.memory_space<vmem_shared>> -> memref<640xf32, #tpu.memory_space<vmem_shared>>
      tpu.enqueue_dma source(%arg9 : memref<640xf32, #tpu.memory_space<vmem>>) target(%dma_start3A_18 : memref<640xf32, #tpu.memory_space<vmem_shared>>) target_semaphore(%run_scoped3A : memref<!tpu.dma_semaphore, #tpu.memory_space<semaphore_mem>>)
      %dma_wait3A = tpu.memref_slice %arg10[%mul3A_8] : memref<10240xf32, #tpu.memory_space<vmem_shared>> -> memref<640xf32, #tpu.memory_space<vmem_shared>>
      %dma_wait3A_19 = tpu.memref_slice %arg10[%mul3A_8] : memref<10240xf32, #tpu.memory_space<vmem_shared>> -> memref<640xf32, #tpu.memory_space<vmem_shared>>
      tpu.wait_dma2 semaphore(%run_scoped3A : memref<!tpu.dma_semaphore, #tpu.memory_space<semaphore_mem>>) src(%arg9 : memref<640xf32, #tpu.memory_space<vmem>>) dst(%dma_wait3A_19 : memref<640xf32, #tpu.memory_space<vmem_shared>>)
      tpu.yield
    }) : () -> ()
    %barrier3A = arith.constant 0 : index
    tpu.barrier barrier_id(%barrier3A)
    "tpu.region"() ({
      %run_scoped3A = tpu.sem_alloc : memref<!tpu.dma_semaphore, #tpu.memory_space<semaphore_mem>>
      tpu.enqueue_dma source(%arg3 : memref<10000xf32, #tpu.memory_space<hbm>>) target(%arg7 : memref<10000xf32, #tpu.memory_space<vmem>>) target_semaphore(%run_scoped3A : memref<!tpu.dma_semaphore, #tpu.memory_space<semaphore_mem>>)
      tpu.wait_dma2 semaphore(%run_scoped3A : memref<!tpu.dma_semaphore, #tpu.memory_space<semaphore_mem>>) src(%arg3 : memref<10000xf32, #tpu.memory_space<hbm>>) dst(%arg7 : memref<10000xf32, #tpu.memory_space<vmem>>)
      tpu.yield
    }) : () -> ()
    %lt3A = arith.constant 4 : i32
    %lt3A_9 = arith.cmpi slt, %add3A, %lt3A : i32
    %convert_element_type3A = arith.extui %lt3A_9 : i1 to i32
    %cond3A = arith.constant 0 : i32
    %cond3A_10 = arith.cmpi ne, %convert_element_type3A, %cond3A : i32
    scf.if %cond3A_10 {
      %mul3A_18 = arith.constant 79 : i32
      %mul3A_19 = arith.muli %mul3A_18, %add3A : i32
      %run_scoped3A = arith.constant 0 : i32
      "tpu.region"() ({
        %run_scoped3A_135 = tpu.sem_alloc : memref<!tpu.dma_semaphore, #tpu.memory_space<semaphore_mem>>
        %dma_start3A_136 = arith.constant 0 : i32
        %dma_start3A_137 = arith.constant 0 : i32
        %dma_start3A_138 = tpu.memref_slice %arg5[%dma_start3A_136, %dma_start3A_137] : memref<79x128xi32, #tpu.memory_space<vmem>> -> memref<79x128xi32, #tpu.memory_space<vmem>>
        %dma_start3A_139 = arith.constant 0 : i32
        %dma_start3A_140 = tpu.memref_slice %arg2[%run_scoped3A, %mul3A_19, %dma_start3A_139] : memref<2x2500x128xi32, #tpu.memory_space<hbm>> -> memref<1x79x128xi32, #tpu.memory_space<hbm>>
        %dma_start3A_141 = tpu.memref_squeeze %dma_start3A_140 : memref<1x79x128xi32, #tpu.memory_space<hbm>> -> memref<79x128xi32, #tpu.memory_space<hbm>>
        %dma_start3A_142 = arith.constant 0 : i32
        %dma_start3A_143 = arith.constant 0 : i32
        %dma_start3A_144 = tpu.memref_slice %arg5[%dma_start3A_142, %dma_start3A_143] : memref<79x128xi32, #tpu.memory_space<vmem>> -> memref<79x128xi32, #tpu.memory_space<vmem>>
        %dma_start3A_145 = arith.constant 0 : i32
        %dma_start3A_146 = tpu.memref_slice %arg2[%run_scoped3A, %mul3A_19, %dma_start3A_145] : memref<2x2500x128xi32, #tpu.memory_space<hbm>> -> memref<1x79x128xi32, #tpu.memory_space<hbm>>
        %dma_start3A_147 = tpu.memref_squeeze %dma_start3A_146 : memref<1x79x128xi32, #tpu.memory_space<hbm>> -> memref<79x128xi32, #tpu.memory_space<hbm>>
        tpu.enqueue_dma source(%dma_start3A_147 : memref<79x128xi32, #tpu.memory_space<hbm>>) target(%dma_start3A_144 : memref<79x128xi32, #tpu.memory_space<vmem>>) target_semaphore(%run_scoped3A_135 : memref<!tpu.dma_semaphore, #tpu.memory_space<semaphore_mem>>)
        %dma_wait3A_148 = arith.constant 0 : i32
        %dma_wait3A_149 = arith.constant 0 : i32
        %dma_wait3A_150 = tpu.memref_slice %arg5[%dma_wait3A_148, %dma_wait3A_149] : memref<79x128xi32, #tpu.memory_space<vmem>> -> memref<79x128xi32, #tpu.memory_space<vmem>>
        %dma_wait3A_151 = arith.constant 0 : i32
        %dma_wait3A_152 = tpu.memref_slice %arg2[%run_scoped3A, %mul3A_19, %dma_wait3A_151] : memref<2x2500x128xi32, #tpu.memory_space<hbm>> -> memref<1x79x128xi32, #tpu.memory_space<hbm>>
        %dma_wait3A_153 = tpu.memref_squeeze %dma_wait3A_152 : memref<1x79x128xi32, #tpu.memory_space<hbm>> -> memref<79x128xi32, #tpu.memory_space<hbm>>
        %dma_wait3A_154 = arith.constant 0 : i32
        %dma_wait3A_155 = arith.constant 0 : i32
        %dma_wait3A_156 = tpu.memref_slice %arg5[%dma_wait3A_154, %dma_wait3A_155] : memref<79x128xi32, #tpu.memory_space<vmem>> -> memref<79x128xi32, #tpu.memory_space<vmem>>
        %dma_wait3A_157 = arith.constant 0 : i32
        %dma_wait3A_158 = tpu.memref_slice %arg2[%run_scoped3A, %mul3A_19, %dma_wait3A_157] : memref<2x2500x128xi32, #tpu.memory_space<hbm>> -> memref<1x79x128xi32, #tpu.memory_space<hbm>>
        %dma_wait3A_159 = tpu.memref_squeeze %dma_wait3A_158 : memref<1x79x128xi32, #tpu.memory_space<hbm>> -> memref<79x128xi32, #tpu.memory_space<hbm>>
        tpu.wait_dma2 semaphore(%run_scoped3A_135 : memref<!tpu.dma_semaphore, #tpu.memory_space<semaphore_mem>>) src(%dma_wait3A_159 : memref<79x128xi32, #tpu.memory_space<hbm>>) dst(%dma_wait3A_156 : memref<79x128xi32, #tpu.memory_space<vmem>>)
        tpu.yield
      }) : () -> ()
      %run_scoped3A_20 = arith.constant 1 : i32
      "tpu.region"() ({
        %run_scoped3A_135 = tpu.sem_alloc : memref<!tpu.dma_semaphore, #tpu.memory_space<semaphore_mem>>
        %dma_start3A_136 = arith.constant 0 : i32
        %dma_start3A_137 = arith.constant 0 : i32
        %dma_start3A_138 = tpu.memref_slice %arg6[%dma_start3A_136, %dma_start3A_137] : memref<79x128xi32, #tpu.memory_space<vmem>> -> memref<79x128xi32, #tpu.memory_space<vmem>>
        %dma_start3A_139 = arith.constant 0 : i32
        %dma_start3A_140 = tpu.memref_slice %arg2[%run_scoped3A_20, %mul3A_19, %dma_start3A_139] : memref<2x2500x128xi32, #tpu.memory_space<hbm>> -> memref<1x79x128xi32, #tpu.memory_space<hbm>>
        %dma_start3A_141 = tpu.memref_squeeze %dma_start3A_140 : memref<1x79x128xi32, #tpu.memory_space<hbm>> -> memref<79x128xi32, #tpu.memory_space<hbm>>
        %dma_start3A_142 = arith.constant 0 : i32
        %dma_start3A_143 = arith.constant 0 : i32
        %dma_start3A_144 = tpu.memref_slice %arg6[%dma_start3A_142, %dma_start3A_143] : memref<79x128xi32, #tpu.memory_space<vmem>> -> memref<79x128xi32, #tpu.memory_space<vmem>>
        %dma_start3A_145 = arith.constant 0 : i32
        %dma_start3A_146 = tpu.memref_slice %arg2[%run_scoped3A_20, %mul3A_19, %dma_start3A_145] : memref<2x2500x128xi32, #tpu.memory_space<hbm>> -> memref<1x79x128xi32, #tpu.memory_space<hbm>>
        %dma_start3A_147 = tpu.memref_squeeze %dma_start3A_146 : memref<1x79x128xi32, #tpu.memory_space<hbm>> -> memref<79x128xi32, #tpu.memory_space<hbm>>
        tpu.enqueue_dma source(%dma_start3A_147 : memref<79x128xi32, #tpu.memory_space<hbm>>) target(%dma_start3A_144 : memref<79x128xi32, #tpu.memory_space<vmem>>) target_semaphore(%run_scoped3A_135 : memref<!tpu.dma_semaphore, #tpu.memory_space<semaphore_mem>>)
        %dma_wait3A_148 = arith.constant 0 : i32
        %dma_wait3A_149 = arith.constant 0 : i32
        %dma_wait3A_150 = tpu.memref_slice %arg6[%dma_wait3A_148, %dma_wait3A_149] : memref<79x128xi32, #tpu.memory_space<vmem>> -> memref<79x128xi32, #tpu.memory_space<vmem>>
        %dma_wait3A_151 = arith.constant 0 : i32
        %dma_wait3A_152 = tpu.memref_slice %arg2[%run_scoped3A_20, %mul3A_19, %dma_wait3A_151] : memref<2x2500x128xi32, #tpu.memory_space<hbm>> -> memref<1x79x128xi32, #tpu.memory_space<hbm>>
        %dma_wait3A_153 = tpu.memref_squeeze %dma_wait3A_152 : memref<1x79x128xi32, #tpu.memory_space<hbm>> -> memref<79x128xi32, #tpu.memory_space<hbm>>
        %dma_wait3A_154 = arith.constant 0 : i32
        %dma_wait3A_155 = arith.constant 0 : i32
        %dma_wait3A_156 = tpu.memref_slice %arg6[%dma_wait3A_154, %dma_wait3A_155] : memref<79x128xi32, #tpu.memory_space<vmem>> -> memref<79x128xi32, #tpu.memory_space<vmem>>
        %dma_wait3A_157 = arith.constant 0 : i32
        %dma_wait3A_158 = tpu.memref_slice %arg2[%run_scoped3A_20, %mul3A_19, %dma_wait3A_157] : memref<2x2500x128xi32, #tpu.memory_space<hbm>> -> memref<1x79x128xi32, #tpu.memory_space<hbm>>
        %dma_wait3A_159 = tpu.memref_squeeze %dma_wait3A_158 : memref<1x79x128xi32, #tpu.memory_space<hbm>> -> memref<79x128xi32, #tpu.memory_space<hbm>>
        tpu.wait_dma2 semaphore(%run_scoped3A_135 : memref<!tpu.dma_semaphore, #tpu.memory_space<semaphore_mem>>) src(%dma_wait3A_159 : memref<79x128xi32, #tpu.memory_space<hbm>>) dst(%dma_wait3A_156 : memref<79x128xi32, #tpu.memory_space<vmem>>)
        tpu.yield
      }) : () -> ()
      %scan3A_21 = arith.constant 0 : i32
      %scan3A_22 = arith.constant 0 : i32
      %scan3A_23 = arith.constant 39 : i32
      %scan3A_24 = arith.addi %scan3A_22, %scan3A_23 : i32
      %scan3A_25 = arith.constant 1 : i32
      %scan3A_26 = scf.for %scan3A_135 = %scan3A_22 to %scan3A_24 step %scan3A_25 iter_args(%scan3A_136 = %scan3A_21) -> (i32)  : i32 {
        %mul3A_137 = arith.constant 2 : i32
        %mul3A_138 = arith.muli %scan3A_135, %mul3A_137 : i32
        %add3A_139 = arith.constant 0 : i32
        %add3A_140 = arith.addi %mul3A_138, %add3A_139 : i32
        %ge3A_141 = arith.constant 2 : i32
        %ge3A_142 = arith.cmpi sge, %add3A_140, %ge3A_141 : i32
        %convert_element_type3A_143 = arith.extui %ge3A_142 : i1 to i32
        %cond3A_144 = arith.constant 0 : i32
        %cond3A_145 = arith.cmpi ne, %convert_element_type3A_143, %cond3A_144 : i32
        scf.if %cond3A_145 {
          %sub3A = arith.constant 2 : i32
          %sub3A_302 = arith.subi %add3A_140, %sub3A : i32
          %dma_wait3A_303 = arith.constant 0 : i32
          %dma_wait3A_304 = arith.constant 0 : i32
          %dma_wait3A_305 = tpu.memref_slice %arg8[%dma_wait3A_303, %dma_wait3A_304] : memref<2x128xf32, #tpu.memory_space<vmem>> -> memref<1x128xf32, #tpu.memory_space<vmem>>
          %dma_wait3A_306 = tpu.memref_squeeze %dma_wait3A_305 : memref<1x128xf32, #tpu.memory_space<vmem>> -> memref<128xf32, #tpu.memory_space<vmem>>
          %dma_wait3A_307 = arith.constant 0 : i32
          %dma_wait3A_308 = tpu.memref_slice %arg6[%sub3A_302, %dma_wait3A_307] : memref<79x128xi32, #tpu.memory_space<vmem>> -> memref<1x128xi32, #tpu.memory_space<vmem>>
          %dma_wait3A_309 = tpu.memref_squeeze %dma_wait3A_308 : memref<1x128xi32, #tpu.memory_space<vmem>> -> memref<128xi32, #tpu.memory_space<vmem>>
          %dma_wait3A_310 = arith.constant 0 : i32
          %dma_wait3A_311 = tpu.memref_slice %arg10[%dma_wait3A_310] : memref<10240xf32, #tpu.memory_space<vmem_shared>> -> memref<10240xf32, #tpu.memory_space<vmem_shared>>
          tpu.wait_indirect_dma semaphore(%arg11 : memref<!tpu.dma_semaphore, #tpu.memory_space<semaphore_mem>>) src(%dma_wait3A_306 : memref<128xf32, #tpu.memory_space<vmem>>) dst(%dma_wait3A_311 : memref<10240xf32, #tpu.memory_space<vmem_shared>>)
        } else {
        }
        %get3A_146 = arith.index_cast %add3A_140 : i32 to index
        %get3A_147 = arith.constant 0 : index
        %get3A_148 = tpu.vector_load %arg5[%get3A_146, %get3A_147] {strides = array<i32>} : memref<79x128xi32, #tpu.memory_space<vmem>>, vector<16xi32>,
        %gather3A_149 = tpu.vector_load_idx %arg7[%get3A_148] : memref<10000xf32, #tpu.memory_space<vmem>>[vector<16xi32>], vector<16xf32>,
        %swap3A_150 = arith.constant 0 : i32
        %swap3A_151 = arith.index_cast %swap3A_150 : i32 to index
        %swap3A_152 = arith.constant 0 : index
        %swap3A_153 = tpu.vector_load %arg8[%swap3A_151, %swap3A_152] {strides = array<i32>} : memref<2x128xf32, #tpu.memory_space<vmem>>, vector<16xf32>,
        tpu.vector_store %arg8[%swap3A_151, %swap3A_152], %gather3A_149 {strides = array<i32>} : memref<2x128xf32, #tpu.memory_space<vmem>>, vector<16xf32>,
        %get3A_154 = arith.index_cast %add3A_140 : i32 to index
        %get3A_155 = arith.constant 16 : index
        %get3A_156 = tpu.vector_load %arg5[%get3A_154, %get3A_155] {strides = array<i32>} : memref<79x128xi32, #tpu.memory_space<vmem>>, vector<16xi32>,
        %gather3A_157 = tpu.vector_load_idx %arg7[%get3A_156] : memref<10000xf32, #tpu.memory_space<vmem>>[vector<16xi32>], vector<16xf32>,
        %swap3A_158 = arith.constant 0 : i32
        %swap3A_159 = arith.index_cast %swap3A_158 : i32 to index
        %swap3A_160 = arith.constant 16 : index
        %swap3A_161 = tpu.vector_load %arg8[%swap3A_159, %swap3A_160] {strides = array<i32>} : memref<2x128xf32, #tpu.memory_space<vmem>>, vector<16xf32>,
        tpu.vector_store %arg8[%swap3A_159, %swap3A_160], %gather3A_157 {strides = array<i32>} : memref<2x128xf32, #tpu.memory_space<vmem>>, vector<16xf32>,
        %get3A_162 = arith.index_cast %add3A_140 : i32 to index
        %get3A_163 = arith.constant 32 : index
        %get3A_164 = tpu.vector_load %arg5[%get3A_162, %get3A_163] {strides = array<i32>} : memref<79x128xi32, #tpu.memory_space<vmem>>, vector<16xi32>,
        %gather3A_165 = tpu.vector_load_idx %arg7[%get3A_164] : memref<10000xf32, #tpu.memory_space<vmem>>[vector<16xi32>], vector<16xf32>,
        %swap3A_166 = arith.constant 0 : i32
        %swap3A_167 = arith.index_cast %swap3A_166 : i32 to index
        %swap3A_168 = arith.constant 32 : index
        %swap3A_169 = tpu.vector_load %arg8[%swap3A_167, %swap3A_168] {strides = array<i32>} : memref<2x128xf32, #tpu.memory_space<vmem>>, vector<16xf32>,
        tpu.vector_store %arg8[%swap3A_167, %swap3A_168], %gather3A_165 {strides = array<i32>} : memref<2x128xf32, #tpu.memory_space<vmem>>, vector<16xf32>,
        %get3A_170 = arith.index_cast %add3A_140 : i32 to index
        %get3A_171 = arith.constant 48 : index
        %get3A_172 = tpu.vector_load %arg5[%get3A_170, %get3A_171] {strides = array<i32>} : memref<79x128xi32, #tpu.memory_space<vmem>>, vector<16xi32>,
        %gather3A_173 = tpu.vector_load_idx %arg7[%get3A_172] : memref<10000xf32, #tpu.memory_space<vmem>>[vector<16xi32>], vector<16xf32>,
        %swap3A_174 = arith.constant 0 : i32
        %swap3A_175 = arith.index_cast %swap3A_174 : i32 to index
        %swap3A_176 = arith.constant 48 : index
        %swap3A_177 = tpu.vector_load %arg8[%swap3A_175, %swap3A_176] {strides = array<i32>} : memref<2x128xf32, #tpu.memory_space<vmem>>, vector<16xf32>,
        tpu.vector_store %arg8[%swap3A_175, %swap3A_176], %gather3A_173 {strides = array<i32>} : memref<2x128xf32, #tpu.memory_space<vmem>>, vector<16xf32>,
        %get3A_178 = arith.index_cast %add3A_140 : i32 to index
        %get3A_179 = arith.constant 64 : index
        %get3A_180 = tpu.vector_load %arg5[%get3A_178, %get3A_179] {strides = array<i32>} : memref<79x128xi32, #tpu.memory_space<vmem>>, vector<16xi32>,
        %gather3A_181 = tpu.vector_load_idx %arg7[%get3A_180] : memref<10000xf32, #tpu.memory_space<vmem>>[vector<16xi32>], vector<16xf32>,
        %swap3A_182 = arith.constant 0 : i32
        %swap3A_183 = arith.index_cast %swap3A_182 : i32 to index
        %swap3A_184 = arith.constant 64 : index
        %swap3A_185 = tpu.vector_load %arg8[%swap3A_183, %swap3A_184] {strides = array<i32>} : memref<2x128xf32, #tpu.memory_space<vmem>>, vector<16xf32>,
        tpu.vector_store %arg8[%swap3A_183, %swap3A_184], %gather3A_181 {strides = array<i32>} : memref<2x128xf32, #tpu.memory_space<vmem>>, vector<16xf32>,
        %get3A_186 = arith.index_cast %add3A_140 : i32 to index
        %get3A_187 = arith.constant 80 : index
        %get3A_188 = tpu.vector_load %arg5[%get3A_186, %get3A_187] {strides = array<i32>} : memref<79x128xi32, #tpu.memory_space<vmem>>, vector<16xi32>,
        %gather3A_189 = tpu.vector_load_idx %arg7[%get3A_188] : memref<10000xf32, #tpu.memory_space<vmem>>[vector<16xi32>], vector<16xf32>,
        %swap3A_190 = arith.constant 0 : i32
        %swap3A_191 = arith.index_cast %swap3A_190 : i32 to index
        %swap3A_192 = arith.constant 80 : index
        %swap3A_193 = tpu.vector_load %arg8[%swap3A_191, %swap3A_192] {strides = array<i32>} : memref<2x128xf32, #tpu.memory_space<vmem>>, vector<16xf32>,
        tpu.vector_store %arg8[%swap3A_191, %swap3A_192], %gather3A_189 {strides = array<i32>} : memref<2x128xf32, #tpu.memory_space<vmem>>, vector<16xf32>,
        %get3A_194 = arith.index_cast %add3A_140 : i32 to index
        %get3A_195 = arith.constant 96 : index
        %get3A_196 = tpu.vector_load %arg5[%get3A_194, %get3A_195] {strides = array<i32>} : memref<79x128xi32, #tpu.memory_space<vmem>>, vector<16xi32>,
        %gather3A_197 = tpu.vector_load_idx %arg7[%get3A_196] : memref<10000xf32, #tpu.memory_space<vmem>>[vector<16xi32>], vector<16xf32>,
        %swap3A_198 = arith.constant 0 : i32
        %swap3A_199 = arith.index_cast %swap3A_198 : i32 to index
        %swap3A_200 = arith.constant 96 : index
        %swap3A_201 = tpu.vector_load %arg8[%swap3A_199, %swap3A_200] {strides = array<i32>} : memref<2x128xf32, #tpu.memory_space<vmem>>, vector<16xf32>,
        tpu.vector_store %arg8[%swap3A_199, %swap3A_200], %gather3A_197 {strides = array<i32>} : memref<2x128xf32, #tpu.memory_space<vmem>>, vector<16xf32>,
        %get3A_202 = arith.index_cast %add3A_140 : i32 to index
        %get3A_203 = arith.constant 112 : index
        %get3A_204 = tpu.vector_load %arg5[%get3A_202, %get3A_203] {strides = array<i32>} : memref<79x128xi32, #tpu.memory_space<vmem>>, vector<16xi32>,
        %gather3A_205 = tpu.vector_load_idx %arg7[%get3A_204] : memref<10000xf32, #tpu.memory_space<vmem>>[vector<16xi32>], vector<16xf32>,
        %swap3A_206 = arith.constant 0 : i32
        %swap3A_207 = arith.index_cast %swap3A_206 : i32 to index
        %swap3A_208 = arith.constant 112 : index
        %swap3A_209 = tpu.vector_load %arg8[%swap3A_207, %swap3A_208] {strides = array<i32>} : memref<2x128xf32, #tpu.memory_space<vmem>>, vector<16xf32>,
        tpu.vector_store %arg8[%swap3A_207, %swap3A_208], %gather3A_205 {strides = array<i32>} : memref<2x128xf32, #tpu.memory_space<vmem>>, vector<16xf32>,
        %dma_start3A_210 = arith.constant 0 : i32
        %dma_start3A_211 = arith.constant 0 : i32
        %dma_start3A_212 = tpu.memref_slice %arg8[%dma_start3A_210, %dma_start3A_211] : memref<2x128xf32, #tpu.memory_space<vmem>> -> memref<1x128xf32, #tpu.memory_space<vmem>>
        %dma_start3A_213 = tpu.memref_squeeze %dma_start3A_212 : memref<1x128xf32, #tpu.memory_space<vmem>> -> memref<128xf32, #tpu.memory_space<vmem>>
        %dma_start3A_214 = arith.constant 0 : i32
        %dma_start3A_215 = tpu.memref_slice %arg6[%add3A_140, %dma_start3A_214] : memref<79x128xi32, #tpu.memory_space<vmem>> -> memref<1x128xi32, #tpu.memory_space<vmem>>
        %dma_start3A_216 = tpu.memref_squeeze %dma_start3A_215 : memref<1x128xi32, #tpu.memory_space<vmem>> -> memref<128xi32, #tpu.memory_space<vmem>>
        %dma_start3A_217 = arith.constant 0 : i32
        %dma_start3A_218 = tpu.memref_slice %arg10[%dma_start3A_217] : memref<10240xf32, #tpu.memory_space<vmem_shared>> -> memref<10240xf32, #tpu.memory_space<vmem_shared>>
        tpu.enqueue_indirect_dma source(%dma_start3A_213 : memref<128xf32, #tpu.memory_space<vmem>>) target(%dma_start3A_218 : memref<10240xf32, #tpu.memory_space<vmem_shared>>) offsets(%dma_start3A_216 : memref<128xi32, #tpu.memory_space<vmem>>) semaphore(%arg11 : memref<!tpu.dma_semaphore, #tpu.memory_space<semaphore_mem>>) {add = true}
        %mul3A_219 = arith.constant 2 : i32
        %mul3A_220 = arith.muli %scan3A_135, %mul3A_219 : i32
        %add3A_221 = arith.constant 1 : i32
        %add3A_222 = arith.addi %mul3A_220, %add3A_221 : i32
        %ge3A_223 = arith.constant 2 : i32
        %ge3A_224 = arith.cmpi sge, %add3A_222, %ge3A_223 : i32
        %convert_element_type3A_225 = arith.extui %ge3A_224 : i1 to i32
        %cond3A_226 = arith.constant 0 : i32
        %cond3A_227 = arith.cmpi ne, %convert_element_type3A_225, %cond3A_226 : i32
        scf.if %cond3A_227 {
          %sub3A = arith.constant 2 : i32
          %sub3A_302 = arith.subi %add3A_222, %sub3A : i32
          %dma_wait3A_303 = arith.constant 1 : i32
          %dma_wait3A_304 = arith.constant 0 : i32
          %dma_wait3A_305 = tpu.memref_slice %arg8[%dma_wait3A_303, %dma_wait3A_304] : memref<2x128xf32, #tpu.memory_space<vmem>> -> memref<1x128xf32, #tpu.memory_space<vmem>>
          %dma_wait3A_306 = tpu.memref_squeeze %dma_wait3A_305 : memref<1x128xf32, #tpu.memory_space<vmem>> -> memref<128xf32, #tpu.memory_space<vmem>>
          %dma_wait3A_307 = arith.constant 0 : i32
          %dma_wait3A_308 = tpu.memref_slice %arg6[%sub3A_302, %dma_wait3A_307] : memref<79x128xi32, #tpu.memory_space<vmem>> -> memref<1x128xi32, #tpu.memory_space<vmem>>
          %dma_wait3A_309 = tpu.memref_squeeze %dma_wait3A_308 : memref<1x128xi32, #tpu.memory_space<vmem>> -> memref<128xi32, #tpu.memory_space<vmem>>
          %dma_wait3A_310 = arith.constant 0 : i32
          %dma_wait3A_311 = tpu.memref_slice %arg10[%dma_wait3A_310] : memref<10240xf32, #tpu.memory_space<vmem_shared>> -> memref<10240xf32, #tpu.memory_space<vmem_shared>>
          tpu.wait_indirect_dma semaphore(%arg12 : memref<!tpu.dma_semaphore, #tpu.memory_space<semaphore_mem>>) src(%dma_wait3A_306 : memref<128xf32, #tpu.memory_space<vmem>>) dst(%dma_wait3A_311 : memref<10240xf32, #tpu.memory_space<vmem_shared>>)
        } else {
        }
        %get3A_228 = arith.index_cast %add3A_222 : i32 to index
        %get3A_229 = arith.constant 0 : index
        %get3A_230 = tpu.vector_load %arg5[%get3A_228, %get3A_229] {strides = array<i32>} : memref<79x128xi32, #tpu.memory_space<vmem>>, vector<16xi32>,
        %gather3A_231 = tpu.vector_load_idx %arg7[%get3A_230] : memref<10000xf32, #tpu.memory_space<vmem>>[vector<16xi32>], vector<16xf32>,
        %swap3A_232 = arith.constant 1 : i32
        %swap3A_233 = arith.index_cast %swap3A_232 : i32 to index
        %swap3A_234 = arith.constant 0 : index
        %swap3A_235 = tpu.vector_load %arg8[%swap3A_233, %swap3A_234] {strides = array<i32>} : memref<2x128xf32, #tpu.memory_space<vmem>>, vector<16xf32>,
        tpu.vector_store %arg8[%swap3A_233, %swap3A_234], %gather3A_231 {strides = array<i32>} : memref<2x128xf32, #tpu.memory_space<vmem>>, vector<16xf32>,
        %get3A_236 = arith.index_cast %add3A_222 : i32 to index
        %get3A_237 = arith.constant 16 : index
        %get3A_238 = tpu.vector_load %arg5[%get3A_236, %get3A_237] {strides = array<i32>} : memref<79x128xi32, #tpu.memory_space<vmem>>, vector<16xi32>,
        %gather3A_239 = tpu.vector_load_idx %arg7[%get3A_238] : memref<10000xf32, #tpu.memory_space<vmem>>[vector<16xi32>], vector<16xf32>,
        %swap3A_240 = arith.constant 1 : i32
        %swap3A_241 = arith.index_cast %swap3A_240 : i32 to index
        %swap3A_242 = arith.constant 16 : index
        %swap3A_243 = tpu.vector_load %arg8[%swap3A_241, %swap3A_242] {strides = array<i32>} : memref<2x128xf32, #tpu.memory_space<vmem>>, vector<16xf32>,
        tpu.vector_store %arg8[%swap3A_241, %swap3A_242], %gather3A_239 {strides = array<i32>} : memref<2x128xf32, #tpu.memory_space<vmem>>, vector<16xf32>,
        %get3A_244 = arith.index_cast %add3A_222 : i32 to index
        %get3A_245 = arith.constant 32 : index
        %get3A_246 = tpu.vector_load %arg5[%get3A_244, %get3A_245] {strides = array<i32>} : memref<79x128xi32, #tpu.memory_space<vmem>>, vector<16xi32>,
        %gather3A_247 = tpu.vector_load_idx %arg7[%get3A_246] : memref<10000xf32, #tpu.memory_space<vmem>>[vector<16xi32>], vector<16xf32>,
        %swap3A_248 = arith.constant 1 : i32
        %swap3A_249 = arith.index_cast %swap3A_248 : i32 to index
        %swap3A_250 = arith.constant 32 : index
        %swap3A_251 = tpu.vector_load %arg8[%swap3A_249, %swap3A_250] {strides = array<i32>} : memref<2x128xf32, #tpu.memory_space<vmem>>, vector<16xf32>,
        tpu.vector_store %arg8[%swap3A_249, %swap3A_250], %gather3A_247 {strides = array<i32>} : memref<2x128xf32, #tpu.memory_space<vmem>>, vector<16xf32>,
        %get3A_252 = arith.index_cast %add3A_222 : i32 to index
        %get3A_253 = arith.constant 48 : index
        %get3A_254 = tpu.vector_load %arg5[%get3A_252, %get3A_253] {strides = array<i32>} : memref<79x128xi32, #tpu.memory_space<vmem>>, vector<16xi32>,
        %gather3A_255 = tpu.vector_load_idx %arg7[%get3A_254] : memref<10000xf32, #tpu.memory_space<vmem>>[vector<16xi32>], vector<16xf32>,
        %swap3A_256 = arith.constant 1 : i32
        %swap3A_257 = arith.index_cast %swap3A_256 : i32 to index
        %swap3A_258 = arith.constant 48 : index
        %swap3A_259 = tpu.vector_load %arg8[%swap3A_257, %swap3A_258] {strides = array<i32>} : memref<2x128xf32, #tpu.memory_space<vmem>>, vector<16xf32>,
        tpu.vector_store %arg8[%swap3A_257, %swap3A_258], %gather3A_255 {strides = array<i32>} : memref<2x128xf32, #tpu.memory_space<vmem>>, vector<16xf32>,
        %get3A_260 = arith.index_cast %add3A_222 : i32 to index
        %get3A_261 = arith.constant 64 : index
        %get3A_262 = tpu.vector_load %arg5[%get3A_260, %get3A_261] {strides = array<i32>} : memref<79x128xi32, #tpu.memory_space<vmem>>, vector<16xi32>,
        %gather3A_263 = tpu.vector_load_idx %arg7[%get3A_262] : memref<10000xf32, #tpu.memory_space<vmem>>[vector<16xi32>], vector<16xf32>,
        %swap3A_264 = arith.constant 1 : i32
        %swap3A_265 = arith.index_cast %swap3A_264 : i32 to index
        %swap3A_266 = arith.constant 64 : index
        %swap3A_267 = tpu.vector_load %arg8[%swap3A_265, %swap3A_266] {strides = array<i32>} : memref<2x128xf32, #tpu.memory_space<vmem>>, vector<16xf32>,
        tpu.vector_store %arg8[%swap3A_265, %swap3A_266], %gather3A_263 {strides = array<i32>} : memref<2x128xf32, #tpu.memory_space<vmem>>, vector<16xf32>,
        %get3A_268 = arith.index_cast %add3A_222 : i32 to index
        %get3A_269 = arith.constant 80 : index
        %get3A_270 = tpu.vector_load %arg5[%get3A_268, %get3A_269] {strides = array<i32>} : memref<79x128xi32, #tpu.memory_space<vmem>>, vector<16xi32>,
        %gather3A_271 = tpu.vector_load_idx %arg7[%get3A_270] : memref<10000xf32, #tpu.memory_space<vmem>>[vector<16xi32>], vector<16xf32>,
        %swap3A_272 = arith.constant 1 : i32
        %swap3A_273 = arith.index_cast %swap3A_272 : i32 to index
        %swap3A_274 = arith.constant 80 : index
        %swap3A_275 = tpu.vector_load %arg8[%swap3A_273, %swap3A_274] {strides = array<i32>} : memref<2x128xf32, #tpu.memory_space<vmem>>, vector<16xf32>,
        tpu.vector_store %arg8[%swap3A_273, %swap3A_274], %gather3A_271 {strides = array<i32>} : memref<2x128xf32, #tpu.memory_space<vmem>>, vector<16xf32>,
        %get3A_276 = arith.index_cast %add3A_222 : i32 to index
        %get3A_277 = arith.constant 96 : index
        %get3A_278 = tpu.vector_load %arg5[%get3A_276, %get3A_277] {strides = array<i32>} : memref<79x128xi32, #tpu.memory_space<vmem>>, vector<16xi32>,
        %gather3A_279 = tpu.vector_load_idx %arg7[%get3A_278] : memref<10000xf32, #tpu.memory_space<vmem>>[vector<16xi32>], vector<16xf32>,
        %swap3A_280 = arith.constant 1 : i32
        %swap3A_281 = arith.index_cast %swap3A_280 : i32 to index
        %swap3A_282 = arith.constant 96 : index
        %swap3A_283 = tpu.vector_load %arg8[%swap3A_281, %swap3A_282] {strides = array<i32>} : memref<2x128xf32, #tpu.memory_space<vmem>>, vector<16xf32>,
        tpu.vector_store %arg8[%swap3A_281, %swap3A_282], %gather3A_279 {strides = array<i32>} : memref<2x128xf32, #tpu.memory_space<vmem>>, vector<16xf32>,
        %get3A_284 = arith.index_cast %add3A_222 : i32 to index
        %get3A_285 = arith.constant 112 : index
        %get3A_286 = tpu.vector_load %arg5[%get3A_284, %get3A_285] {strides = array<i32>} : memref<79x128xi32, #tpu.memory_space<vmem>>, vector<16xi32>,
        %gather3A_287 = tpu.vector_load_idx %arg7[%get3A_286] : memref<10000xf32, #tpu.memory_space<vmem>>[vector<16xi32>], vector<16xf32>,
        %swap3A_288 = arith.constant 1 : i32
        %swap3A_289 = arith.index_cast %swap3A_288 : i32 to index
        %swap3A_290 = arith.constant 112 : index
        %swap3A_291 = tpu.vector_load %arg8[%swap3A_289, %swap3A_290] {strides = array<i32>} : memref<2x128xf32, #tpu.memory_space<vmem>>, vector<16xf32>,
        tpu.vector_store %arg8[%swap3A_289, %swap3A_290], %gather3A_287 {strides = array<i32>} : memref<2x128xf32, #tpu.memory_space<vmem>>, vector<16xf32>,
        %dma_start3A_292 = arith.constant 1 : i32
        %dma_start3A_293 = arith.constant 0 : i32
        %dma_start3A_294 = tpu.memref_slice %arg8[%dma_start3A_292, %dma_start3A_293] : memref<2x128xf32, #tpu.memory_space<vmem>> -> memref<1x128xf32, #tpu.memory_space<vmem>>
        %dma_start3A_295 = tpu.memref_squeeze %dma_start3A_294 : memref<1x128xf32, #tpu.memory_space<vmem>> -> memref<128xf32, #tpu.memory_space<vmem>>
        %dma_start3A_296 = arith.constant 0 : i32
        %dma_start3A_297 = tpu.memref_slice %arg6[%add3A_222, %dma_start3A_296] : memref<79x128xi32, #tpu.memory_space<vmem>> -> memref<1x128xi32, #tpu.memory_space<vmem>>
        %dma_start3A_298 = tpu.memref_squeeze %dma_start3A_297 : memref<1x128xi32, #tpu.memory_space<vmem>> -> memref<128xi32, #tpu.memory_space<vmem>>
        %dma_start3A_299 = arith.constant 0 : i32
        %dma_start3A_300 = tpu.memref_slice %arg10[%dma_start3A_299] : memref<10240xf32, #tpu.memory_space<vmem_shared>> -> memref<10240xf32, #tpu.memory_space<vmem_shared>>
        tpu.enqueue_indirect_dma source(%dma_start3A_295 : memref<128xf32, #tpu.memory_space<vmem>>) target(%dma_start3A_300 : memref<10240xf32, #tpu.memory_space<vmem_shared>>) offsets(%dma_start3A_298 : memref<128xi32, #tpu.memory_space<vmem>>) semaphore(%arg12 : memref<!tpu.dma_semaphore, #tpu.memory_space<semaphore_mem>>) {add = true}
        %scan3A_301 = arith.constant 0 : i32
        scf.yield %scan3A_301 : i32
      }
      %scan3A_27 = arith.constant 39 : i32
      %dma_wait3A = arith.constant 0 : i32
      %dma_wait3A_28 = arith.constant 76 : i32
      %dma_wait3A_29 = arith.constant 0 : i32
      %dma_wait3A_30 = tpu.memref_slice %arg8[%dma_wait3A, %dma_wait3A_29] : memref<2x128xf32, #tpu.memory_space<vmem>> -> memref<1x128xf32, #tpu.memory_space<vmem>>
      %dma_wait3A_31 = tpu.memref_squeeze %dma_wait3A_30 : memref<1x128xf32, #tpu.memory_space<vmem>> -> memref<128xf32, #tpu.memory_space<vmem>>
      %dma_wait3A_32 = arith.constant 0 : i32
      %dma_wait3A_33 = tpu.memref_slice %arg6[%dma_wait3A_28, %dma_wait3A_32] : memref<79x128xi32, #tpu.memory_space<vmem>> -> memref<1x128xi32, #tpu.memory_space<vmem>>
      %dma_wait3A_34 = tpu.memref_squeeze %dma_wait3A_33 : memref<1x128xi32, #tpu.memory_space<vmem>> -> memref<128xi32, #tpu.memory_space<vmem>>
      %dma_wait3A_35 = arith.constant 0 : i32
      %dma_wait3A_36 = tpu.memref_slice %arg10[%dma_wait3A_35] : memref<10240xf32, #tpu.memory_space<vmem_shared>> -> memref<10240xf32, #tpu.memory_space<vmem_shared>>
      tpu.wait_indirect_dma semaphore(%arg11 : memref<!tpu.dma_semaphore, #tpu.memory_space<semaphore_mem>>) src(%dma_wait3A_31 : memref<128xf32, #tpu.memory_space<vmem>>) dst(%dma_wait3A_36 : memref<10240xf32, #tpu.memory_space<vmem_shared>>)
      %get3A = arith.constant 78 : i32
      %get3A_37 = arith.index_cast %get3A : i32 to index
      %get3A_38 = arith.constant 0 : index
      %get3A_39 = tpu.vector_load %arg5[%get3A_37, %get3A_38] {strides = array<i32>} : memref<79x128xi32, #tpu.memory_space<vmem>>, vector<16xi32>,
      %gather3A = tpu.vector_load_idx %arg7[%get3A_39] : memref<10000xf32, #tpu.memory_space<vmem>>[vector<16xi32>], vector<16xf32>,
      %swap3A = arith.constant 0 : i32
      %swap3A_40 = arith.index_cast %swap3A : i32 to index
      %swap3A_41 = arith.constant 0 : index
      %swap3A_42 = tpu.vector_load %arg8[%swap3A_40, %swap3A_41] {strides = array<i32>} : memref<2x128xf32, #tpu.memory_space<vmem>>, vector<16xf32>,
      tpu.vector_store %arg8[%swap3A_40, %swap3A_41], %gather3A {strides = array<i32>} : memref<2x128xf32, #tpu.memory_space<vmem>>, vector<16xf32>,
      %get3A_43 = arith.constant 78 : i32
      %get3A_44 = arith.index_cast %get3A_43 : i32 to index
      %get3A_45 = arith.constant 16 : index
      %get3A_46 = tpu.vector_load %arg5[%get3A_44, %get3A_45] {strides = array<i32>} : memref<79x128xi32, #tpu.memory_space<vmem>>, vector<16xi32>,
      %gather3A_47 = tpu.vector_load_idx %arg7[%get3A_46] : memref<10000xf32, #tpu.memory_space<vmem>>[vector<16xi32>], vector<16xf32>,
      %swap3A_48 = arith.constant 0 : i32
      %swap3A_49 = arith.index_cast %swap3A_48 : i32 to index
      %swap3A_50 = arith.constant 16 : index
      %swap3A_51 = tpu.vector_load %arg8[%swap3A_49, %swap3A_50] {strides = array<i32>} : memref<2x128xf32, #tpu.memory_space<vmem>>, vector<16xf32>,
      tpu.vector_store %arg8[%swap3A_49, %swap3A_50], %gather3A_47 {strides = array<i32>} : memref<2x128xf32, #tpu.memory_space<vmem>>, vector<16xf32>,
      %get3A_52 = arith.constant 78 : i32
      %get3A_53 = arith.index_cast %get3A_52 : i32 to index
      %get3A_54 = arith.constant 32 : index
      %get3A_55 = tpu.vector_load %arg5[%get3A_53, %get3A_54] {strides = array<i32>} : memref<79x128xi32, #tpu.memory_space<vmem>>, vector<16xi32>,
      %gather3A_56 = tpu.vector_load_idx %arg7[%get3A_55] : memref<10000xf32, #tpu.memory_space<vmem>>[vector<16xi32>], vector<16xf32>,
      %swap3A_57 = arith.constant 0 : i32
      %swap3A_58 = arith.index_cast %swap3A_57 : i32 to index
      %swap3A_59 = arith.constant 32 : index
      %swap3A_60 = tpu.vector_load %arg8[%swap3A_58, %swap3A_59] {strides = array<i32>} : memref<2x128xf32, #tpu.memory_space<vmem>>, vector<16xf32>,
      tpu.vector_store %arg8[%swap3A_58, %swap3A_59], %gather3A_56 {strides = array<i32>} : memref<2x128xf32, #tpu.memory_space<vmem>>, vector<16xf32>,
      %get3A_61 = arith.constant 78 : i32
      %get3A_62 = arith.index_cast %get3A_61 : i32 to index
      %get3A_63 = arith.constant 48 : index
      %get3A_64 = tpu.vector_load %arg5[%get3A_62, %get3A_63] {strides = array<i32>} : memref<79x128xi32, #tpu.memory_space<vmem>>, vector<16xi32>,
      %gather3A_65 = tpu.vector_load_idx %arg7[%get3A_64] : memref<10000xf32, #tpu.memory_space<vmem>>[vector<16xi32>], vector<16xf32>,
      %swap3A_66 = arith.constant 0 : i32
      %swap3A_67 = arith.index_cast %swap3A_66 : i32 to index
      %swap3A_68 = arith.constant 48 : index
      %swap3A_69 = tpu.vector_load %arg8[%swap3A_67, %swap3A_68] {strides = array<i32>} : memref<2x128xf32, #tpu.memory_space<vmem>>, vector<16xf32>,
      tpu.vector_store %arg8[%swap3A_67, %swap3A_68], %gather3A_65 {strides = array<i32>} : memref<2x128xf32, #tpu.memory_space<vmem>>, vector<16xf32>,
      %get3A_70 = arith.constant 78 : i32
      %get3A_71 = arith.index_cast %get3A_70 : i32 to index
      %get3A_72 = arith.constant 64 : index
      %get3A_73 = tpu.vector_load %arg5[%get3A_71, %get3A_72] {strides = array<i32>} : memref<79x128xi32, #tpu.memory_space<vmem>>, vector<16xi32>,
      %gather3A_74 = tpu.vector_load_idx %arg7[%get3A_73] : memref<10000xf32, #tpu.memory_space<vmem>>[vector<16xi32>], vector<16xf32>,
      %swap3A_75 = arith.constant 0 : i32
      %swap3A_76 = arith.index_cast %swap3A_75 : i32 to index
      %swap3A_77 = arith.constant 64 : index
      %swap3A_78 = tpu.vector_load %arg8[%swap3A_76, %swap3A_77] {strides = array<i32>} : memref<2x128xf32, #tpu.memory_space<vmem>>, vector<16xf32>,
      tpu.vector_store %arg8[%swap3A_76, %swap3A_77], %gather3A_74 {strides = array<i32>} : memref<2x128xf32, #tpu.memory_space<vmem>>, vector<16xf32>,
      %get3A_79 = arith.constant 78 : i32
      %get3A_80 = arith.index_cast %get3A_79 : i32 to index
      %get3A_81 = arith.constant 80 : index
      %get3A_82 = tpu.vector_load %arg5[%get3A_80, %get3A_81] {strides = array<i32>} : memref<79x128xi32, #tpu.memory_space<vmem>>, vector<16xi32>,
      %gather3A_83 = tpu.vector_load_idx %arg7[%get3A_82] : memref<10000xf32, #tpu.memory_space<vmem>>[vector<16xi32>], vector<16xf32>,
      %swap3A_84 = arith.constant 0 : i32
      %swap3A_85 = arith.index_cast %swap3A_84 : i32 to index
      %swap3A_86 = arith.constant 80 : index
      %swap3A_87 = tpu.vector_load %arg8[%swap3A_85, %swap3A_86] {strides = array<i32>} : memref<2x128xf32, #tpu.memory_space<vmem>>, vector<16xf32>,
      tpu.vector_store %arg8[%swap3A_85, %swap3A_86], %gather3A_83 {strides = array<i32>} : memref<2x128xf32, #tpu.memory_space<vmem>>, vector<16xf32>,
      %get3A_88 = arith.constant 78 : i32
      %get3A_89 = arith.index_cast %get3A_88 : i32 to index
      %get3A_90 = arith.constant 96 : index
      %get3A_91 = tpu.vector_load %arg5[%get3A_89, %get3A_90] {strides = array<i32>} : memref<79x128xi32, #tpu.memory_space<vmem>>, vector<16xi32>,
      %gather3A_92 = tpu.vector_load_idx %arg7[%get3A_91] : memref<10000xf32, #tpu.memory_space<vmem>>[vector<16xi32>], vector<16xf32>,
      %swap3A_93 = arith.constant 0 : i32
      %swap3A_94 = arith.index_cast %swap3A_93 : i32 to index
      %swap3A_95 = arith.constant 96 : index
      %swap3A_96 = tpu.vector_load %arg8[%swap3A_94, %swap3A_95] {strides = array<i32>} : memref<2x128xf32, #tpu.memory_space<vmem>>, vector<16xf32>,
      tpu.vector_store %arg8[%swap3A_94, %swap3A_95], %gather3A_92 {strides = array<i32>} : memref<2x128xf32, #tpu.memory_space<vmem>>, vector<16xf32>,
      %get3A_97 = arith.constant 78 : i32
      %get3A_98 = arith.index_cast %get3A_97 : i32 to index
      %get3A_99 = arith.constant 112 : index
      %get3A_100 = tpu.vector_load %arg5[%get3A_98, %get3A_99] {strides = array<i32>} : memref<79x128xi32, #tpu.memory_space<vmem>>, vector<16xi32>,
      %gather3A_101 = tpu.vector_load_idx %arg7[%get3A_100] : memref<10000xf32, #tpu.memory_space<vmem>>[vector<16xi32>], vector<16xf32>,
      %swap3A_102 = arith.constant 0 : i32
      %swap3A_103 = arith.index_cast %swap3A_102 : i32 to index
      %swap3A_104 = arith.constant 112 : index
      %swap3A_105 = tpu.vector_load %arg8[%swap3A_103, %swap3A_104] {strides = array<i32>} : memref<2x128xf32, #tpu.memory_space<vmem>>, vector<16xf32>,
      tpu.vector_store %arg8[%swap3A_103, %swap3A_104], %gather3A_101 {strides = array<i32>} : memref<2x128xf32, #tpu.memory_space<vmem>>, vector<16xf32>,
      %dma_start3A = arith.constant 0 : i32
      %dma_start3A_106 = arith.constant 78 : i32
      %dma_start3A_107 = arith.constant 0 : i32
      %dma_start3A_108 = tpu.memref_slice %arg8[%dma_start3A, %dma_start3A_107] : memref<2x128xf32, #tpu.memory_space<vmem>> -> memref<1x128xf32, #tpu.memory_space<vmem>>
      %dma_start3A_109 = tpu.memref_squeeze %dma_start3A_108 : memref<1x128xf32, #tpu.memory_space<vmem>> -> memref<128xf32, #tpu.memory_space<vmem>>
      %dma_start3A_110 = arith.constant 0 : i32
      %dma_start3A_111 = tpu.memref_slice %arg6[%dma_start3A_106, %dma_start3A_110] : memref<79x128xi32, #tpu.memory_space<vmem>> -> memref<1x128xi32, #tpu.memory_space<vmem>>
      %dma_start3A_112 = tpu.memref_squeeze %dma_start3A_111 : memref<1x128xi32, #tpu.memory_space<vmem>> -> memref<128xi32, #tpu.memory_space<vmem>>
      %dma_start3A_113 = arith.constant 0 : i32
      %dma_start3A_114 = tpu.memref_slice %arg10[%dma_start3A_113] : memref<10240xf32, #tpu.memory_space<vmem_shared>> -> memref<10240xf32, #tpu.memory_space<vmem_shared>>
      tpu.enqueue_indirect_dma source(%dma_start3A_109 : memref<128xf32, #tpu.memory_space<vmem>>) target(%dma_start3A_114 : memref<10240xf32, #tpu.memory_space<vmem_shared>>) offsets(%dma_start3A_112 : memref<128xi32, #tpu.memory_space<vmem>>) semaphore(%arg11 : memref<!tpu.dma_semaphore, #tpu.memory_space<semaphore_mem>>) {add = true}
      %dma_wait3A_115 = arith.constant 1 : i32
      %dma_wait3A_116 = arith.constant 77 : i32
      %dma_wait3A_117 = arith.constant 0 : i32
      %dma_wait3A_118 = tpu.memref_slice %arg8[%dma_wait3A_115, %dma_wait3A_117] : memref<2x128xf32, #tpu.memory_space<vmem>> -> memref<1x128xf32, #tpu.memory_space<vmem>>
      %dma_wait3A_119 = tpu.memref_squeeze %dma_wait3A_118 : memref<1x128xf32, #tpu.memory_space<vmem>> -> memref<128xf32, #tpu.memory_space<vmem>>
      %dma_wait3A_120 = arith.constant 0 : i32
      %dma_wait3A_121 = tpu.memref_slice %arg6[%dma_wait3A_116, %dma_wait3A_120] : memref<79x128xi32, #tpu.memory_space<vmem>> -> memref<1x128xi32, #tpu.memory_space<vmem>>
      %dma_wait3A_122 = tpu.memref_squeeze %dma_wait3A_121 : memref<1x128xi32, #tpu.memory_space<vmem>> -> memref<128xi32, #tpu.memory_space<vmem>>
      %dma_wait3A_123 = arith.constant 0 : i32
      %dma_wait3A_124 = tpu.memref_slice %arg10[%dma_wait3A_123] : memref<10240xf32, #tpu.memory_space<vmem_shared>> -> memref<10240xf32, #tpu.memory_space<vmem_shared>>
      tpu.wait_indirect_dma semaphore(%arg12 : memref<!tpu.dma_semaphore, #tpu.memory_space<semaphore_mem>>) src(%dma_wait3A_119 : memref<128xf32, #tpu.memory_space<vmem>>) dst(%dma_wait3A_124 : memref<10240xf32, #tpu.memory_space<vmem_shared>>)
      %dma_wait3A_125 = arith.constant 0 : i32
      %dma_wait3A_126 = arith.constant 78 : i32
      %dma_wait3A_127 = arith.constant 0 : i32
      %dma_wait3A_128 = tpu.memref_slice %arg8[%dma_wait3A_125, %dma_wait3A_127] : memref<2x128xf32, #tpu.memory_space<vmem>> -> memref<1x128xf32, #tpu.memory_space<vmem>>
      %dma_wait3A_129 = tpu.memref_squeeze %dma_wait3A_128 : memref<1x128xf32, #tpu.memory_space<vmem>> -> memref<128xf32, #tpu.memory_space<vmem>>
      %dma_wait3A_130 = arith.constant 0 : i32
      %dma_wait3A_131 = tpu.memref_slice %arg6[%dma_wait3A_126, %dma_wait3A_130] : memref<79x128xi32, #tpu.memory_space<vmem>> -> memref<1x128xi32, #tpu.memory_space<vmem>>
      %dma_wait3A_132 = tpu.memref_squeeze %dma_wait3A_131 : memref<1x128xi32, #tpu.memory_space<vmem>> -> memref<128xi32, #tpu.memory_space<vmem>>
      %dma_wait3A_133 = arith.constant 0 : i32
      %dma_wait3A_134 = tpu.memref_slice %arg10[%dma_wait3A_133] : memref<10240xf32, #tpu.memory_space<vmem_shared>> -> memref<10240xf32, #tpu.memory_space<vmem_shared>>
      tpu.wait_indirect_dma semaphore(%arg11 : memref<!tpu.dma_semaphore, #tpu.memory_space<semaphore_mem>>) src(%dma_wait3A_129 : memref<128xf32, #tpu.memory_space<vmem>>) dst(%dma_wait3A_134 : memref<10240xf32, #tpu.memory_space<vmem_shared>>)
    } else {
    }
    %ge3A = arith.constant 4 : i32
    %ge3A_11 = arith.cmpi sge, %add3A, %ge3A : i32
    %convert_element_type3A_12 = arith.extui %ge3A_11 : i1 to i32
    %cond3A_13 = arith.constant 0 : i32
    %cond3A_14 = arith.cmpi ne, %convert_element_type3A_12, %cond3A_13 : i32
    scf.if %cond3A_14 {
      %mul3A_18 = arith.constant 78 : i32
      %mul3A_19 = arith.muli %mul3A_18, %add3A : i32
      %add3A_20 = arith.constant 4 : i32
      %add3A_21 = arith.addi %mul3A_19, %add3A_20 : i32
      %run_scoped3A = arith.constant 0 : i32
      "tpu.region"() ({
        %run_scoped3A_49 = tpu.sem_alloc : memref<!tpu.dma_semaphore, #tpu.memory_space<semaphore_mem>>
        %dma_start3A = arith.constant 0 : i32
        %dma_start3A_50 = arith.constant 0 : i32
        %dma_start3A_51 = tpu.memref_slice %arg5[%dma_start3A, %dma_start3A_50] : memref<79x128xi32, #tpu.memory_space<vmem>> -> memref<78x128xi32, #tpu.memory_space<vmem>>
        %dma_start3A_52 = arith.constant 0 : i32
        %dma_start3A_53 = tpu.memref_slice %arg2[%run_scoped3A, %add3A_21, %dma_start3A_52] : memref<2x2500x128xi32, #tpu.memory_space<hbm>> -> memref<1x78x128xi32, #tpu.memory_space<hbm>>
        %dma_start3A_54 = tpu.memref_squeeze %dma_start3A_53 : memref<1x78x128xi32, #tpu.memory_space<hbm>> -> memref<78x128xi32, #tpu.memory_space<hbm>>
        %dma_start3A_55 = arith.constant 0 : i32
        %dma_start3A_56 = arith.constant 0 : i32
        %dma_start3A_57 = tpu.memref_slice %arg5[%dma_start3A_55, %dma_start3A_56] : memref<79x128xi32, #tpu.memory_space<vmem>> -> memref<78x128xi32, #tpu.memory_space<vmem>>
        %dma_start3A_58 = arith.constant 0 : i32
        %dma_start3A_59 = tpu.memref_slice %arg2[%run_scoped3A, %add3A_21, %dma_start3A_58] : memref<2x2500x128xi32, #tpu.memory_space<hbm>> -> memref<1x78x128xi32, #tpu.memory_space<hbm>>
        %dma_start3A_60 = tpu.memref_squeeze %dma_start3A_59 : memref<1x78x128xi32, #tpu.memory_space<hbm>> -> memref<78x128xi32, #tpu.memory_space<hbm>>
        tpu.enqueue_dma source(%dma_start3A_60 : memref<78x128xi32, #tpu.memory_space<hbm>>) target(%dma_start3A_57 : memref<78x128xi32, #tpu.memory_space<vmem>>) target_semaphore(%run_scoped3A_49 : memref<!tpu.dma_semaphore, #tpu.memory_space<semaphore_mem>>)
        %dma_wait3A_61 = arith.constant 0 : i32
        %dma_wait3A_62 = arith.constant 0 : i32
        %dma_wait3A_63 = tpu.memref_slice %arg5[%dma_wait3A_61, %dma_wait3A_62] : memref<79x128xi32, #tpu.memory_space<vmem>> -> memref<78x128xi32, #tpu.memory_space<vmem>>
        %dma_wait3A_64 = arith.constant 0 : i32
        %dma_wait3A_65 = tpu.memref_slice %arg2[%run_scoped3A, %add3A_21, %dma_wait3A_64] : memref<2x2500x128xi32, #tpu.memory_space<hbm>> -> memref<1x78x128xi32, #tpu.memory_space<hbm>>
        %dma_wait3A_66 = tpu.memref_squeeze %dma_wait3A_65 : memref<1x78x128xi32, #tpu.memory_space<hbm>> -> memref<78x128xi32, #tpu.memory_space<hbm>>
        %dma_wait3A_67 = arith.constant 0 : i32
        %dma_wait3A_68 = arith.constant 0 : i32
        %dma_wait3A_69 = tpu.memref_slice %arg5[%dma_wait3A_67, %dma_wait3A_68] : memref<79x128xi32, #tpu.memory_space<vmem>> -> memref<78x128xi32, #tpu.memory_space<vmem>>
        %dma_wait3A_70 = arith.constant 0 : i32
        %dma_wait3A_71 = tpu.memref_slice %arg2[%run_scoped3A, %add3A_21, %dma_wait3A_70] : memref<2x2500x128xi32, #tpu.memory_space<hbm>> -> memref<1x78x128xi32, #tpu.memory_space<hbm>>
        %dma_wait3A_72 = tpu.memref_squeeze %dma_wait3A_71 : memref<1x78x128xi32, #tpu.memory_space<hbm>> -> memref<78x128xi32, #tpu.memory_space<hbm>>
        tpu.wait_dma2 semaphore(%run_scoped3A_49 : memref<!tpu.dma_semaphore, #tpu.memory_space<semaphore_mem>>) src(%dma_wait3A_72 : memref<78x128xi32, #tpu.memory_space<hbm>>) dst(%dma_wait3A_69 : memref<78x128xi32, #tpu.memory_space<vmem>>)
        tpu.yield
      }) : () -> ()
      %run_scoped3A_22 = arith.constant 1 : i32
      "tpu.region"() ({
        %run_scoped3A_49 = tpu.sem_alloc : memref<!tpu.dma_semaphore, #tpu.memory_space<semaphore_mem>>
        %dma_start3A = arith.constant 0 : i32
        %dma_start3A_50 = arith.constant 0 : i32
        %dma_start3A_51 = tpu.memref_slice %arg6[%dma_start3A, %dma_start3A_50] : memref<79x128xi32, #tpu.memory_space<vmem>> -> memref<78x128xi32, #tpu.memory_space<vmem>>
        %dma_start3A_52 = arith.constant 0 : i32
        %dma_start3A_53 = tpu.memref_slice %arg2[%run_scoped3A_22, %add3A_21, %dma_start3A_52] : memref<2x2500x128xi32, #tpu.memory_space<hbm>> -> memref<1x78x128xi32, #tpu.memory_space<hbm>>
        %dma_start3A_54 = tpu.memref_squeeze %dma_start3A_53 : memref<1x78x128xi32, #tpu.memory_space<hbm>> -> memref<78x128xi32, #tpu.memory_space<hbm>>
        %dma_start3A_55 = arith.constant 0 : i32
        %dma_start3A_56 = arith.constant 0 : i32
        %dma_start3A_57 = tpu.memref_slice %arg6[%dma_start3A_55, %dma_start3A_56] : memref<79x128xi32, #tpu.memory_space<vmem>> -> memref<78x128xi32, #tpu.memory_space<vmem>>
        %dma_start3A_58 = arith.constant 0 : i32
        %dma_start3A_59 = tpu.memref_slice %arg2[%run_scoped3A_22, %add3A_21, %dma_start3A_58] : memref<2x2500x128xi32, #tpu.memory_space<hbm>> -> memref<1x78x128xi32, #tpu.memory_space<hbm>>
        %dma_start3A_60 = tpu.memref_squeeze %dma_start3A_59 : memref<1x78x128xi32, #tpu.memory_space<hbm>> -> memref<78x128xi32, #tpu.memory_space<hbm>>
        tpu.enqueue_dma source(%dma_start3A_60 : memref<78x128xi32, #tpu.memory_space<hbm>>) target(%dma_start3A_57 : memref<78x128xi32, #tpu.memory_space<vmem>>) target_semaphore(%run_scoped3A_49 : memref<!tpu.dma_semaphore, #tpu.memory_space<semaphore_mem>>)
        %dma_wait3A_61 = arith.constant 0 : i32
        %dma_wait3A_62 = arith.constant 0 : i32
        %dma_wait3A_63 = tpu.memref_slice %arg6[%dma_wait3A_61, %dma_wait3A_62] : memref<79x128xi32, #tpu.memory_space<vmem>> -> memref<78x128xi32, #tpu.memory_space<vmem>>
        %dma_wait3A_64 = arith.constant 0 : i32
        %dma_wait3A_65 = tpu.memref_slice %arg2[%run_scoped3A_22, %add3A_21, %dma_wait3A_64] : memref<2x2500x128xi32, #tpu.memory_space<hbm>> -> memref<1x78x128xi32, #tpu.memory_space<hbm>>
        %dma_wait3A_66 = tpu.memref_squeeze %dma_wait3A_65 : memref<1x78x128xi32, #tpu.memory_space<hbm>> -> memref<78x128xi32, #tpu.memory_space<hbm>>
        %dma_wait3A_67 = arith.constant 0 : i32
        %dma_wait3A_68 = arith.constant 0 : i32
        %dma_wait3A_69 = tpu.memref_slice %arg6[%dma_wait3A_67, %dma_wait3A_68] : memref<79x128xi32, #tpu.memory_space<vmem>> -> memref<78x128xi32, #tpu.memory_space<vmem>>
        %dma_wait3A_70 = arith.constant 0 : i32
        %dma_wait3A_71 = tpu.memref_slice %arg2[%run_scoped3A_22, %add3A_21, %dma_wait3A_70] : memref<2x2500x128xi32, #tpu.memory_space<hbm>> -> memref<1x78x128xi32, #tpu.memory_space<hbm>>
        %dma_wait3A_72 = tpu.memref_squeeze %dma_wait3A_71 : memref<1x78x128xi32, #tpu.memory_space<hbm>> -> memref<78x128xi32, #tpu.memory_space<hbm>>
        tpu.wait_dma2 semaphore(%run_scoped3A_49 : memref<!tpu.dma_semaphore, #tpu.memory_space<semaphore_mem>>) src(%dma_wait3A_72 : memref<78x128xi32, #tpu.memory_space<hbm>>) dst(%dma_wait3A_69 : memref<78x128xi32, #tpu.memory_space<vmem>>)
        tpu.yield
      }) : () -> ()
      %scan3A_23 = arith.constant 0 : i32
      %scan3A_24 = arith.constant 0 : i32
      %scan3A_25 = arith.constant 39 : i32
      %scan3A_26 = arith.addi %scan3A_24, %scan3A_25 : i32
      %scan3A_27 = arith.constant 1 : i32
      %scan3A_28 = scf.for %scan3A_49 = %scan3A_24 to %scan3A_26 step %scan3A_27 iter_args(%scan3A_50 = %scan3A_23) -> (i32)  : i32 {
        %mul3A_51 = arith.constant 2 : i32
        %mul3A_52 = arith.muli %scan3A_49, %mul3A_51 : i32
        %add3A_53 = arith.constant 0 : i32
        %add3A_54 = arith.addi %mul3A_52, %add3A_53 : i32
        %ge3A_55 = arith.constant 2 : i32
        %ge3A_56 = arith.cmpi sge, %add3A_54, %ge3A_55 : i32
        %convert_element_type3A_57 = arith.extui %ge3A_56 : i1 to i32
        %cond3A_58 = arith.constant 0 : i32
        %cond3A_59 = arith.cmpi ne, %convert_element_type3A_57, %cond3A_58 : i32
        scf.if %cond3A_59 {
          %sub3A = arith.constant 2 : i32
          %sub3A_212 = arith.subi %add3A_54, %sub3A : i32
          %dma_wait3A_213 = arith.constant 0 : i32
          %dma_wait3A_214 = arith.constant 0 : i32
          %dma_wait3A_215 = tpu.memref_slice %arg8[%dma_wait3A_213, %dma_wait3A_214] : memref<2x128xf32, #tpu.memory_space<vmem>> -> memref<1x128xf32, #tpu.memory_space<vmem>>
          %dma_wait3A_216 = tpu.memref_squeeze %dma_wait3A_215 : memref<1x128xf32, #tpu.memory_space<vmem>> -> memref<128xf32, #tpu.memory_space<vmem>>
          %dma_wait3A_217 = arith.constant 0 : i32
          %dma_wait3A_218 = tpu.memref_slice %arg6[%sub3A_212, %dma_wait3A_217] : memref<79x128xi32, #tpu.memory_space<vmem>> -> memref<1x128xi32, #tpu.memory_space<vmem>>
          %dma_wait3A_219 = tpu.memref_squeeze %dma_wait3A_218 : memref<1x128xi32, #tpu.memory_space<vmem>> -> memref<128xi32, #tpu.memory_space<vmem>>
          %dma_wait3A_220 = arith.constant 0 : i32
          %dma_wait3A_221 = tpu.memref_slice %arg10[%dma_wait3A_220] : memref<10240xf32, #tpu.memory_space<vmem_shared>> -> memref<10240xf32, #tpu.memory_space<vmem_shared>>
          tpu.wait_indirect_dma semaphore(%arg11 : memref<!tpu.dma_semaphore, #tpu.memory_space<semaphore_mem>>) src(%dma_wait3A_216 : memref<128xf32, #tpu.memory_space<vmem>>) dst(%dma_wait3A_221 : memref<10240xf32, #tpu.memory_space<vmem_shared>>)
        } else {
        }
        %get3A = arith.index_cast %add3A_54 : i32 to index
        %get3A_60 = arith.constant 0 : index
        %get3A_61 = tpu.vector_load %arg5[%get3A, %get3A_60] {strides = array<i32>} : memref<79x128xi32, #tpu.memory_space<vmem>>, vector<16xi32>,
        %gather3A = tpu.vector_load_idx %arg7[%get3A_61] : memref<10000xf32, #tpu.memory_space<vmem>>[vector<16xi32>], vector<16xf32>,
        %swap3A = arith.constant 0 : i32
        %swap3A_62 = arith.index_cast %swap3A : i32 to index
        %swap3A_63 = arith.constant 0 : index
        %swap3A_64 = tpu.vector_load %arg8[%swap3A_62, %swap3A_63] {strides = array<i32>} : memref<2x128xf32, #tpu.memory_space<vmem>>, vector<16xf32>,
        tpu.vector_store %arg8[%swap3A_62, %swap3A_63], %gather3A {strides = array<i32>} : memref<2x128xf32, #tpu.memory_space<vmem>>, vector<16xf32>,
        %get3A_65 = arith.index_cast %add3A_54 : i32 to index
        %get3A_66 = arith.constant 16 : index
        %get3A_67 = tpu.vector_load %arg5[%get3A_65, %get3A_66] {strides = array<i32>} : memref<79x128xi32, #tpu.memory_space<vmem>>, vector<16xi32>,
        %gather3A_68 = tpu.vector_load_idx %arg7[%get3A_67] : memref<10000xf32, #tpu.memory_space<vmem>>[vector<16xi32>], vector<16xf32>,
        %swap3A_69 = arith.constant 0 : i32
        %swap3A_70 = arith.index_cast %swap3A_69 : i32 to index
        %swap3A_71 = arith.constant 16 : index
        %swap3A_72 = tpu.vector_load %arg8[%swap3A_70, %swap3A_71] {strides = array<i32>} : memref<2x128xf32, #tpu.memory_space<vmem>>, vector<16xf32>,
        tpu.vector_store %arg8[%swap3A_70, %swap3A_71], %gather3A_68 {strides = array<i32>} : memref<2x128xf32, #tpu.memory_space<vmem>>, vector<16xf32>,
        %get3A_73 = arith.index_cast %add3A_54 : i32 to index
        %get3A_74 = arith.constant 32 : index
        %get3A_75 = tpu.vector_load %arg5[%get3A_73, %get3A_74] {strides = array<i32>} : memref<79x128xi32, #tpu.memory_space<vmem>>, vector<16xi32>,
        %gather3A_76 = tpu.vector_load_idx %arg7[%get3A_75] : memref<10000xf32, #tpu.memory_space<vmem>>[vector<16xi32>], vector<16xf32>,
        %swap3A_77 = arith.constant 0 : i32
        %swap3A_78 = arith.index_cast %swap3A_77 : i32 to index
        %swap3A_79 = arith.constant 32 : index
        %swap3A_80 = tpu.vector_load %arg8[%swap3A_78, %swap3A_79] {strides = array<i32>} : memref<2x128xf32, #tpu.memory_space<vmem>>, vector<16xf32>,
        tpu.vector_store %arg8[%swap3A_78, %swap3A_79], %gather3A_76 {strides = array<i32>} : memref<2x128xf32, #tpu.memory_space<vmem>>, vector<16xf32>,
        %get3A_81 = arith.index_cast %add3A_54 : i32 to index
        %get3A_82 = arith.constant 48 : index
        %get3A_83 = tpu.vector_load %arg5[%get3A_81, %get3A_82] {strides = array<i32>} : memref<79x128xi32, #tpu.memory_space<vmem>>, vector<16xi32>,
        %gather3A_84 = tpu.vector_load_idx %arg7[%get3A_83] : memref<10000xf32, #tpu.memory_space<vmem>>[vector<16xi32>], vector<16xf32>,
        %swap3A_85 = arith.constant 0 : i32
        %swap3A_86 = arith.index_cast %swap3A_85 : i32 to index
        %swap3A_87 = arith.constant 48 : index
        %swap3A_88 = tpu.vector_load %arg8[%swap3A_86, %swap3A_87] {strides = array<i32>} : memref<2x128xf32, #tpu.memory_space<vmem>>, vector<16xf32>,
        tpu.vector_store %arg8[%swap3A_86, %swap3A_87], %gather3A_84 {strides = array<i32>} : memref<2x128xf32, #tpu.memory_space<vmem>>, vector<16xf32>,
        %get3A_89 = arith.index_cast %add3A_54 : i32 to index
        %get3A_90 = arith.constant 64 : index
        %get3A_91 = tpu.vector_load %arg5[%get3A_89, %get3A_90] {strides = array<i32>} : memref<79x128xi32, #tpu.memory_space<vmem>>, vector<16xi32>,
        %gather3A_92 = tpu.vector_load_idx %arg7[%get3A_91] : memref<10000xf32, #tpu.memory_space<vmem>>[vector<16xi32>], vector<16xf32>,
        %swap3A_93 = arith.constant 0 : i32
        %swap3A_94 = arith.index_cast %swap3A_93 : i32 to index
        %swap3A_95 = arith.constant 64 : index
        %swap3A_96 = tpu.vector_load %arg8[%swap3A_94, %swap3A_95] {strides = array<i32>} : memref<2x128xf32, #tpu.memory_space<vmem>>, vector<16xf32>,
        tpu.vector_store %arg8[%swap3A_94, %swap3A_95], %gather3A_92 {strides = array<i32>} : memref<2x128xf32, #tpu.memory_space<vmem>>, vector<16xf32>,
        %get3A_97 = arith.index_cast %add3A_54 : i32 to index
        %get3A_98 = arith.constant 80 : index
        %get3A_99 = tpu.vector_load %arg5[%get3A_97, %get3A_98] {strides = array<i32>} : memref<79x128xi32, #tpu.memory_space<vmem>>, vector<16xi32>,
        %gather3A_100 = tpu.vector_load_idx %arg7[%get3A_99] : memref<10000xf32, #tpu.memory_space<vmem>>[vector<16xi32>], vector<16xf32>,
        %swap3A_101 = arith.constant 0 : i32
        %swap3A_102 = arith.index_cast %swap3A_101 : i32 to index
        %swap3A_103 = arith.constant 80 : index
        %swap3A_104 = tpu.vector_load %arg8[%swap3A_102, %swap3A_103] {strides = array<i32>} : memref<2x128xf32, #tpu.memory_space<vmem>>, vector<16xf32>,
        tpu.vector_store %arg8[%swap3A_102, %swap3A_103], %gather3A_100 {strides = array<i32>} : memref<2x128xf32, #tpu.memory_space<vmem>>, vector<16xf32>,
        %get3A_105 = arith.index_cast %add3A_54 : i32 to index
        %get3A_106 = arith.constant 96 : index
        %get3A_107 = tpu.vector_load %arg5[%get3A_105, %get3A_106] {strides = array<i32>} : memref<79x128xi32, #tpu.memory_space<vmem>>, vector<16xi32>,
        %gather3A_108 = tpu.vector_load_idx %arg7[%get3A_107] : memref<10000xf32, #tpu.memory_space<vmem>>[vector<16xi32>], vector<16xf32>,
        %swap3A_109 = arith.constant 0 : i32
        %swap3A_110 = arith.index_cast %swap3A_109 : i32 to index
        %swap3A_111 = arith.constant 96 : index
        %swap3A_112 = tpu.vector_load %arg8[%swap3A_110, %swap3A_111] {strides = array<i32>} : memref<2x128xf32, #tpu.memory_space<vmem>>, vector<16xf32>,
        tpu.vector_store %arg8[%swap3A_110, %swap3A_111], %gather3A_108 {strides = array<i32>} : memref<2x128xf32, #tpu.memory_space<vmem>>, vector<16xf32>,
        %get3A_113 = arith.index_cast %add3A_54 : i32 to index
        %get3A_114 = arith.constant 112 : index
        %get3A_115 = tpu.vector_load %arg5[%get3A_113, %get3A_114] {strides = array<i32>} : memref<79x128xi32, #tpu.memory_space<vmem>>, vector<16xi32>,
        %gather3A_116 = tpu.vector_load_idx %arg7[%get3A_115] : memref<10000xf32, #tpu.memory_space<vmem>>[vector<16xi32>], vector<16xf32>,
        %swap3A_117 = arith.constant 0 : i32
        %swap3A_118 = arith.index_cast %swap3A_117 : i32 to index
        %swap3A_119 = arith.constant 112 : index
        %swap3A_120 = tpu.vector_load %arg8[%swap3A_118, %swap3A_119] {strides = array<i32>} : memref<2x128xf32, #tpu.memory_space<vmem>>, vector<16xf32>,
        tpu.vector_store %arg8[%swap3A_118, %swap3A_119], %gather3A_116 {strides = array<i32>} : memref<2x128xf32, #tpu.memory_space<vmem>>, vector<16xf32>,
        %dma_start3A = arith.constant 0 : i32
        %dma_start3A_121 = arith.constant 0 : i32
        %dma_start3A_122 = tpu.memref_slice %arg8[%dma_start3A, %dma_start3A_121] : memref<2x128xf32, #tpu.memory_space<vmem>> -> memref<1x128xf32, #tpu.memory_space<vmem>>
        %dma_start3A_123 = tpu.memref_squeeze %dma_start3A_122 : memref<1x128xf32, #tpu.memory_space<vmem>> -> memref<128xf32, #tpu.memory_space<vmem>>
        %dma_start3A_124 = arith.constant 0 : i32
        %dma_start3A_125 = tpu.memref_slice %arg6[%add3A_54, %dma_start3A_124] : memref<79x128xi32, #tpu.memory_space<vmem>> -> memref<1x128xi32, #tpu.memory_space<vmem>>
        %dma_start3A_126 = tpu.memref_squeeze %dma_start3A_125 : memref<1x128xi32, #tpu.memory_space<vmem>> -> memref<128xi32, #tpu.memory_space<vmem>>
        %dma_start3A_127 = arith.constant 0 : i32
        %dma_start3A_128 = tpu.memref_slice %arg10[%dma_start3A_127] : memref<10240xf32, #tpu.memory_space<vmem_shared>> -> memref<10240xf32, #tpu.memory_space<vmem_shared>>
        tpu.enqueue_indirect_dma source(%dma_start3A_123 : memref<128xf32, #tpu.memory_space<vmem>>) target(%dma_start3A_128 : memref<10240xf32, #tpu.memory_space<vmem_shared>>) offsets(%dma_start3A_126 : memref<128xi32, #tpu.memory_space<vmem>>) semaphore(%arg11 : memref<!tpu.dma_semaphore, #tpu.memory_space<semaphore_mem>>) {add = true}
        %mul3A_129 = arith.constant 2 : i32
        %mul3A_130 = arith.muli %scan3A_49, %mul3A_129 : i32
        %add3A_131 = arith.constant 1 : i32
        %add3A_132 = arith.addi %mul3A_130, %add3A_131 : i32
        %ge3A_133 = arith.constant 2 : i32
        %ge3A_134 = arith.cmpi sge, %add3A_132, %ge3A_133 : i32
        %convert_element_type3A_135 = arith.extui %ge3A_134 : i1 to i32
        %cond3A_136 = arith.constant 0 : i32
        %cond3A_137 = arith.cmpi ne, %convert_element_type3A_135, %cond3A_136 : i32
        scf.if %cond3A_137 {
          %sub3A = arith.constant 2 : i32
          %sub3A_212 = arith.subi %add3A_132, %sub3A : i32
          %dma_wait3A_213 = arith.constant 1 : i32
          %dma_wait3A_214 = arith.constant 0 : i32
          %dma_wait3A_215 = tpu.memref_slice %arg8[%dma_wait3A_213, %dma_wait3A_214] : memref<2x128xf32, #tpu.memory_space<vmem>> -> memref<1x128xf32, #tpu.memory_space<vmem>>
          %dma_wait3A_216 = tpu.memref_squeeze %dma_wait3A_215 : memref<1x128xf32, #tpu.memory_space<vmem>> -> memref<128xf32, #tpu.memory_space<vmem>>
          %dma_wait3A_217 = arith.constant 0 : i32
          %dma_wait3A_218 = tpu.memref_slice %arg6[%sub3A_212, %dma_wait3A_217] : memref<79x128xi32, #tpu.memory_space<vmem>> -> memref<1x128xi32, #tpu.memory_space<vmem>>
          %dma_wait3A_219 = tpu.memref_squeeze %dma_wait3A_218 : memref<1x128xi32, #tpu.memory_space<vmem>> -> memref<128xi32, #tpu.memory_space<vmem>>
          %dma_wait3A_220 = arith.constant 0 : i32
          %dma_wait3A_221 = tpu.memref_slice %arg10[%dma_wait3A_220] : memref<10240xf32, #tpu.memory_space<vmem_shared>> -> memref<10240xf32, #tpu.memory_space<vmem_shared>>
          tpu.wait_indirect_dma semaphore(%arg12 : memref<!tpu.dma_semaphore, #tpu.memory_space<semaphore_mem>>) src(%dma_wait3A_216 : memref<128xf32, #tpu.memory_space<vmem>>) dst(%dma_wait3A_221 : memref<10240xf32, #tpu.memory_space<vmem_shared>>)
        } else {
        }
        %get3A_138 = arith.index_cast %add3A_132 : i32 to index
        %get3A_139 = arith.constant 0 : index
        %get3A_140 = tpu.vector_load %arg5[%get3A_138, %get3A_139] {strides = array<i32>} : memref<79x128xi32, #tpu.memory_space<vmem>>, vector<16xi32>,
        %gather3A_141 = tpu.vector_load_idx %arg7[%get3A_140] : memref<10000xf32, #tpu.memory_space<vmem>>[vector<16xi32>], vector<16xf32>,
        %swap3A_142 = arith.constant 1 : i32
        %swap3A_143 = arith.index_cast %swap3A_142 : i32 to index
        %swap3A_144 = arith.constant 0 : index
        %swap3A_145 = tpu.vector_load %arg8[%swap3A_143, %swap3A_144] {strides = array<i32>} : memref<2x128xf32, #tpu.memory_space<vmem>>, vector<16xf32>,
        tpu.vector_store %arg8[%swap3A_143, %swap3A_144], %gather3A_141 {strides = array<i32>} : memref<2x128xf32, #tpu.memory_space<vmem>>, vector<16xf32>,
        %get3A_146 = arith.index_cast %add3A_132 : i32 to index
        %get3A_147 = arith.constant 16 : index
        %get3A_148 = tpu.vector_load %arg5[%get3A_146, %get3A_147] {strides = array<i32>} : memref<79x128xi32, #tpu.memory_space<vmem>>, vector<16xi32>,
        %gather3A_149 = tpu.vector_load_idx %arg7[%get3A_148] : memref<10000xf32, #tpu.memory_space<vmem>>[vector<16xi32>], vector<16xf32>,
        %swap3A_150 = arith.constant 1 : i32
        %swap3A_151 = arith.index_cast %swap3A_150 : i32 to index
        %swap3A_152 = arith.constant 16 : index
        %swap3A_153 = tpu.vector_load %arg8[%swap3A_151, %swap3A_152] {strides = array<i32>} : memref<2x128xf32, #tpu.memory_space<vmem>>, vector<16xf32>,
        tpu.vector_store %arg8[%swap3A_151, %swap3A_152], %gather3A_149 {strides = array<i32>} : memref<2x128xf32, #tpu.memory_space<vmem>>, vector<16xf32>,
        %get3A_154 = arith.index_cast %add3A_132 : i32 to index
        %get3A_155 = arith.constant 32 : index
        %get3A_156 = tpu.vector_load %arg5[%get3A_154, %get3A_155] {strides = array<i32>} : memref<79x128xi32, #tpu.memory_space<vmem>>, vector<16xi32>,
        %gather3A_157 = tpu.vector_load_idx %arg7[%get3A_156] : memref<10000xf32, #tpu.memory_space<vmem>>[vector<16xi32>], vector<16xf32>,
        %swap3A_158 = arith.constant 1 : i32
        %swap3A_159 = arith.index_cast %swap3A_158 : i32 to index
        %swap3A_160 = arith.constant 32 : index
        %swap3A_161 = tpu.vector_load %arg8[%swap3A_159, %swap3A_160] {strides = array<i32>} : memref<2x128xf32, #tpu.memory_space<vmem>>, vector<16xf32>,
        tpu.vector_store %arg8[%swap3A_159, %swap3A_160], %gather3A_157 {strides = array<i32>} : memref<2x128xf32, #tpu.memory_space<vmem>>, vector<16xf32>,
        %get3A_162 = arith.index_cast %add3A_132 : i32 to index
        %get3A_163 = arith.constant 48 : index
        %get3A_164 = tpu.vector_load %arg5[%get3A_162, %get3A_163] {strides = array<i32>} : memref<79x128xi32, #tpu.memory_space<vmem>>, vector<16xi32>,
        %gather3A_165 = tpu.vector_load_idx %arg7[%get3A_164] : memref<10000xf32, #tpu.memory_space<vmem>>[vector<16xi32>], vector<16xf32>,
        %swap3A_166 = arith.constant 1 : i32
        %swap3A_167 = arith.index_cast %swap3A_166 : i32 to index
        %swap3A_168 = arith.constant 48 : index
        %swap3A_169 = tpu.vector_load %arg8[%swap3A_167, %swap3A_168] {strides = array<i32>} : memref<2x128xf32, #tpu.memory_space<vmem>>, vector<16xf32>,
        tpu.vector_store %arg8[%swap3A_167, %swap3A_168], %gather3A_165 {strides = array<i32>} : memref<2x128xf32, #tpu.memory_space<vmem>>, vector<16xf32>,
        %get3A_170 = arith.index_cast %add3A_132 : i32 to index
        %get3A_171 = arith.constant 64 : index
        %get3A_172 = tpu.vector_load %arg5[%get3A_170, %get3A_171] {strides = array<i32>} : memref<79x128xi32, #tpu.memory_space<vmem>>, vector<16xi32>,
        %gather3A_173 = tpu.vector_load_idx %arg7[%get3A_172] : memref<10000xf32, #tpu.memory_space<vmem>>[vector<16xi32>], vector<16xf32>,
        %swap3A_174 = arith.constant 1 : i32
        %swap3A_175 = arith.index_cast %swap3A_174 : i32 to index
        %swap3A_176 = arith.constant 64 : index
        %swap3A_177 = tpu.vector_load %arg8[%swap3A_175, %swap3A_176] {strides = array<i32>} : memref<2x128xf32, #tpu.memory_space<vmem>>, vector<16xf32>,
        tpu.vector_store %arg8[%swap3A_175, %swap3A_176], %gather3A_173 {strides = array<i32>} : memref<2x128xf32, #tpu.memory_space<vmem>>, vector<16xf32>,
        %get3A_178 = arith.index_cast %add3A_132 : i32 to index
        %get3A_179 = arith.constant 80 : index
        %get3A_180 = tpu.vector_load %arg5[%get3A_178, %get3A_179] {strides = array<i32>} : memref<79x128xi32, #tpu.memory_space<vmem>>, vector<16xi32>,
        %gather3A_181 = tpu.vector_load_idx %arg7[%get3A_180] : memref<10000xf32, #tpu.memory_space<vmem>>[vector<16xi32>], vector<16xf32>,
        %swap3A_182 = arith.constant 1 : i32
        %swap3A_183 = arith.index_cast %swap3A_182 : i32 to index
        %swap3A_184 = arith.constant 80 : index
        %swap3A_185 = tpu.vector_load %arg8[%swap3A_183, %swap3A_184] {strides = array<i32>} : memref<2x128xf32, #tpu.memory_space<vmem>>, vector<16xf32>,
        tpu.vector_store %arg8[%swap3A_183, %swap3A_184], %gather3A_181 {strides = array<i32>} : memref<2x128xf32, #tpu.memory_space<vmem>>, vector<16xf32>,
        %get3A_186 = arith.index_cast %add3A_132 : i32 to index
        %get3A_187 = arith.constant 96 : index
        %get3A_188 = tpu.vector_load %arg5[%get3A_186, %get3A_187] {strides = array<i32>} : memref<79x128xi32, #tpu.memory_space<vmem>>, vector<16xi32>,
        %gather3A_189 = tpu.vector_load_idx %arg7[%get3A_188] : memref<10000xf32, #tpu.memory_space<vmem>>[vector<16xi32>], vector<16xf32>,
        %swap3A_190 = arith.constant 1 : i32
        %swap3A_191 = arith.index_cast %swap3A_190 : i32 to index
        %swap3A_192 = arith.constant 96 : index
        %swap3A_193 = tpu.vector_load %arg8[%swap3A_191, %swap3A_192] {strides = array<i32>} : memref<2x128xf32, #tpu.memory_space<vmem>>, vector<16xf32>,
        tpu.vector_store %arg8[%swap3A_191, %swap3A_192], %gather3A_189 {strides = array<i32>} : memref<2x128xf32, #tpu.memory_space<vmem>>, vector<16xf32>,
        %get3A_194 = arith.index_cast %add3A_132 : i32 to index
        %get3A_195 = arith.constant 112 : index
        %get3A_196 = tpu.vector_load %arg5[%get3A_194, %get3A_195] {strides = array<i32>} : memref<79x128xi32, #tpu.memory_space<vmem>>, vector<16xi32>,
        %gather3A_197 = tpu.vector_load_idx %arg7[%get3A_196] : memref<10000xf32, #tpu.memory_space<vmem>>[vector<16xi32>], vector<16xf32>,
        %swap3A_198 = arith.constant 1 : i32
        %swap3A_199 = arith.index_cast %swap3A_198 : i32 to index
        %swap3A_200 = arith.constant 112 : index
        %swap3A_201 = tpu.vector_load %arg8[%swap3A_199, %swap3A_200] {strides = array<i32>} : memref<2x128xf32, #tpu.memory_space<vmem>>, vector<16xf32>,
        tpu.vector_store %arg8[%swap3A_199, %swap3A_200], %gather3A_197 {strides = array<i32>} : memref<2x128xf32, #tpu.memory_space<vmem>>, vector<16xf32>,
        %dma_start3A_202 = arith.constant 1 : i32
        %dma_start3A_203 = arith.constant 0 : i32
        %dma_start3A_204 = tpu.memref_slice %arg8[%dma_start3A_202, %dma_start3A_203] : memref<2x128xf32, #tpu.memory_space<vmem>> -> memref<1x128xf32, #tpu.memory_space<vmem>>
        %dma_start3A_205 = tpu.memref_squeeze %dma_start3A_204 : memref<1x128xf32, #tpu.memory_space<vmem>> -> memref<128xf32, #tpu.memory_space<vmem>>
        %dma_start3A_206 = arith.constant 0 : i32
        %dma_start3A_207 = tpu.memref_slice %arg6[%add3A_132, %dma_start3A_206] : memref<79x128xi32, #tpu.memory_space<vmem>> -> memref<1x128xi32, #tpu.memory_space<vmem>>
        %dma_start3A_208 = tpu.memref_squeeze %dma_start3A_207 : memref<1x128xi32, #tpu.memory_space<vmem>> -> memref<128xi32, #tpu.memory_space<vmem>>
        %dma_start3A_209 = arith.constant 0 : i32
        %dma_start3A_210 = tpu.memref_slice %arg10[%dma_start3A_209] : memref<10240xf32, #tpu.memory_space<vmem_shared>> -> memref<10240xf32, #tpu.memory_space<vmem_shared>>
        tpu.enqueue_indirect_dma source(%dma_start3A_205 : memref<128xf32, #tpu.memory_space<vmem>>) target(%dma_start3A_210 : memref<10240xf32, #tpu.memory_space<vmem_shared>>) offsets(%dma_start3A_208 : memref<128xi32, #tpu.memory_space<vmem>>) semaphore(%arg12 : memref<!tpu.dma_semaphore, #tpu.memory_space<semaphore_mem>>) {add = true}
        %scan3A_211 = arith.constant 0 : i32
        scf.yield %scan3A_211 : i32
      }
      %scan3A_29 = arith.constant 39 : i32
      %dma_wait3A = arith.constant 0 : i32
      %dma_wait3A_30 = arith.constant 76 : i32
      %dma_wait3A_31 = arith.constant 0 : i32
      %dma_wait3A_32 = tpu.memref_slice %arg8[%dma_wait3A, %dma_wait3A_31] : memref<2x128xf32, #tpu.memory_space<vmem>> -> memref<1x128xf32, #tpu.memory_space<vmem>>
      %dma_wait3A_33 = tpu.memref_squeeze %dma_wait3A_32 : memref<1x128xf32, #tpu.memory_space<vmem>> -> memref<128xf32, #tpu.memory_space<vmem>>
      %dma_wait3A_34 = arith.constant 0 : i32
      %dma_wait3A_35 = tpu.memref_slice %arg6[%dma_wait3A_30, %dma_wait3A_34] : memref<79x128xi32, #tpu.memory_space<vmem>> -> memref<1x128xi32, #tpu.memory_space<vmem>>
      %dma_wait3A_36 = tpu.memref_squeeze %dma_wait3A_35 : memref<1x128xi32, #tpu.memory_space<vmem>> -> memref<128xi32, #tpu.memory_space<vmem>>
      %dma_wait3A_37 = arith.constant 0 : i32
      %dma_wait3A_38 = tpu.memref_slice %arg10[%dma_wait3A_37] : memref<10240xf32, #tpu.memory_space<vmem_shared>> -> memref<10240xf32, #tpu.memory_space<vmem_shared>>
      tpu.wait_indirect_dma semaphore(%arg11 : memref<!tpu.dma_semaphore, #tpu.memory_space<semaphore_mem>>) src(%dma_wait3A_33 : memref<128xf32, #tpu.memory_space<vmem>>) dst(%dma_wait3A_38 : memref<10240xf32, #tpu.memory_space<vmem_shared>>)
      %dma_wait3A_39 = arith.constant 1 : i32
      %dma_wait3A_40 = arith.constant 77 : i32
      %dma_wait3A_41 = arith.constant 0 : i32
      %dma_wait3A_42 = tpu.memref_slice %arg8[%dma_wait3A_39, %dma_wait3A_41] : memref<2x128xf32, #tpu.memory_space<vmem>> -> memref<1x128xf32, #tpu.memory_space<vmem>>
      %dma_wait3A_43 = tpu.memref_squeeze %dma_wait3A_42 : memref<1x128xf32, #tpu.memory_space<vmem>> -> memref<128xf32, #tpu.memory_space<vmem>>
      %dma_wait3A_44 = arith.constant 0 : i32
      %dma_wait3A_45 = tpu.memref_slice %arg6[%dma_wait3A_40, %dma_wait3A_44] : memref<79x128xi32, #tpu.memory_space<vmem>> -> memref<1x128xi32, #tpu.memory_space<vmem>>
      %dma_wait3A_46 = tpu.memref_squeeze %dma_wait3A_45 : memref<1x128xi32, #tpu.memory_space<vmem>> -> memref<128xi32, #tpu.memory_space<vmem>>
      %dma_wait3A_47 = arith.constant 0 : i32
      %dma_wait3A_48 = tpu.memref_slice %arg10[%dma_wait3A_47] : memref<10240xf32, #tpu.memory_space<vmem_shared>> -> memref<10240xf32, #tpu.memory_space<vmem_shared>>
      tpu.wait_indirect_dma semaphore(%arg12 : memref<!tpu.dma_semaphore, #tpu.memory_space<semaphore_mem>>) src(%dma_wait3A_43 : memref<128xf32, #tpu.memory_space<vmem>>) dst(%dma_wait3A_48 : memref<10240xf32, #tpu.memory_space<vmem_shared>>)
    } else {
    }
    %barrier3A_15 = arith.constant 0 : index
    tpu.barrier barrier_id(%barrier3A_15)
    %mul3A_16 = arith.constant 640 : i32
    %mul3A_17 = arith.muli %arg1, %mul3A_16 : i32
    "tpu.region"() ({
      %run_scoped3A = tpu.sem_alloc : memref<!tpu.dma_semaphore, #tpu.memory_space<semaphore_mem>>
      %dma_start3A = tpu.memref_slice %arg4[%arg0, %mul3A_17] : memref<2x10240xf32, #tpu.memory_space<hbm>> -> memref<1x640xf32, #tpu.memory_space<hbm>>
      %dma_start3A_18 = tpu.memref_squeeze %dma_start3A : memref<1x640xf32, #tpu.memory_space<hbm>> -> memref<640xf32, #tpu.memory_space<hbm>>
      %dma_start3A_19 = tpu.memref_slice %arg10[%mul3A_17] : memref<10240xf32, #tpu.memory_space<vmem_shared>> -> memref<640xf32, #tpu.memory_space<vmem_shared>>
      tpu.enqueue_dma source(%dma_start3A_19 : memref<640xf32, #tpu.memory_space<vmem_shared>>) target(%dma_start3A_18 : memref<640xf32, #tpu.memory_space<hbm>>) target_semaphore(%run_scoped3A : memref<!tpu.dma_semaphore, #tpu.memory_space<semaphore_mem>>)
      %dma_wait3A = tpu.memref_slice %arg4[%arg0, %mul3A_17] : memref<2x10240xf32, #tpu.memory_space<hbm>> -> memref<1x640xf32, #tpu.memory_space<hbm>>
      %dma_wait3A_20 = tpu.memref_squeeze %dma_wait3A : memref<1x640xf32, #tpu.memory_space<hbm>> -> memref<640xf32, #tpu.memory_space<hbm>>
      %dma_wait3A_21 = tpu.memref_slice %arg10[%mul3A_17] : memref<10240xf32, #tpu.memory_space<vmem_shared>> -> memref<640xf32, #tpu.memory_space<vmem_shared>>
      tpu.wait_dma2 semaphore(%run_scoped3A : memref<!tpu.dma_semaphore, #tpu.memory_space<semaphore_mem>>) src(%dma_wait3A_21 : memref<640xf32, #tpu.memory_space<vmem_shared>>) dst(%dma_wait3A_20 : memref<640xf32, #tpu.memory_space<hbm>>)
      tpu.yield
    }) : () -> ()
    return
  }
}

#map = affine_map<(d0, d1) -> (0, 0, 0)>
#map1 = affine_map<(d0, d1) -> (0, 0)>
module attributes {stable_mosaic.version = 14 : i64} {
  func.func @_deg_kernel(%arg0: i32, %arg1: i32, %arg2: memref<2x2500x128xi32, #tpu.memory_space<hbm>>, %arg3: memref<2x10240xf32, #tpu.memory_space<hbm>>, %arg4: memref<79x128xi32, #tpu.memory_space<vmem>>, %arg5: memref<128xf32, #tpu.memory_space<vmem>>, %arg6: memref<640xf32, #tpu.memory_space<vmem>>, %arg7: memref<10240xf32, #tpu.memory_space<vmem_shared>>, %arg8: memref<!tpu.dma_semaphore, #tpu.memory_space<semaphore_mem>>, %arg9: memref<!tpu.dma_semaphore, #tpu.memory_space<semaphore_mem>>) attributes {dimension_semantics = [#tpu.dimension_semantics<core_parallel>, #tpu.dimension_semantics<subcore_parallel>], iteration_bounds = array<i64: 2, 16>, scalar_prefetch = 0 : i64, scratch_operands = 6 : i64, tpu.core_type = #tpu.core_type<sc_vector_subcore>, window_params = [{transform_indices = #map}, {transform_indices = #map1}]} {
    %mul3A = arith.constant 16 : i32
    %mul3A_0 = arith.muli %arg0, %mul3A : i32
    %add3A = arith.addi %mul3A_0, %arg1 : i32
    %scan3A = arith.constant 0 : i32
    %scan3A_1 = arith.constant 0 : i32
    %scan3A_2 = arith.constant 8 : i32
    %scan3A_3 = arith.addi %scan3A_1, %scan3A_2 : i32
    %scan3A_4 = arith.constant 1 : i32
    %scan3A_5 = scf.for %scan3A_25 = %scan3A_1 to %scan3A_3 step %scan3A_4 iter_args(%scan3A_26 = %scan3A) -> (i32)  : i32 {
      %broadcast_in_dim3A = arith.constant 1.000000e+00 : f32
      %broadcast_in_dim3A_27 = vector.broadcast %broadcast_in_dim3A : f32 to vector<16xf32>
      %mul3A_28 = arith.constant 16 : i32
      %mul3A_29 = arith.muli %scan3A_25, %mul3A_28 : i32
      %swap3A = arith.index_cast %mul3A_29 : i32 to index
      %swap3A_30 = tpu.vector_load %arg5[%swap3A] {strides = array<i32>} : memref<128xf32, #tpu.memory_space<vmem>>, vector<16xf32>,
      %swap3A_31 = vector.shape_cast %swap3A_30 : vector<16xf32> to vector<16xf32>
      %swap3A_32 = vector.shape_cast %broadcast_in_dim3A_27 : vector<16xf32> to vector<16xf32>
      tpu.vector_store %arg5[%swap3A], %swap3A_32 {strides = array<i32>} : memref<128xf32, #tpu.memory_space<vmem>>, vector<16xf32>,
      %scan3A_33 = arith.constant 0 : i32
      scf.yield %scan3A_33 : i32
    }
    %scan3A_6 = arith.constant 8 : i32
    %scan3A_7 = arith.constant 0 : i32
    %scan3A_8 = arith.constant 0 : i32
    %scan3A_9 = arith.constant 40 : i32
    %scan3A_10 = arith.addi %scan3A_8, %scan3A_9 : i32
    %scan3A_11 = arith.constant 1 : i32
    %scan3A_12 = scf.for %scan3A_25 = %scan3A_8 to %scan3A_10 step %scan3A_11 iter_args(%scan3A_26 = %scan3A_7) -> (i32)  : i32 {
      %broadcast_in_dim3A = arith.constant 0.000000e+00 : f32
      %broadcast_in_dim3A_27 = vector.broadcast %broadcast_in_dim3A : f32 to vector<16xf32>
      %mul3A_28 = arith.constant 16 : i32
      %mul3A_29 = arith.muli %scan3A_25, %mul3A_28 : i32
      %swap3A = arith.index_cast %mul3A_29 : i32 to index
      %swap3A_30 = tpu.vector_load %arg6[%swap3A] {strides = array<i32>} : memref<640xf32, #tpu.memory_space<vmem>>, vector<16xf32>,
      %swap3A_31 = vector.shape_cast %swap3A_30 : vector<16xf32> to vector<16xf32>
      %swap3A_32 = vector.shape_cast %broadcast_in_dim3A_27 : vector<16xf32> to vector<16xf32>
      tpu.vector_store %arg6[%swap3A], %swap3A_32 {strides = array<i32>} : memref<640xf32, #tpu.memory_space<vmem>>, vector<16xf32>,
      %scan3A_33 = arith.constant 0 : i32
      scf.yield %scan3A_33 : i32
    }
    %scan3A_13 = arith.constant 40 : i32
    %mul3A_14 = arith.constant 640 : i32
    %mul3A_15 = arith.muli %arg1, %mul3A_14 : i32
    "tpu.region"() ({
      %run_scoped3A = tpu.sem_alloc : memref<!tpu.dma_semaphore, #tpu.memory_space<semaphore_mem>>
      %dma_start3A = tpu.memref_slice %arg7[%mul3A_15] : memref<10240xf32, #tpu.memory_space<vmem_shared>> -> memref<640xf32, #tpu.memory_space<vmem_shared>>
      %dma_start3A_25 = tpu.memref_slice %arg7[%mul3A_15] : memref<10240xf32, #tpu.memory_space<vmem_shared>> -> memref<640xf32, #tpu.memory_space<vmem_shared>>
      tpu.enqueue_dma source(%arg6 : memref<640xf32, #tpu.memory_space<vmem>>) target(%dma_start3A_25 : memref<640xf32, #tpu.memory_space<vmem_shared>>) target_semaphore(%run_scoped3A : memref<!tpu.dma_semaphore, #tpu.memory_space<semaphore_mem>>)
      %dma_wait3A = tpu.memref_slice %arg7[%mul3A_15] : memref<10240xf32, #tpu.memory_space<vmem_shared>> -> memref<640xf32, #tpu.memory_space<vmem_shared>>
      %dma_wait3A_26 = tpu.memref_slice %arg7[%mul3A_15] : memref<10240xf32, #tpu.memory_space<vmem_shared>> -> memref<640xf32, #tpu.memory_space<vmem_shared>>
      tpu.wait_dma2 semaphore(%run_scoped3A : memref<!tpu.dma_semaphore, #tpu.memory_space<semaphore_mem>>) src(%arg6 : memref<640xf32, #tpu.memory_space<vmem>>) dst(%dma_wait3A_26 : memref<640xf32, #tpu.memory_space<vmem_shared>>)
      tpu.yield
    }) : () -> ()
    %barrier3A = arith.constant 0 : index
    tpu.barrier barrier_id(%barrier3A)
    %lt3A = arith.constant 4 : i32
    %lt3A_16 = arith.cmpi slt, %add3A, %lt3A : i32
    %convert_element_type3A = arith.extui %lt3A_16 : i1 to i32
    %cond3A = arith.constant 0 : i32
    %cond3A_17 = arith.cmpi ne, %convert_element_type3A, %cond3A : i32
    scf.if %cond3A_17 {
      %mul3A_25 = arith.constant 79 : i32
      %mul3A_26 = arith.muli %mul3A_25, %add3A : i32
      %run_scoped3A = arith.constant 1 : i32
      "tpu.region"() ({
        %run_scoped3A_56 = tpu.sem_alloc : memref<!tpu.dma_semaphore, #tpu.memory_space<semaphore_mem>>
        %dma_start3A_57 = arith.constant 0 : i32
        %dma_start3A_58 = arith.constant 0 : i32
        %dma_start3A_59 = tpu.memref_slice %arg4[%dma_start3A_57, %dma_start3A_58] : memref<79x128xi32, #tpu.memory_space<vmem>> -> memref<79x128xi32, #tpu.memory_space<vmem>>
        %dma_start3A_60 = arith.constant 0 : i32
        %dma_start3A_61 = tpu.memref_slice %arg2[%run_scoped3A, %mul3A_26, %dma_start3A_60] : memref<2x2500x128xi32, #tpu.memory_space<hbm>> -> memref<1x79x128xi32, #tpu.memory_space<hbm>>
        %dma_start3A_62 = tpu.memref_squeeze %dma_start3A_61 : memref<1x79x128xi32, #tpu.memory_space<hbm>> -> memref<79x128xi32, #tpu.memory_space<hbm>>
        %dma_start3A_63 = arith.constant 0 : i32
        %dma_start3A_64 = arith.constant 0 : i32
        %dma_start3A_65 = tpu.memref_slice %arg4[%dma_start3A_63, %dma_start3A_64] : memref<79x128xi32, #tpu.memory_space<vmem>> -> memref<79x128xi32, #tpu.memory_space<vmem>>
        %dma_start3A_66 = arith.constant 0 : i32
        %dma_start3A_67 = tpu.memref_slice %arg2[%run_scoped3A, %mul3A_26, %dma_start3A_66] : memref<2x2500x128xi32, #tpu.memory_space<hbm>> -> memref<1x79x128xi32, #tpu.memory_space<hbm>>
        %dma_start3A_68 = tpu.memref_squeeze %dma_start3A_67 : memref<1x79x128xi32, #tpu.memory_space<hbm>> -> memref<79x128xi32, #tpu.memory_space<hbm>>
        tpu.enqueue_dma source(%dma_start3A_68 : memref<79x128xi32, #tpu.memory_space<hbm>>) target(%dma_start3A_65 : memref<79x128xi32, #tpu.memory_space<vmem>>) target_semaphore(%run_scoped3A_56 : memref<!tpu.dma_semaphore, #tpu.memory_space<semaphore_mem>>)
        %dma_wait3A_69 = arith.constant 0 : i32
        %dma_wait3A_70 = arith.constant 0 : i32
        %dma_wait3A_71 = tpu.memref_slice %arg4[%dma_wait3A_69, %dma_wait3A_70] : memref<79x128xi32, #tpu.memory_space<vmem>> -> memref<79x128xi32, #tpu.memory_space<vmem>>
        %dma_wait3A_72 = arith.constant 0 : i32
        %dma_wait3A_73 = tpu.memref_slice %arg2[%run_scoped3A, %mul3A_26, %dma_wait3A_72] : memref<2x2500x128xi32, #tpu.memory_space<hbm>> -> memref<1x79x128xi32, #tpu.memory_space<hbm>>
        %dma_wait3A_74 = tpu.memref_squeeze %dma_wait3A_73 : memref<1x79x128xi32, #tpu.memory_space<hbm>> -> memref<79x128xi32, #tpu.memory_space<hbm>>
        %dma_wait3A_75 = arith.constant 0 : i32
        %dma_wait3A_76 = arith.constant 0 : i32
        %dma_wait3A_77 = tpu.memref_slice %arg4[%dma_wait3A_75, %dma_wait3A_76] : memref<79x128xi32, #tpu.memory_space<vmem>> -> memref<79x128xi32, #tpu.memory_space<vmem>>
        %dma_wait3A_78 = arith.constant 0 : i32
        %dma_wait3A_79 = tpu.memref_slice %arg2[%run_scoped3A, %mul3A_26, %dma_wait3A_78] : memref<2x2500x128xi32, #tpu.memory_space<hbm>> -> memref<1x79x128xi32, #tpu.memory_space<hbm>>
        %dma_wait3A_80 = tpu.memref_squeeze %dma_wait3A_79 : memref<1x79x128xi32, #tpu.memory_space<hbm>> -> memref<79x128xi32, #tpu.memory_space<hbm>>
        tpu.wait_dma2 semaphore(%run_scoped3A_56 : memref<!tpu.dma_semaphore, #tpu.memory_space<semaphore_mem>>) src(%dma_wait3A_80 : memref<79x128xi32, #tpu.memory_space<hbm>>) dst(%dma_wait3A_77 : memref<79x128xi32, #tpu.memory_space<vmem>>)
        tpu.yield
      }) : () -> ()
      %scan3A_27 = arith.constant 0 : i32
      %scan3A_28 = arith.constant 0 : i32
      %scan3A_29 = arith.constant 39 : i32
      %scan3A_30 = arith.addi %scan3A_28, %scan3A_29 : i32
      %scan3A_31 = arith.constant 1 : i32
      %scan3A_32 = scf.for %scan3A_56 = %scan3A_28 to %scan3A_30 step %scan3A_31 iter_args(%scan3A_57 = %scan3A_27) -> (i32)  : i32 {
        %mul3A_58 = arith.constant 2 : i32
        %mul3A_59 = arith.muli %scan3A_56, %mul3A_58 : i32
        %add3A_60 = arith.constant 0 : i32
        %add3A_61 = arith.addi %mul3A_59, %add3A_60 : i32
        %ge3A_62 = arith.constant 2 : i32
        %ge3A_63 = arith.cmpi sge, %add3A_61, %ge3A_62 : i32
        %convert_element_type3A_64 = arith.extui %ge3A_63 : i1 to i32
        %cond3A_65 = arith.constant 0 : i32
        %cond3A_66 = arith.cmpi ne, %convert_element_type3A_64, %cond3A_65 : i32
        scf.if %cond3A_66 {
          %sub3A = arith.constant 2 : i32
          %sub3A_87 = arith.subi %add3A_61, %sub3A : i32
          %dma_wait3A_88 = arith.constant 0 : i32
          %dma_wait3A_89 = tpu.memref_slice %arg4[%sub3A_87, %dma_wait3A_88] : memref<79x128xi32, #tpu.memory_space<vmem>> -> memref<1x128xi32, #tpu.memory_space<vmem>>
          %dma_wait3A_90 = tpu.memref_squeeze %dma_wait3A_89 : memref<1x128xi32, #tpu.memory_space<vmem>> -> memref<128xi32, #tpu.memory_space<vmem>>
          %dma_wait3A_91 = arith.constant 0 : i32
          %dma_wait3A_92 = tpu.memref_slice %arg7[%dma_wait3A_91] : memref<10240xf32, #tpu.memory_space<vmem_shared>> -> memref<10240xf32, #tpu.memory_space<vmem_shared>>
          tpu.wait_indirect_dma semaphore(%arg8 : memref<!tpu.dma_semaphore, #tpu.memory_space<semaphore_mem>>) src(%arg5 : memref<128xf32, #tpu.memory_space<vmem>>) dst(%dma_wait3A_92 : memref<10240xf32, #tpu.memory_space<vmem_shared>>)
        } else {
        }
        %dma_start3A_67 = arith.constant 0 : i32
        %dma_start3A_68 = tpu.memref_slice %arg4[%add3A_61, %dma_start3A_67] : memref<79x128xi32, #tpu.memory_space<vmem>> -> memref<1x128xi32, #tpu.memory_space<vmem>>
        %dma_start3A_69 = tpu.memref_squeeze %dma_start3A_68 : memref<1x128xi32, #tpu.memory_space<vmem>> -> memref<128xi32, #tpu.memory_space<vmem>>
        %dma_start3A_70 = arith.constant 0 : i32
        %dma_start3A_71 = tpu.memref_slice %arg7[%dma_start3A_70] : memref<10240xf32, #tpu.memory_space<vmem_shared>> -> memref<10240xf32, #tpu.memory_space<vmem_shared>>
        tpu.enqueue_indirect_dma source(%arg5 : memref<128xf32, #tpu.memory_space<vmem>>) target(%dma_start3A_71 : memref<10240xf32, #tpu.memory_space<vmem_shared>>) offsets(%dma_start3A_69 : memref<128xi32, #tpu.memory_space<vmem>>) semaphore(%arg8 : memref<!tpu.dma_semaphore, #tpu.memory_space<semaphore_mem>>) {add = true}
        %mul3A_72 = arith.constant 2 : i32
        %mul3A_73 = arith.muli %scan3A_56, %mul3A_72 : i32
        %add3A_74 = arith.constant 1 : i32
        %add3A_75 = arith.addi %mul3A_73, %add3A_74 : i32
        %ge3A_76 = arith.constant 2 : i32
        %ge3A_77 = arith.cmpi sge, %add3A_75, %ge3A_76 : i32
        %convert_element_type3A_78 = arith.extui %ge3A_77 : i1 to i32
        %cond3A_79 = arith.constant 0 : i32
        %cond3A_80 = arith.cmpi ne, %convert_element_type3A_78, %cond3A_79 : i32
        scf.if %cond3A_80 {
          %sub3A = arith.constant 2 : i32
          %sub3A_87 = arith.subi %add3A_75, %sub3A : i32
          %dma_wait3A_88 = arith.constant 0 : i32
          %dma_wait3A_89 = tpu.memref_slice %arg4[%sub3A_87, %dma_wait3A_88] : memref<79x128xi32, #tpu.memory_space<vmem>> -> memref<1x128xi32, #tpu.memory_space<vmem>>
          %dma_wait3A_90 = tpu.memref_squeeze %dma_wait3A_89 : memref<1x128xi32, #tpu.memory_space<vmem>> -> memref<128xi32, #tpu.memory_space<vmem>>
          %dma_wait3A_91 = arith.constant 0 : i32
          %dma_wait3A_92 = tpu.memref_slice %arg7[%dma_wait3A_91] : memref<10240xf32, #tpu.memory_space<vmem_shared>> -> memref<10240xf32, #tpu.memory_space<vmem_shared>>
          tpu.wait_indirect_dma semaphore(%arg9 : memref<!tpu.dma_semaphore, #tpu.memory_space<semaphore_mem>>) src(%arg5 : memref<128xf32, #tpu.memory_space<vmem>>) dst(%dma_wait3A_92 : memref<10240xf32, #tpu.memory_space<vmem_shared>>)
        } else {
        }
        %dma_start3A_81 = arith.constant 0 : i32
        %dma_start3A_82 = tpu.memref_slice %arg4[%add3A_75, %dma_start3A_81] : memref<79x128xi32, #tpu.memory_space<vmem>> -> memref<1x128xi32, #tpu.memory_space<vmem>>
        %dma_start3A_83 = tpu.memref_squeeze %dma_start3A_82 : memref<1x128xi32, #tpu.memory_space<vmem>> -> memref<128xi32, #tpu.memory_space<vmem>>
        %dma_start3A_84 = arith.constant 0 : i32
        %dma_start3A_85 = tpu.memref_slice %arg7[%dma_start3A_84] : memref<10240xf32, #tpu.memory_space<vmem_shared>> -> memref<10240xf32, #tpu.memory_space<vmem_shared>>
        tpu.enqueue_indirect_dma source(%arg5 : memref<128xf32, #tpu.memory_space<vmem>>) target(%dma_start3A_85 : memref<10240xf32, #tpu.memory_space<vmem_shared>>) offsets(%dma_start3A_83 : memref<128xi32, #tpu.memory_space<vmem>>) semaphore(%arg9 : memref<!tpu.dma_semaphore, #tpu.memory_space<semaphore_mem>>) {add = true}
        %scan3A_86 = arith.constant 0 : i32
        scf.yield %scan3A_86 : i32
      }
      %scan3A_33 = arith.constant 39 : i32
      %dma_wait3A = arith.constant 76 : i32
      %dma_wait3A_34 = arith.constant 0 : i32
      %dma_wait3A_35 = tpu.memref_slice %arg4[%dma_wait3A, %dma_wait3A_34] : memref<79x128xi32, #tpu.memory_space<vmem>> -> memref<1x128xi32, #tpu.memory_space<vmem>>
      %dma_wait3A_36 = tpu.memref_squeeze %dma_wait3A_35 : memref<1x128xi32, #tpu.memory_space<vmem>> -> memref<128xi32, #tpu.memory_space<vmem>>
      %dma_wait3A_37 = arith.constant 0 : i32
      %dma_wait3A_38 = tpu.memref_slice %arg7[%dma_wait3A_37] : memref<10240xf32, #tpu.memory_space<vmem_shared>> -> memref<10240xf32, #tpu.memory_space<vmem_shared>>
      tpu.wait_indirect_dma semaphore(%arg8 : memref<!tpu.dma_semaphore, #tpu.memory_space<semaphore_mem>>) src(%arg5 : memref<128xf32, #tpu.memory_space<vmem>>) dst(%dma_wait3A_38 : memref<10240xf32, #tpu.memory_space<vmem_shared>>)
      %dma_start3A = arith.constant 78 : i32
      %dma_start3A_39 = arith.constant 0 : i32
      %dma_start3A_40 = tpu.memref_slice %arg4[%dma_start3A, %dma_start3A_39] : memref<79x128xi32, #tpu.memory_space<vmem>> -> memref<1x128xi32, #tpu.memory_space<vmem>>
      %dma_start3A_41 = tpu.memref_squeeze %dma_start3A_40 : memref<1x128xi32, #tpu.memory_space<vmem>> -> memref<128xi32, #tpu.memory_space<vmem>>
      %dma_start3A_42 = arith.constant 0 : i32
      %dma_start3A_43 = tpu.memref_slice %arg7[%dma_start3A_42] : memref<10240xf32, #tpu.memory_space<vmem_shared>> -> memref<10240xf32, #tpu.memory_space<vmem_shared>>
      tpu.enqueue_indirect_dma source(%arg5 : memref<128xf32, #tpu.memory_space<vmem>>) target(%dma_start3A_43 : memref<10240xf32, #tpu.memory_space<vmem_shared>>) offsets(%dma_start3A_41 : memref<128xi32, #tpu.memory_space<vmem>>) semaphore(%arg8 : memref<!tpu.dma_semaphore, #tpu.memory_space<semaphore_mem>>) {add = true}
      %dma_wait3A_44 = arith.constant 77 : i32
      %dma_wait3A_45 = arith.constant 0 : i32
      %dma_wait3A_46 = tpu.memref_slice %arg4[%dma_wait3A_44, %dma_wait3A_45] : memref<79x128xi32, #tpu.memory_space<vmem>> -> memref<1x128xi32, #tpu.memory_space<vmem>>
      %dma_wait3A_47 = tpu.memref_squeeze %dma_wait3A_46 : memref<1x128xi32, #tpu.memory_space<vmem>> -> memref<128xi32, #tpu.memory_space<vmem>>
      %dma_wait3A_48 = arith.constant 0 : i32
      %dma_wait3A_49 = tpu.memref_slice %arg7[%dma_wait3A_48] : memref<10240xf32, #tpu.memory_space<vmem_shared>> -> memref<10240xf32, #tpu.memory_space<vmem_shared>>
      tpu.wait_indirect_dma semaphore(%arg9 : memref<!tpu.dma_semaphore, #tpu.memory_space<semaphore_mem>>) src(%arg5 : memref<128xf32, #tpu.memory_space<vmem>>) dst(%dma_wait3A_49 : memref<10240xf32, #tpu.memory_space<vmem_shared>>)
      %dma_wait3A_50 = arith.constant 78 : i32
      %dma_wait3A_51 = arith.constant 0 : i32
      %dma_wait3A_52 = tpu.memref_slice %arg4[%dma_wait3A_50, %dma_wait3A_51] : memref<79x128xi32, #tpu.memory_space<vmem>> -> memref<1x128xi32, #tpu.memory_space<vmem>>
      %dma_wait3A_53 = tpu.memref_squeeze %dma_wait3A_52 : memref<1x128xi32, #tpu.memory_space<vmem>> -> memref<128xi32, #tpu.memory_space<vmem>>
      %dma_wait3A_54 = arith.constant 0 : i32
      %dma_wait3A_55 = tpu.memref_slice %arg7[%dma_wait3A_54] : memref<10240xf32, #tpu.memory_space<vmem_shared>> -> memref<10240xf32, #tpu.memory_space<vmem_shared>>
      tpu.wait_indirect_dma semaphore(%arg8 : memref<!tpu.dma_semaphore, #tpu.memory_space<semaphore_mem>>) src(%arg5 : memref<128xf32, #tpu.memory_space<vmem>>) dst(%dma_wait3A_55 : memref<10240xf32, #tpu.memory_space<vmem_shared>>)
    } else {
    }
    %ge3A = arith.constant 4 : i32
    %ge3A_18 = arith.cmpi sge, %add3A, %ge3A : i32
    %convert_element_type3A_19 = arith.extui %ge3A_18 : i1 to i32
    %cond3A_20 = arith.constant 0 : i32
    %cond3A_21 = arith.cmpi ne, %convert_element_type3A_19, %cond3A_20 : i32
    scf.if %cond3A_21 {
      %mul3A_25 = arith.constant 78 : i32
      %mul3A_26 = arith.muli %mul3A_25, %add3A : i32
      %add3A_27 = arith.constant 4 : i32
      %add3A_28 = arith.addi %mul3A_26, %add3A_27 : i32
      %run_scoped3A = arith.constant 1 : i32
      "tpu.region"() ({
        %run_scoped3A_47 = tpu.sem_alloc : memref<!tpu.dma_semaphore, #tpu.memory_space<semaphore_mem>>
        %dma_start3A = arith.constant 0 : i32
        %dma_start3A_48 = arith.constant 0 : i32
        %dma_start3A_49 = tpu.memref_slice %arg4[%dma_start3A, %dma_start3A_48] : memref<79x128xi32, #tpu.memory_space<vmem>> -> memref<78x128xi32, #tpu.memory_space<vmem>>
        %dma_start3A_50 = arith.constant 0 : i32
        %dma_start3A_51 = tpu.memref_slice %arg2[%run_scoped3A, %add3A_28, %dma_start3A_50] : memref<2x2500x128xi32, #tpu.memory_space<hbm>> -> memref<1x78x128xi32, #tpu.memory_space<hbm>>
        %dma_start3A_52 = tpu.memref_squeeze %dma_start3A_51 : memref<1x78x128xi32, #tpu.memory_space<hbm>> -> memref<78x128xi32, #tpu.memory_space<hbm>>
        %dma_start3A_53 = arith.constant 0 : i32
        %dma_start3A_54 = arith.constant 0 : i32
        %dma_start3A_55 = tpu.memref_slice %arg4[%dma_start3A_53, %dma_start3A_54] : memref<79x128xi32, #tpu.memory_space<vmem>> -> memref<78x128xi32, #tpu.memory_space<vmem>>
        %dma_start3A_56 = arith.constant 0 : i32
        %dma_start3A_57 = tpu.memref_slice %arg2[%run_scoped3A, %add3A_28, %dma_start3A_56] : memref<2x2500x128xi32, #tpu.memory_space<hbm>> -> memref<1x78x128xi32, #tpu.memory_space<hbm>>
        %dma_start3A_58 = tpu.memref_squeeze %dma_start3A_57 : memref<1x78x128xi32, #tpu.memory_space<hbm>> -> memref<78x128xi32, #tpu.memory_space<hbm>>
        tpu.enqueue_dma source(%dma_start3A_58 : memref<78x128xi32, #tpu.memory_space<hbm>>) target(%dma_start3A_55 : memref<78x128xi32, #tpu.memory_space<vmem>>) target_semaphore(%run_scoped3A_47 : memref<!tpu.dma_semaphore, #tpu.memory_space<semaphore_mem>>)
        %dma_wait3A_59 = arith.constant 0 : i32
        %dma_wait3A_60 = arith.constant 0 : i32
        %dma_wait3A_61 = tpu.memref_slice %arg4[%dma_wait3A_59, %dma_wait3A_60] : memref<79x128xi32, #tpu.memory_space<vmem>> -> memref<78x128xi32, #tpu.memory_space<vmem>>
        %dma_wait3A_62 = arith.constant 0 : i32
        %dma_wait3A_63 = tpu.memref_slice %arg2[%run_scoped3A, %add3A_28, %dma_wait3A_62] : memref<2x2500x128xi32, #tpu.memory_space<hbm>> -> memref<1x78x128xi32, #tpu.memory_space<hbm>>
        %dma_wait3A_64 = tpu.memref_squeeze %dma_wait3A_63 : memref<1x78x128xi32, #tpu.memory_space<hbm>> -> memref<78x128xi32, #tpu.memory_space<hbm>>
        %dma_wait3A_65 = arith.constant 0 : i32
        %dma_wait3A_66 = arith.constant 0 : i32
        %dma_wait3A_67 = tpu.memref_slice %arg4[%dma_wait3A_65, %dma_wait3A_66] : memref<79x128xi32, #tpu.memory_space<vmem>> -> memref<78x128xi32, #tpu.memory_space<vmem>>
        %dma_wait3A_68 = arith.constant 0 : i32
        %dma_wait3A_69 = tpu.memref_slice %arg2[%run_scoped3A, %add3A_28, %dma_wait3A_68] : memref<2x2500x128xi32, #tpu.memory_space<hbm>> -> memref<1x78x128xi32, #tpu.memory_space<hbm>>
        %dma_wait3A_70 = tpu.memref_squeeze %dma_wait3A_69 : memref<1x78x128xi32, #tpu.memory_space<hbm>> -> memref<78x128xi32, #tpu.memory_space<hbm>>
        tpu.wait_dma2 semaphore(%run_scoped3A_47 : memref<!tpu.dma_semaphore, #tpu.memory_space<semaphore_mem>>) src(%dma_wait3A_70 : memref<78x128xi32, #tpu.memory_space<hbm>>) dst(%dma_wait3A_67 : memref<78x128xi32, #tpu.memory_space<vmem>>)
        tpu.yield
      }) : () -> ()
      %scan3A_29 = arith.constant 0 : i32
      %scan3A_30 = arith.constant 0 : i32
      %scan3A_31 = arith.constant 39 : i32
      %scan3A_32 = arith.addi %scan3A_30, %scan3A_31 : i32
      %scan3A_33 = arith.constant 1 : i32
      %scan3A_34 = scf.for %scan3A_47 = %scan3A_30 to %scan3A_32 step %scan3A_33 iter_args(%scan3A_48 = %scan3A_29) -> (i32)  : i32 {
        %mul3A_49 = arith.constant 2 : i32
        %mul3A_50 = arith.muli %scan3A_47, %mul3A_49 : i32
        %add3A_51 = arith.constant 0 : i32
        %add3A_52 = arith.addi %mul3A_50, %add3A_51 : i32
        %ge3A_53 = arith.constant 2 : i32
        %ge3A_54 = arith.cmpi sge, %add3A_52, %ge3A_53 : i32
        %convert_element_type3A_55 = arith.extui %ge3A_54 : i1 to i32
        %cond3A_56 = arith.constant 0 : i32
        %cond3A_57 = arith.cmpi ne, %convert_element_type3A_55, %cond3A_56 : i32
        scf.if %cond3A_57 {
          %sub3A = arith.constant 2 : i32
          %sub3A_77 = arith.subi %add3A_52, %sub3A : i32
          %dma_wait3A_78 = arith.constant 0 : i32
          %dma_wait3A_79 = tpu.memref_slice %arg4[%sub3A_77, %dma_wait3A_78] : memref<79x128xi32, #tpu.memory_space<vmem>> -> memref<1x128xi32, #tpu.memory_space<vmem>>
          %dma_wait3A_80 = tpu.memref_squeeze %dma_wait3A_79 : memref<1x128xi32, #tpu.memory_space<vmem>> -> memref<128xi32, #tpu.memory_space<vmem>>
          %dma_wait3A_81 = arith.constant 0 : i32
          %dma_wait3A_82 = tpu.memref_slice %arg7[%dma_wait3A_81] : memref<10240xf32, #tpu.memory_space<vmem_shared>> -> memref<10240xf32, #tpu.memory_space<vmem_shared>>
          tpu.wait_indirect_dma semaphore(%arg8 : memref<!tpu.dma_semaphore, #tpu.memory_space<semaphore_mem>>) src(%arg5 : memref<128xf32, #tpu.memory_space<vmem>>) dst(%dma_wait3A_82 : memref<10240xf32, #tpu.memory_space<vmem_shared>>)
        } else {
        }
        %dma_start3A = arith.constant 0 : i32
        %dma_start3A_58 = tpu.memref_slice %arg4[%add3A_52, %dma_start3A] : memref<79x128xi32, #tpu.memory_space<vmem>> -> memref<1x128xi32, #tpu.memory_space<vmem>>
        %dma_start3A_59 = tpu.memref_squeeze %dma_start3A_58 : memref<1x128xi32, #tpu.memory_space<vmem>> -> memref<128xi32, #tpu.memory_space<vmem>>
        %dma_start3A_60 = arith.constant 0 : i32
        %dma_start3A_61 = tpu.memref_slice %arg7[%dma_start3A_60] : memref<10240xf32, #tpu.memory_space<vmem_shared>> -> memref<10240xf32, #tpu.memory_space<vmem_shared>>
        tpu.enqueue_indirect_dma source(%arg5 : memref<128xf32, #tpu.memory_space<vmem>>) target(%dma_start3A_61 : memref<10240xf32, #tpu.memory_space<vmem_shared>>) offsets(%dma_start3A_59 : memref<128xi32, #tpu.memory_space<vmem>>) semaphore(%arg8 : memref<!tpu.dma_semaphore, #tpu.memory_space<semaphore_mem>>) {add = true}
        %mul3A_62 = arith.constant 2 : i32
        %mul3A_63 = arith.muli %scan3A_47, %mul3A_62 : i32
        %add3A_64 = arith.constant 1 : i32
        %add3A_65 = arith.addi %mul3A_63, %add3A_64 : i32
        %ge3A_66 = arith.constant 2 : i32
        %ge3A_67 = arith.cmpi sge, %add3A_65, %ge3A_66 : i32
        %convert_element_type3A_68 = arith.extui %ge3A_67 : i1 to i32
        %cond3A_69 = arith.constant 0 : i32
        %cond3A_70 = arith.cmpi ne, %convert_element_type3A_68, %cond3A_69 : i32
        scf.if %cond3A_70 {
          %sub3A = arith.constant 2 : i32
          %sub3A_77 = arith.subi %add3A_65, %sub3A : i32
          %dma_wait3A_78 = arith.constant 0 : i32
          %dma_wait3A_79 = tpu.memref_slice %arg4[%sub3A_77, %dma_wait3A_78] : memref<79x128xi32, #tpu.memory_space<vmem>> -> memref<1x128xi32, #tpu.memory_space<vmem>>
          %dma_wait3A_80 = tpu.memref_squeeze %dma_wait3A_79 : memref<1x128xi32, #tpu.memory_space<vmem>> -> memref<128xi32, #tpu.memory_space<vmem>>
          %dma_wait3A_81 = arith.constant 0 : i32
          %dma_wait3A_82 = tpu.memref_slice %arg7[%dma_wait3A_81] : memref<10240xf32, #tpu.memory_space<vmem_shared>> -> memref<10240xf32, #tpu.memory_space<vmem_shared>>
          tpu.wait_indirect_dma semaphore(%arg9 : memref<!tpu.dma_semaphore, #tpu.memory_space<semaphore_mem>>) src(%arg5 : memref<128xf32, #tpu.memory_space<vmem>>) dst(%dma_wait3A_82 : memref<10240xf32, #tpu.memory_space<vmem_shared>>)
        } else {
        }
        %dma_start3A_71 = arith.constant 0 : i32
        %dma_start3A_72 = tpu.memref_slice %arg4[%add3A_65, %dma_start3A_71] : memref<79x128xi32, #tpu.memory_space<vmem>> -> memref<1x128xi32, #tpu.memory_space<vmem>>
        %dma_start3A_73 = tpu.memref_squeeze %dma_start3A_72 : memref<1x128xi32, #tpu.memory_space<vmem>> -> memref<128xi32, #tpu.memory_space<vmem>>
        %dma_start3A_74 = arith.constant 0 : i32
        %dma_start3A_75 = tpu.memref_slice %arg7[%dma_start3A_74] : memref<10240xf32, #tpu.memory_space<vmem_shared>> -> memref<10240xf32, #tpu.memory_space<vmem_shared>>
        tpu.enqueue_indirect_dma source(%arg5 : memref<128xf32, #tpu.memory_space<vmem>>) target(%dma_start3A_75 : memref<10240xf32, #tpu.memory_space<vmem_shared>>) offsets(%dma_start3A_73 : memref<128xi32, #tpu.memory_space<vmem>>) semaphore(%arg9 : memref<!tpu.dma_semaphore, #tpu.memory_space<semaphore_mem>>) {add = true}
        %scan3A_76 = arith.constant 0 : i32
        scf.yield %scan3A_76 : i32
      }
      %scan3A_35 = arith.constant 39 : i32
      %dma_wait3A = arith.constant 76 : i32
      %dma_wait3A_36 = arith.constant 0 : i32
      %dma_wait3A_37 = tpu.memref_slice %arg4[%dma_wait3A, %dma_wait3A_36] : memref<79x128xi32, #tpu.memory_space<vmem>> -> memref<1x128xi32, #tpu.memory_space<vmem>>
      %dma_wait3A_38 = tpu.memref_squeeze %dma_wait3A_37 : memref<1x128xi32, #tpu.memory_space<vmem>> -> memref<128xi32, #tpu.memory_space<vmem>>
      %dma_wait3A_39 = arith.constant 0 : i32
      %dma_wait3A_40 = tpu.memref_slice %arg7[%dma_wait3A_39] : memref<10240xf32, #tpu.memory_space<vmem_shared>> -> memref<10240xf32, #tpu.memory_space<vmem_shared>>
      tpu.wait_indirect_dma semaphore(%arg8 : memref<!tpu.dma_semaphore, #tpu.memory_space<semaphore_mem>>) src(%arg5 : memref<128xf32, #tpu.memory_space<vmem>>) dst(%dma_wait3A_40 : memref<10240xf32, #tpu.memory_space<vmem_shared>>)
      %dma_wait3A_41 = arith.constant 77 : i32
      %dma_wait3A_42 = arith.constant 0 : i32
      %dma_wait3A_43 = tpu.memref_slice %arg4[%dma_wait3A_41, %dma_wait3A_42] : memref<79x128xi32, #tpu.memory_space<vmem>> -> memref<1x128xi32, #tpu.memory_space<vmem>>
      %dma_wait3A_44 = tpu.memref_squeeze %dma_wait3A_43 : memref<1x128xi32, #tpu.memory_space<vmem>> -> memref<128xi32, #tpu.memory_space<vmem>>
      %dma_wait3A_45 = arith.constant 0 : i32
      %dma_wait3A_46 = tpu.memref_slice %arg7[%dma_wait3A_45] : memref<10240xf32, #tpu.memory_space<vmem_shared>> -> memref<10240xf32, #tpu.memory_space<vmem_shared>>
      tpu.wait_indirect_dma semaphore(%arg9 : memref<!tpu.dma_semaphore, #tpu.memory_space<semaphore_mem>>) src(%arg5 : memref<128xf32, #tpu.memory_space<vmem>>) dst(%dma_wait3A_46 : memref<10240xf32, #tpu.memory_space<vmem_shared>>)
    } else {
    }
    %barrier3A_22 = arith.constant 0 : index
    tpu.barrier barrier_id(%barrier3A_22)
    %mul3A_23 = arith.constant 640 : i32
    %mul3A_24 = arith.muli %arg1, %mul3A_23 : i32
    "tpu.region"() ({
      %run_scoped3A = tpu.sem_alloc : memref<!tpu.dma_semaphore, #tpu.memory_space<semaphore_mem>>
      %dma_start3A = tpu.memref_slice %arg3[%arg0, %mul3A_24] : memref<2x10240xf32, #tpu.memory_space<hbm>> -> memref<1x640xf32, #tpu.memory_space<hbm>>
      %dma_start3A_25 = tpu.memref_squeeze %dma_start3A : memref<1x640xf32, #tpu.memory_space<hbm>> -> memref<640xf32, #tpu.memory_space<hbm>>
      %dma_start3A_26 = tpu.memref_slice %arg7[%mul3A_24] : memref<10240xf32, #tpu.memory_space<vmem_shared>> -> memref<640xf32, #tpu.memory_space<vmem_shared>>
      tpu.enqueue_dma source(%dma_start3A_26 : memref<640xf32, #tpu.memory_space<vmem_shared>>) target(%dma_start3A_25 : memref<640xf32, #tpu.memory_space<hbm>>) target_semaphore(%run_scoped3A : memref<!tpu.dma_semaphore, #tpu.memory_space<semaphore_mem>>)
      %dma_wait3A = tpu.memref_slice %arg3[%arg0, %mul3A_24] : memref<2x10240xf32, #tpu.memory_space<hbm>> -> memref<1x640xf32, #tpu.memory_space<hbm>>
      %dma_wait3A_27 = tpu.memref_squeeze %dma_wait3A : memref<1x640xf32, #tpu.memory_space<hbm>> -> memref<640xf32, #tpu.memory_space<hbm>>
      %dma_wait3A_28 = tpu.memref_slice %arg7[%mul3A_24] : memref<10240xf32, #tpu.memory_space<vmem_shared>> -> memref<640xf32, #tpu.memory_space<vmem_shared>>
      tpu.wait_dma2 semaphore(%run_scoped3A : memref<!tpu.dma_semaphore, #tpu.memory_space<semaphore_mem>>) src(%dma_wait3A_28 : memref<640xf32, #tpu.memory_space<vmem_shared>>) dst(%dma_wait3A_27 : memref<640xf32, #tpu.memory_space<hbm>>)
      tpu.yield
    }) : () -> ()
    return
  }
}

#map = affine_map<(d0, d1) -> (0, 0)>
#map1 = affine_map<(d0, d1) -> (0, 0, 0)>
module attributes {stable_mosaic.version = 14 : i64} {
  func.func @_prop_kernel(%arg0: i32, %arg1: i32, %arg2: memref<2x320000xi32, #tpu.memory_space<hbm>>, %arg3: memref<10000x128xf32, #tpu.memory_space<hbm>>, %arg4: memref<2x10240x128xf32, #tpu.memory_space<hbm>>, %arg5: memref<5120xi32, #tpu.memory_space<vmem>>, %arg6: memref<5120xi32, #tpu.memory_space<vmem>>, %arg7: memref<4x40x128xf32, #tpu.memory_space<vmem>>, %arg8: memref<16x128xf32, #tpu.memory_space<vmem>>, %arg9: memref<10240x128xf32, #tpu.memory_space<vmem_shared>>, %arg10: memref<!tpu.dma_semaphore, #tpu.memory_space<semaphore_mem>>, %arg11: memref<!tpu.dma_semaphore, #tpu.memory_space<semaphore_mem>>, %arg12: memref<!tpu.dma_semaphore, #tpu.memory_space<semaphore_mem>>, %arg13: memref<!tpu.dma_semaphore, #tpu.memory_space<semaphore_mem>>, %arg14: memref<!tpu.dma_semaphore, #tpu.memory_space<semaphore_mem>>, %arg15: memref<!tpu.dma_semaphore, #tpu.memory_space<semaphore_mem>>, %arg16: memref<!tpu.dma_semaphore, #tpu.memory_space<semaphore_mem>>, %arg17: memref<!tpu.dma_semaphore, #tpu.memory_space<semaphore_mem>>) attributes {dimension_semantics = [#tpu.dimension_semantics<core_parallel>, #tpu.dimension_semantics<subcore_parallel>], iteration_bounds = array<i64: 2, 16>, scalar_prefetch = 0 : i64, scratch_operands = 13 : i64, tpu.core_type = #tpu.core_type<sc_vector_subcore>, window_params = [{transform_indices = #map}, {transform_indices = #map}, {transform_indices = #map1}]} {
    %mul3A = arith.constant 16 : i32
    %mul3A_0 = arith.muli %arg0, %mul3A : i32
    %add3A = arith.addi %mul3A_0, %arg1 : i32
    %scan3A = arith.constant 0 : i32
    %scan3A_1 = arith.constant 0 : i32
    %scan3A_2 = arith.constant 128 : i32
    %scan3A_3 = arith.addi %scan3A_1, %scan3A_2 : i32
    %scan3A_4 = arith.constant 1 : i32
    %scan3A_5 = scf.for %scan3A_184 = %scan3A_1 to %scan3A_3 step %scan3A_4 iter_args(%scan3A_185 = %scan3A) -> (i32)  : i32 {
      %broadcast_in_dim3A = arith.constant 0.000000e+00 : f32
      %broadcast_in_dim3A_186 = vector.broadcast %broadcast_in_dim3A : f32 to vector<16xf32>
      %jit3A = arith.constant 8 : i32
      %div3A = arith.divsi %scan3A_184, %jit3A : i32
      %sign3A = arith.constant 0 : i32
      %sign3A_187 = arith.cmpi sgt, %scan3A_184, %sign3A : i32
      %sign3A_188 = arith.extui %sign3A_187 : i1 to i32
      %sign3A_189 = arith.constant 0 : i32
      %sign3A_190 = arith.cmpi slt, %scan3A_184, %sign3A_189 : i32
      %sign3A_191 = arith.extui %sign3A_190 : i1 to i32
      %sign3A_192 = arith.subi %sign3A_188, %sign3A_191 : i32
      %sign3A_193 = arith.constant 0 : i32
      %sign3A_194 = arith.cmpi sgt, %jit3A, %sign3A_193 : i32
      %sign3A_195 = arith.extui %sign3A_194 : i1 to i32
      %sign3A_196 = arith.constant 0 : i32
      %sign3A_197 = arith.cmpi slt, %jit3A, %sign3A_196 : i32
      %sign3A_198 = arith.extui %sign3A_197 : i1 to i32
      %sign3A_199 = arith.subi %sign3A_195, %sign3A_198 : i32
      %ne3A = arith.cmpi ne, %sign3A_192, %sign3A_199 : i32
      %rem3A = arith.remsi %scan3A_184, %jit3A : i32
      %ne3A_200 = arith.constant 0 : i32
      %ne3A_201 = arith.cmpi ne, %rem3A, %ne3A_200 : i32
      %and3A = arith.andi %ne3A, %ne3A_201 : i1
      %sub3A = arith.constant 1 : i32
      %sub3A_202 = arith.subi %div3A, %sub3A : i32
      %select_n3A = arith.select %and3A, %sub3A_202, %div3A : i32
      %jit3A_203 = arith.constant 8 : i32
      %eq3A = arith.constant 0 : i32
      %eq3A_204 = arith.cmpi eq, %jit3A_203, %eq3A : i32
      %jit3A_205 = arith.constant 1 : i32
      %select_n3A_206 = arith.select %eq3A_204, %jit3A_205, %jit3A_203 : i32
      %rem3A_207 = arith.remsi %scan3A_184, %select_n3A_206 : i32
      %ne3A_208 = arith.constant 0 : i32
      %ne3A_209 = arith.cmpi ne, %rem3A_207, %ne3A_208 : i32
      %lt3A = arith.constant 0 : i32
      %lt3A_210 = arith.cmpi slt, %rem3A_207, %lt3A : i32
      %lt3A_211 = arith.constant 0 : i32
      %lt3A_212 = arith.cmpi slt, %select_n3A_206, %lt3A_211 : i32
      %ne3A_213 = arith.xori %lt3A_210, %lt3A_212 : i1
      %and3A_214 = arith.andi %ne3A_213, %ne3A_209 : i1
      %add3A_215 = arith.addi %rem3A_207, %select_n3A_206 : i32
      %select_n3A_216 = arith.select %and3A_214, %add3A_215, %rem3A_207 : i32
      %mul3A_217 = arith.constant 16 : i32
      %mul3A_218 = arith.muli %select_n3A_216, %mul3A_217 : i32
      %swap3A = arith.index_cast %select_n3A : i32 to index
      %swap3A_219 = arith.index_cast %mul3A_218 : i32 to index
      %swap3A_220 = tpu.vector_load %arg8[%swap3A, %swap3A_219] {strides = array<i32>} : memref<16x128xf32, #tpu.memory_space<vmem>>, vector<1x16xf32>,
      %swap3A_221 = vector.shape_cast %swap3A_220 : vector<1x16xf32> to vector<16xf32>
      %swap3A_222 = vector.shape_cast %broadcast_in_dim3A_186 : vector<16xf32> to vector<1x16xf32>
      tpu.vector_store %arg8[%swap3A, %swap3A_219], %swap3A_222 {strides = array<i32>} : memref<16x128xf32, #tpu.memory_space<vmem>>, vector<1x16xf32>,
      %scan3A_223 = arith.constant 0 : i32
      scf.yield %scan3A_223 : i32
    }
    %scan3A_6 = arith.constant 128 : i32
    %mul3A_7 = arith.constant 640 : i32
    %mul3A_8 = arith.muli %arg1, %mul3A_7 : i32
    %scan3A_9 = arith.constant 0 : i32
    %scan3A_10 = arith.constant 0 : i32
    %scan3A_11 = arith.constant 40 : i32
    %scan3A_12 = arith.addi %scan3A_10, %scan3A_11 : i32
    %scan3A_13 = arith.constant 1 : i32
    %scan3A_14 = scf.for %scan3A_184 = %scan3A_10 to %scan3A_12 step %scan3A_13 iter_args(%scan3A_185 = %scan3A_9) -> (i32)  : i32 {
      %mul3A_186 = arith.constant 16 : i32
      %mul3A_187 = arith.muli %scan3A_184, %mul3A_186 : i32
      %add3A_188 = arith.addi %mul3A_8, %mul3A_187 : i32
      "tpu.region"() ({
        %run_scoped3A_190 = tpu.sem_alloc : memref<!tpu.dma_semaphore, #tpu.memory_space<semaphore_mem>>
        %dma_start3A_191 = arith.constant 0 : i32
        %dma_start3A_192 = tpu.memref_slice %arg9[%add3A_188, %dma_start3A_191] : memref<10240x128xf32, #tpu.memory_space<vmem_shared>> -> memref<16x128xf32, #tpu.memory_space<vmem_shared>>
        %dma_start3A_193 = arith.constant 0 : i32
        %dma_start3A_194 = tpu.memref_slice %arg9[%add3A_188, %dma_start3A_193] : memref<10240x128xf32, #tpu.memory_space<vmem_shared>> -> memref<16x128xf32, #tpu.memory_space<vmem_shared>>
        tpu.enqueue_dma source(%arg8 : memref<16x128xf32, #tpu.memory_space<vmem>>) target(%dma_start3A_194 : memref<16x128xf32, #tpu.memory_space<vmem_shared>>) target_semaphore(%run_scoped3A_190 : memref<!tpu.dma_semaphore, #tpu.memory_space<semaphore_mem>>)
        %dma_wait3A_195 = arith.constant 0 : i32
        %dma_wait3A_196 = tpu.memref_slice %arg9[%add3A_188, %dma_wait3A_195] : memref<10240x128xf32, #tpu.memory_space<vmem_shared>> -> memref<16x128xf32, #tpu.memory_space<vmem_shared>>
        %dma_wait3A_197 = arith.constant 0 : i32
        %dma_wait3A_198 = tpu.memref_slice %arg9[%add3A_188, %dma_wait3A_197] : memref<10240x128xf32, #tpu.memory_space<vmem_shared>> -> memref<16x128xf32, #tpu.memory_space<vmem_shared>>
        tpu.wait_dma2 semaphore(%run_scoped3A_190 : memref<!tpu.dma_semaphore, #tpu.memory_space<semaphore_mem>>) src(%arg8 : memref<16x128xf32, #tpu.memory_space<vmem>>) dst(%dma_wait3A_198 : memref<16x128xf32, #tpu.memory_space<vmem_shared>>)
        tpu.yield
      }) : () -> ()
      %scan3A_189 = arith.constant 0 : i32
      scf.yield %scan3A_189 : i32
    }
    %scan3A_15 = arith.constant 40 : i32
    %barrier3A = arith.constant 0 : index
    tpu.barrier barrier_id(%barrier3A)
    %mul3A_16 = arith.constant 250 : i32
    %mul3A_17 = arith.muli %add3A, %mul3A_16 : i32
    %add3A_18 = arith.constant 0 : i32
    %add3A_19 = arith.addi %mul3A_17, %add3A_18 : i32
    %mul3A_20 = arith.constant 40 : i32
    %mul3A_21 = arith.muli %add3A_19, %mul3A_20 : i32
    %run_scoped3A = arith.constant 0 : i32
    "tpu.region"() ({
      %run_scoped3A_184 = tpu.sem_alloc : memref<!tpu.dma_semaphore, #tpu.memory_space<semaphore_mem>>
      %dma_start3A_185 = arith.constant 0 : i32
      %dma_start3A_186 = tpu.memref_slice %arg5[%dma_start3A_185] : memref<5120xi32, #tpu.memory_space<vmem>> -> memref<5120xi32, #tpu.memory_space<vmem>>
      %dma_start3A_187 = tpu.memref_slice %arg2[%run_scoped3A, %mul3A_21] : memref<2x320000xi32, #tpu.memory_space<hbm>> -> memref<1x5120xi32, #tpu.memory_space<hbm>>
      %dma_start3A_188 = tpu.memref_squeeze %dma_start3A_187 : memref<1x5120xi32, #tpu.memory_space<hbm>> -> memref<5120xi32, #tpu.memory_space<hbm>>
      %dma_start3A_189 = arith.constant 0 : i32
      %dma_start3A_190 = tpu.memref_slice %arg5[%dma_start3A_189] : memref<5120xi32, #tpu.memory_space<vmem>> -> memref<5120xi32, #tpu.memory_space<vmem>>
      %dma_start3A_191 = tpu.memref_slice %arg2[%run_scoped3A, %mul3A_21] : memref<2x320000xi32, #tpu.memory_space<hbm>> -> memref<1x5120xi32, #tpu.memory_space<hbm>>
      %dma_start3A_192 = tpu.memref_squeeze %dma_start3A_191 : memref<1x5120xi32, #tpu.memory_space<hbm>> -> memref<5120xi32, #tpu.memory_space<hbm>>
      tpu.enqueue_dma source(%dma_start3A_192 : memref<5120xi32, #tpu.memory_space<hbm>>) target(%dma_start3A_190 : memref<5120xi32, #tpu.memory_space<vmem>>) target_semaphore(%run_scoped3A_184 : memref<!tpu.dma_semaphore, #tpu.memory_space<semaphore_mem>>)
      %dma_wait3A_193 = arith.constant 0 : i32
      %dma_wait3A_194 = tpu.memref_slice %arg5[%dma_wait3A_193] : memref<5120xi32, #tpu.memory_space<vmem>> -> memref<5120xi32, #tpu.memory_space<vmem>>
      %dma_wait3A_195 = tpu.memref_slice %arg2[%run_scoped3A, %mul3A_21] : memref<2x320000xi32, #tpu.memory_space<hbm>> -> memref<1x5120xi32, #tpu.memory_space<hbm>>
      %dma_wait3A_196 = tpu.memref_squeeze %dma_wait3A_195 : memref<1x5120xi32, #tpu.memory_space<hbm>> -> memref<5120xi32, #tpu.memory_space<hbm>>
      %dma_wait3A_197 = arith.constant 0 : i32
      %dma_wait3A_198 = tpu.memref_slice %arg5[%dma_wait3A_197] : memref<5120xi32, #tpu.memory_space<vmem>> -> memref<5120xi32, #tpu.memory_space<vmem>>
      %dma_wait3A_199 = tpu.memref_slice %arg2[%run_scoped3A, %mul3A_21] : memref<2x320000xi32, #tpu.memory_space<hbm>> -> memref<1x5120xi32, #tpu.memory_space<hbm>>
      %dma_wait3A_200 = tpu.memref_squeeze %dma_wait3A_199 : memref<1x5120xi32, #tpu.memory_space<hbm>> -> memref<5120xi32, #tpu.memory_space<hbm>>
      tpu.wait_dma2 semaphore(%run_scoped3A_184 : memref<!tpu.dma_semaphore, #tpu.memory_space<semaphore_mem>>) src(%dma_wait3A_200 : memref<5120xi32, #tpu.memory_space<hbm>>) dst(%dma_wait3A_198 : memref<5120xi32, #tpu.memory_space<vmem>>)
      tpu.yield
    }) : () -> ()
    %run_scoped3A_22 = arith.constant 1 : i32
    "tpu.region"() ({
      %run_scoped3A_184 = tpu.sem_alloc : memref<!tpu.dma_semaphore, #tpu.memory_space<semaphore_mem>>
      %dma_start3A_185 = arith.constant 0 : i32
      %dma_start3A_186 = tpu.memref_slice %arg6[%dma_start3A_185] : memref<5120xi32, #tpu.memory_space<vmem>> -> memref<5120xi32, #tpu.memory_space<vmem>>
      %dma_start3A_187 = tpu.memref_slice %arg2[%run_scoped3A_22, %mul3A_21] : memref<2x320000xi32, #tpu.memory_space<hbm>> -> memref<1x5120xi32, #tpu.memory_space<hbm>>
      %dma_start3A_188 = tpu.memref_squeeze %dma_start3A_187 : memref<1x5120xi32, #tpu.memory_space<hbm>> -> memref<5120xi32, #tpu.memory_space<hbm>>
      %dma_start3A_189 = arith.constant 0 : i32
      %dma_start3A_190 = tpu.memref_slice %arg6[%dma_start3A_189] : memref<5120xi32, #tpu.memory_space<vmem>> -> memref<5120xi32, #tpu.memory_space<vmem>>
      %dma_start3A_191 = tpu.memref_slice %arg2[%run_scoped3A_22, %mul3A_21] : memref<2x320000xi32, #tpu.memory_space<hbm>> -> memref<1x5120xi32, #tpu.memory_space<hbm>>
      %dma_start3A_192 = tpu.memref_squeeze %dma_start3A_191 : memref<1x5120xi32, #tpu.memory_space<hbm>> -> memref<5120xi32, #tpu.memory_space<hbm>>
      tpu.enqueue_dma source(%dma_start3A_192 : memref<5120xi32, #tpu.memory_space<hbm>>) target(%dma_start3A_190 : memref<5120xi32, #tpu.memory_space<vmem>>) target_semaphore(%run_scoped3A_184 : memref<!tpu.dma_semaphore, #tpu.memory_space<semaphore_mem>>)
      %dma_wait3A_193 = arith.constant 0 : i32
      %dma_wait3A_194 = tpu.memref_slice %arg6[%dma_wait3A_193] : memref<5120xi32, #tpu.memory_space<vmem>> -> memref<5120xi32, #tpu.memory_space<vmem>>
      %dma_wait3A_195 = tpu.memref_slice %arg2[%run_scoped3A_22, %mul3A_21] : memref<2x320000xi32, #tpu.memory_space<hbm>> -> memref<1x5120xi32, #tpu.memory_space<hbm>>
      %dma_wait3A_196 = tpu.memref_squeeze %dma_wait3A_195 : memref<1x5120xi32, #tpu.memory_space<hbm>> -> memref<5120xi32, #tpu.memory_space<hbm>>
      %dma_wait3A_197 = arith.constant 0 : i32
      %dma_wait3A_198 = tpu.memref_slice %arg6[%dma_wait3A_197] : memref<5120xi32, #tpu.memory_space<vmem>> -> memref<5120xi32, #tpu.memory_space<vmem>>
      %dma_wait3A_199 = tpu.memref_slice %arg2[%run_scoped3A_22, %mul3A_21] : memref<2x320000xi32, #tpu.memory_space<hbm>> -> memref<1x5120xi32, #tpu.memory_space<hbm>>
      %dma_wait3A_200 = tpu.memref_squeeze %dma_wait3A_199 : memref<1x5120xi32, #tpu.memory_space<hbm>> -> memref<5120xi32, #tpu.memory_space<hbm>>
      tpu.wait_dma2 semaphore(%run_scoped3A_184 : memref<!tpu.dma_semaphore, #tpu.memory_space<semaphore_mem>>) src(%dma_wait3A_200 : memref<5120xi32, #tpu.memory_space<hbm>>) dst(%dma_wait3A_198 : memref<5120xi32, #tpu.memory_space<vmem>>)
      tpu.yield
    }) : () -> ()
    %dma_start3A = arith.constant 0 : i32
    %dma_start3A_23 = arith.constant 0 : i32
    %dma_start3A_24 = arith.constant 0 : i32
    %dma_start3A_25 = tpu.memref_slice %arg7[%dma_start3A, %dma_start3A_23, %dma_start3A_24] : memref<4x40x128xf32, #tpu.memory_space<vmem>> -> memref<1x40x128xf32, #tpu.memory_space<vmem>>
    %dma_start3A_26 = tpu.memref_squeeze %dma_start3A_25 : memref<1x40x128xf32, #tpu.memory_space<vmem>> -> memref<40x128xf32, #tpu.memory_space<vmem>>
    %dma_start3A_27 = arith.constant 0 : i32
    %dma_start3A_28 = tpu.memref_slice %arg5[%dma_start3A_27] : memref<5120xi32, #tpu.memory_space<vmem>> -> memref<40xi32, #tpu.memory_space<vmem>>
    %dma_start3A_29 = arith.constant 0 : i32
    %dma_start3A_30 = arith.constant 0 : i32
    %dma_start3A_31 = tpu.memref_slice %arg3[%dma_start3A_29, %dma_start3A_30] : memref<10000x128xf32, #tpu.memory_space<hbm>> -> memref<10000x128xf32, #tpu.memory_space<hbm>>
    tpu.enqueue_indirect_dma source(%dma_start3A_31 : memref<10000x128xf32, #tpu.memory_space<hbm>>) target(%dma_start3A_26 : memref<40x128xf32, #tpu.memory_space<vmem>>) offsets(%dma_start3A_28 : memref<40xi32, #tpu.memory_space<vmem>>) semaphore(%arg10 : memref<!tpu.dma_semaphore, #tpu.memory_space<semaphore_mem>>)
    %dma_start3A_32 = arith.constant 1 : i32
    %dma_start3A_33 = arith.constant 0 : i32
    %dma_start3A_34 = arith.constant 0 : i32
    %dma_start3A_35 = tpu.memref_slice %arg7[%dma_start3A_32, %dma_start3A_33, %dma_start3A_34] : memref<4x40x128xf32, #tpu.memory_space<vmem>> -> memref<1x40x128xf32, #tpu.memory_space<vmem>>
    %dma_start3A_36 = tpu.memref_squeeze %dma_start3A_35 : memref<1x40x128xf32, #tpu.memory_space<vmem>> -> memref<40x128xf32, #tpu.memory_space<vmem>>
    %dma_start3A_37 = arith.constant 40 : i32
    %dma_start3A_38 = tpu.memref_slice %arg5[%dma_start3A_37] : memref<5120xi32, #tpu.memory_space<vmem>> -> memref<40xi32, #tpu.memory_space<vmem>>
    %dma_start3A_39 = arith.constant 0 : i32
    %dma_start3A_40 = arith.constant 0 : i32
    %dma_start3A_41 = tpu.memref_slice %arg3[%dma_start3A_39, %dma_start3A_40] : memref<10000x128xf32, #tpu.memory_space<hbm>> -> memref<10000x128xf32, #tpu.memory_space<hbm>>
    tpu.enqueue_indirect_dma source(%dma_start3A_41 : memref<10000x128xf32, #tpu.memory_space<hbm>>) target(%dma_start3A_36 : memref<40x128xf32, #tpu.memory_space<vmem>>) offsets(%dma_start3A_38 : memref<40xi32, #tpu.memory_space<vmem>>) semaphore(%arg11 : memref<!tpu.dma_semaphore, #tpu.memory_space<semaphore_mem>>)
    %scan3A_42 = arith.constant 0 : i32
    %scan3A_43 = arith.constant 0 : i32
    %scan3A_44 = arith.constant 32 : i32
    %scan3A_45 = arith.addi %scan3A_43, %scan3A_44 : i32
    %scan3A_46 = arith.constant 1 : i32
    %scan3A_47 = scf.for %scan3A_184 = %scan3A_43 to %scan3A_45 step %scan3A_46 iter_args(%scan3A_185 = %scan3A_42) -> (i32)  : i32 {
      %mul3A_186 = arith.constant 4 : i32
      %mul3A_187 = arith.muli %scan3A_184, %mul3A_186 : i32
      %add3A_188 = arith.constant 0 : i32
      %add3A_189 = arith.addi %mul3A_187, %add3A_188 : i32
      %mul3A_190 = arith.constant 40 : i32
      %mul3A_191 = arith.muli %add3A_189, %mul3A_190 : i32
      %dma_wait3A_192 = arith.constant 0 : i32
      %dma_wait3A_193 = arith.constant 0 : i32
      %dma_wait3A_194 = arith.constant 0 : i32
      %dma_wait3A_195 = tpu.memref_slice %arg7[%dma_wait3A_192, %dma_wait3A_193, %dma_wait3A_194] : memref<4x40x128xf32, #tpu.memory_space<vmem>> -> memref<1x40x128xf32, #tpu.memory_space<vmem>>
      %dma_wait3A_196 = tpu.memref_squeeze %dma_wait3A_195 : memref<1x40x128xf32, #tpu.memory_space<vmem>> -> memref<40x128xf32, #tpu.memory_space<vmem>>
      %dma_wait3A_197 = tpu.memref_slice %arg5[%mul3A_191] : memref<5120xi32, #tpu.memory_space<vmem>> -> memref<40xi32, #tpu.memory_space<vmem>>
      %dma_wait3A_198 = arith.constant 0 : i32
      %dma_wait3A_199 = arith.constant 0 : i32
      %dma_wait3A_200 = tpu.memref_slice %arg3[%dma_wait3A_198, %dma_wait3A_199] : memref<10000x128xf32, #tpu.memory_space<hbm>> -> memref<10000x128xf32, #tpu.memory_space<hbm>>
      tpu.wait_indirect_dma semaphore(%arg10 : memref<!tpu.dma_semaphore, #tpu.memory_space<semaphore_mem>>) src(%dma_wait3A_200 : memref<10000x128xf32, #tpu.memory_space<hbm>>) dst(%dma_wait3A_196 : memref<40x128xf32, #tpu.memory_space<vmem>>)
      %mul3A_201 = arith.constant 40 : i32
      %mul3A_202 = arith.muli %add3A_189, %mul3A_201 : i32
      %dma_start3A_203 = arith.constant 0 : i32
      %dma_start3A_204 = arith.constant 0 : i32
      %dma_start3A_205 = arith.constant 0 : i32
      %dma_start3A_206 = tpu.memref_slice %arg7[%dma_start3A_203, %dma_start3A_204, %dma_start3A_205] : memref<4x40x128xf32, #tpu.memory_space<vmem>> -> memref<1x40x128xf32, #tpu.memory_space<vmem>>
      %dma_start3A_207 = tpu.memref_squeeze %dma_start3A_206 : memref<1x40x128xf32, #tpu.memory_space<vmem>> -> memref<40x128xf32, #tpu.memory_space<vmem>>
      %dma_start3A_208 = tpu.memref_slice %arg6[%mul3A_202] : memref<5120xi32, #tpu.memory_space<vmem>> -> memref<40xi32, #tpu.memory_space<vmem>>
      %dma_start3A_209 = arith.constant 0 : i32
      %dma_start3A_210 = arith.constant 0 : i32
      %dma_start3A_211 = tpu.memref_slice %arg9[%dma_start3A_209, %dma_start3A_210] : memref<10240x128xf32, #tpu.memory_space<vmem_shared>> -> memref<10240x128xf32, #tpu.memory_space<vmem_shared>>
      tpu.enqueue_indirect_dma source(%dma_start3A_207 : memref<40x128xf32, #tpu.memory_space<vmem>>) target(%dma_start3A_211 : memref<10240x128xf32, #tpu.memory_space<vmem_shared>>) offsets(%dma_start3A_208 : memref<40xi32, #tpu.memory_space<vmem>>) semaphore(%arg14 : memref<!tpu.dma_semaphore, #tpu.memory_space<semaphore_mem>>) {add = true}
      %ge3A = arith.constant 2 : i32
      %ge3A_212 = arith.cmpi sge, %add3A_189, %ge3A : i32
      %convert_element_type3A = arith.extui %ge3A_212 : i1 to i32
      %cond3A = arith.constant 0 : i32
      %cond3A_213 = arith.cmpi ne, %convert_element_type3A, %cond3A : i32
      scf.if %cond3A_213 {
        %sub3A = arith.constant 2 : i32
        %sub3A_335 = arith.subi %add3A_189, %sub3A : i32
        %mul3A_336 = arith.constant 40 : i32
        %mul3A_337 = arith.muli %sub3A_335, %mul3A_336 : i32
        %dma_wait3A_338 = arith.constant 2 : i32
        %dma_wait3A_339 = arith.constant 0 : i32
        %dma_wait3A_340 = arith.constant 0 : i32
        %dma_wait3A_341 = tpu.memref_slice %arg7[%dma_wait3A_338, %dma_wait3A_339, %dma_wait3A_340] : memref<4x40x128xf32, #tpu.memory_space<vmem>> -> memref<1x40x128xf32, #tpu.memory_space<vmem>>
        %dma_wait3A_342 = tpu.memref_squeeze %dma_wait3A_341 : memref<1x40x128xf32, #tpu.memory_space<vmem>> -> memref<40x128xf32, #tpu.memory_space<vmem>>
        %dma_wait3A_343 = tpu.memref_slice %arg6[%mul3A_337] : memref<5120xi32, #tpu.memory_space<vmem>> -> memref<40xi32, #tpu.memory_space<vmem>>
        %dma_wait3A_344 = arith.constant 0 : i32
        %dma_wait3A_345 = arith.constant 0 : i32
        %dma_wait3A_346 = tpu.memref_slice %arg9[%dma_wait3A_344, %dma_wait3A_345] : memref<10240x128xf32, #tpu.memory_space<vmem_shared>> -> memref<10240x128xf32, #tpu.memory_space<vmem_shared>>
        tpu.wait_indirect_dma semaphore(%arg16 : memref<!tpu.dma_semaphore, #tpu.memory_space<semaphore_mem>>) src(%dma_wait3A_342 : memref<40x128xf32, #tpu.memory_space<vmem>>) dst(%dma_wait3A_346 : memref<10240x128xf32, #tpu.memory_space<vmem_shared>>)
      } else {
      }
      %add3A_214 = arith.constant 2 : i32
      %add3A_215 = arith.addi %add3A_189, %add3A_214 : i32
      %lt3A = arith.constant 128 : i32
      %lt3A_216 = arith.cmpi slt, %add3A_215, %lt3A : i32
      %convert_element_type3A_217 = arith.extui %lt3A_216 : i1 to i32
      %cond3A_218 = arith.constant 0 : i32
      %cond3A_219 = arith.cmpi ne, %convert_element_type3A_217, %cond3A_218 : i32
      scf.if %cond3A_219 {
        %add3A_335 = arith.constant 2 : i32
        %add3A_336 = arith.addi %add3A_189, %add3A_335 : i32
        %mul3A_337 = arith.constant 40 : i32
        %mul3A_338 = arith.muli %add3A_336, %mul3A_337 : i32
        %dma_start3A_339 = arith.constant 2 : i32
        %dma_start3A_340 = arith.constant 0 : i32
        %dma_start3A_341 = arith.constant 0 : i32
        %dma_start3A_342 = tpu.memref_slice %arg7[%dma_start3A_339, %dma_start3A_340, %dma_start3A_341] : memref<4x40x128xf32, #tpu.memory_space<vmem>> -> memref<1x40x128xf32, #tpu.memory_space<vmem>>
        %dma_start3A_343 = tpu.memref_squeeze %dma_start3A_342 : memref<1x40x128xf32, #tpu.memory_space<vmem>> -> memref<40x128xf32, #tpu.memory_space<vmem>>
        %dma_start3A_344 = tpu.memref_slice %arg5[%mul3A_338] : memref<5120xi32, #tpu.memory_space<vmem>> -> memref<40xi32, #tpu.memory_space<vmem>>
        %dma_start3A_345 = arith.constant 0 : i32
        %dma_start3A_346 = arith.constant 0 : i32
        %dma_start3A_347 = tpu.memref_slice %arg3[%dma_start3A_345, %dma_start3A_346] : memref<10000x128xf32, #tpu.memory_space<hbm>> -> memref<10000x128xf32, #tpu.memory_space<hbm>>
        tpu.enqueue_indirect_dma source(%dma_start3A_347 : memref<10000x128xf32, #tpu.memory_space<hbm>>) target(%dma_start3A_343 : memref<40x128xf32, #tpu.memory_space<vmem>>) offsets(%dma_start3A_344 : memref<40xi32, #tpu.memory_space<vmem>>) semaphore(%arg12 : memref<!tpu.dma_semaphore, #tpu.memory_space<semaphore_mem>>)
      } else {
      }
      %mul3A_220 = arith.constant 4 : i32
      %mul3A_221 = arith.muli %scan3A_184, %mul3A_220 : i32
      %add3A_222 = arith.constant 1 : i32
      %add3A_223 = arith.addi %mul3A_221, %add3A_222 : i32
      %mul3A_224 = arith.constant 40 : i32
      %mul3A_225 = arith.muli %add3A_223, %mul3A_224 : i32
      %dma_wait3A_226 = arith.constant 1 : i32
      %dma_wait3A_227 = arith.constant 0 : i32
      %dma_wait3A_228 = arith.constant 0 : i32
      %dma_wait3A_229 = tpu.memref_slice %arg7[%dma_wait3A_226, %dma_wait3A_227, %dma_wait3A_228] : memref<4x40x128xf32, #tpu.memory_space<vmem>> -> memref<1x40x128xf32, #tpu.memory_space<vmem>>
      %dma_wait3A_230 = tpu.memref_squeeze %dma_wait3A_229 : memref<1x40x128xf32, #tpu.memory_space<vmem>> -> memref<40x128xf32, #tpu.memory_space<vmem>>
      %dma_wait3A_231 = tpu.memref_slice %arg5[%mul3A_225] : memref<5120xi32, #tpu.memory_space<vmem>> -> memref<40xi32, #tpu.memory_space<vmem>>
      %dma_wait3A_232 = arith.constant 0 : i32
      %dma_wait3A_233 = arith.constant 0 : i32
      %dma_wait3A_234 = tpu.memref_slice %arg3[%dma_wait3A_232, %dma_wait3A_233] : memref<10000x128xf32, #tpu.memory_space<hbm>> -> memref<10000x128xf32, #tpu.memory_space<hbm>>
      tpu.wait_indirect_dma semaphore(%arg11 : memref<!tpu.dma_semaphore, #tpu.memory_space<semaphore_mem>>) src(%dma_wait3A_234 : memref<10000x128xf32, #tpu.memory_space<hbm>>) dst(%dma_wait3A_230 : memref<40x128xf32, #tpu.memory_space<vmem>>)
      %mul3A_235 = arith.constant 40 : i32
      %mul3A_236 = arith.muli %add3A_223, %mul3A_235 : i32
      %dma_start3A_237 = arith.constant 1 : i32
      %dma_start3A_238 = arith.constant 0 : i32
      %dma_start3A_239 = arith.constant 0 : i32
      %dma_start3A_240 = tpu.memref_slice %arg7[%dma_start3A_237, %dma_start3A_238, %dma_start3A_239] : memref<4x40x128xf32, #tpu.memory_space<vmem>> -> memref<1x40x128xf32, #tpu.memory_space<vmem>>
      %dma_start3A_241 = tpu.memref_squeeze %dma_start3A_240 : memref<1x40x128xf32, #tpu.memory_space<vmem>> -> memref<40x128xf32, #tpu.memory_space<vmem>>
      %dma_start3A_242 = tpu.memref_slice %arg6[%mul3A_236] : memref<5120xi32, #tpu.memory_space<vmem>> -> memref<40xi32, #tpu.memory_space<vmem>>
      %dma_start3A_243 = arith.constant 0 : i32
      %dma_start3A_244 = arith.constant 0 : i32
      %dma_start3A_245 = tpu.memref_slice %arg9[%dma_start3A_243, %dma_start3A_244] : memref<10240x128xf32, #tpu.memory_space<vmem_shared>> -> memref<10240x128xf32, #tpu.memory_space<vmem_shared>>
      tpu.enqueue_indirect_dma source(%dma_start3A_241 : memref<40x128xf32, #tpu.memory_space<vmem>>) target(%dma_start3A_245 : memref<10240x128xf32, #tpu.memory_space<vmem_shared>>) offsets(%dma_start3A_242 : memref<40xi32, #tpu.memory_space<vmem>>) semaphore(%arg15 : memref<!tpu.dma_semaphore, #tpu.memory_space<semaphore_mem>>) {add = true}
      %ge3A_246 = arith.constant 2 : i32
      %ge3A_247 = arith.cmpi sge, %add3A_223, %ge3A_246 : i32
      %convert_element_type3A_248 = arith.extui %ge3A_247 : i1 to i32
      %cond3A_249 = arith.constant 0 : i32
      %cond3A_250 = arith.cmpi ne, %convert_element_type3A_248, %cond3A_249 : i32
      scf.if %cond3A_250 {
        %sub3A = arith.constant 2 : i32
        %sub3A_335 = arith.subi %add3A_223, %sub3A : i32
        %mul3A_336 = arith.constant 40 : i32
        %mul3A_337 = arith.muli %sub3A_335, %mul3A_336 : i32
        %dma_wait3A_338 = arith.constant 3 : i32
        %dma_wait3A_339 = arith.constant 0 : i32
        %dma_wait3A_340 = arith.constant 0 : i32
        %dma_wait3A_341 = tpu.memref_slice %arg7[%dma_wait3A_338, %dma_wait3A_339, %dma_wait3A_340] : memref<4x40x128xf32, #tpu.memory_space<vmem>> -> memref<1x40x128xf32, #tpu.memory_space<vmem>>
        %dma_wait3A_342 = tpu.memref_squeeze %dma_wait3A_341 : memref<1x40x128xf32, #tpu.memory_space<vmem>> -> memref<40x128xf32, #tpu.memory_space<vmem>>
        %dma_wait3A_343 = tpu.memref_slice %arg6[%mul3A_337] : memref<5120xi32, #tpu.memory_space<vmem>> -> memref<40xi32, #tpu.memory_space<vmem>>
        %dma_wait3A_344 = arith.constant 0 : i32
        %dma_wait3A_345 = arith.constant 0 : i32
        %dma_wait3A_346 = tpu.memref_slice %arg9[%dma_wait3A_344, %dma_wait3A_345] : memref<10240x128xf32, #tpu.memory_space<vmem_shared>> -> memref<10240x128xf32, #tpu.memory_space<vmem_shared>>
        tpu.wait_indirect_dma semaphore(%arg17 : memref<!tpu.dma_semaphore, #tpu.memory_space<semaphore_mem>>) src(%dma_wait3A_342 : memref<40x128xf32, #tpu.memory_space<vmem>>) dst(%dma_wait3A_346 : memref<10240x128xf32, #tpu.memory_space<vmem_shared>>)
      } else {
      }
      %add3A_251 = arith.constant 2 : i32
      %add3A_252 = arith.addi %add3A_223, %add3A_251 : i32
      %lt3A_253 = arith.constant 128 : i32
      %lt3A_254 = arith.cmpi slt, %add3A_252, %lt3A_253 : i32
      %convert_element_type3A_255 = arith.extui %lt3A_254 : i1 to i32
      %cond3A_256 = arith.constant 0 : i32
      %cond3A_257 = arith.cmpi ne, %convert_element_type3A_255, %cond3A_256 : i32
      scf.if %cond3A_257 {
        %add3A_335 = arith.constant 2 : i32
        %add3A_336 = arith.addi %add3A_223, %add3A_335 : i32
        %mul3A_337 = arith.constant 40 : i32
        %mul3A_338 = arith.muli %add3A_336, %mul3A_337 : i32
        %dma_start3A_339 = arith.constant 3 : i32
        %dma_start3A_340 = arith.constant 0 : i32
        %dma_start3A_341 = arith.constant 0 : i32
        %dma_start3A_342 = tpu.memref_slice %arg7[%dma_start3A_339, %dma_start3A_340, %dma_start3A_341] : memref<4x40x128xf32, #tpu.memory_space<vmem>> -> memref<1x40x128xf32, #tpu.memory_space<vmem>>
        %dma_start3A_343 = tpu.memref_squeeze %dma_start3A_342 : memref<1x40x128xf32, #tpu.memory_space<vmem>> -> memref<40x128xf32, #tpu.memory_space<vmem>>
        %dma_start3A_344 = tpu.memref_slice %arg5[%mul3A_338] : memref<5120xi32, #tpu.memory_space<vmem>> -> memref<40xi32, #tpu.memory_space<vmem>>
        %dma_start3A_345 = arith.constant 0 : i32
        %dma_start3A_346 = arith.constant 0 : i32
        %dma_start3A_347 = tpu.memref_slice %arg3[%dma_start3A_345, %dma_start3A_346] : memref<10000x128xf32, #tpu.memory_space<hbm>> -> memref<10000x128xf32, #tpu.memory_space<hbm>>
        tpu.enqueue_indirect_dma source(%dma_start3A_347 : memref<10000x128xf32, #tpu.memory_space<hbm>>) target(%dma_start3A_343 : memref<40x128xf32, #tpu.memory_space<vmem>>) offsets(%dma_start3A_344 : memref<40xi32, #tpu.memory_space<vmem>>) semaphore(%arg13 : memref<!tpu.dma_semaphore, #tpu.memory_space<semaphore_mem>>)
      } else {
      }
      %mul3A_258 = arith.constant 4 : i32
      %mul3A_259 = arith.muli %scan3A_184, %mul3A_258 : i32
      %add3A_260 = arith.constant 2 : i32
      %add3A_261 = arith.addi %mul3A_259, %add3A_260 : i32
      %mul3A_262 = arith.constant 40 : i32
      %mul3A_263 = arith.muli %add3A_261, %mul3A_262 : i32
      %dma_wait3A_264 = arith.constant 2 : i32
      %dma_wait3A_265 = arith.constant 0 : i32
      %dma_wait3A_266 = arith.constant 0 : i32
      %dma_wait3A_267 = tpu.memref_slice %arg7[%dma_wait3A_264, %dma_wait3A_265, %dma_wait3A_266] : memref<4x40x128xf32, #tpu.memory_space<vmem>> -> memref<1x40x128xf32, #tpu.memory_space<vmem>>
      %dma_wait3A_268 = tpu.memref_squeeze %dma_wait3A_267 : memref<1x40x128xf32, #tpu.memory_space<vmem>> -> memref<40x128xf32, #tpu.memory_space<vmem>>
      %dma_wait3A_269 = tpu.memref_slice %arg5[%mul3A_263] : memref<5120xi32, #tpu.memory_space<vmem>> -> memref<40xi32, #tpu.memory_space<vmem>>
      %dma_wait3A_270 = arith.constant 0 : i32
      %dma_wait3A_271 = arith.constant 0 : i32
      %dma_wait3A_272 = tpu.memref_slice %arg3[%dma_wait3A_270, %dma_wait3A_271] : memref<10000x128xf32, #tpu.memory_space<hbm>> -> memref<10000x128xf32, #tpu.memory_space<hbm>>
      tpu.wait_indirect_dma semaphore(%arg12 : memref<!tpu.dma_semaphore, #tpu.memory_space<semaphore_mem>>) src(%dma_wait3A_272 : memref<10000x128xf32, #tpu.memory_space<hbm>>) dst(%dma_wait3A_268 : memref<40x128xf32, #tpu.memory_space<vmem>>)
      %mul3A_273 = arith.constant 40 : i32
      %mul3A_274 = arith.muli %add3A_261, %mul3A_273 : i32
      %dma_start3A_275 = arith.constant 2 : i32
      %dma_start3A_276 = arith.constant 0 : i32
      %dma_start3A_277 = arith.constant 0 : i32
      %dma_start3A_278 = tpu.memref_slice %arg7[%dma_start3A_275, %dma_start3A_276, %dma_start3A_277] : memref<4x40x128xf32, #tpu.memory_space<vmem>> -> memref<1x40x128xf32, #tpu.memory_space<vmem>>
      %dma_start3A_279 = tpu.memref_squeeze %dma_start3A_278 : memref<1x40x128xf32, #tpu.memory_space<vmem>> -> memref<40x128xf32, #tpu.memory_space<vmem>>
      %dma_start3A_280 = tpu.memref_slice %arg6[%mul3A_274] : memref<5120xi32, #tpu.memory_space<vmem>> -> memref<40xi32, #tpu.memory_space<vmem>>
      %dma_start3A_281 = arith.constant 0 : i32
      %dma_start3A_282 = arith.constant 0 : i32
      %dma_start3A_283 = tpu.memref_slice %arg9[%dma_start3A_281, %dma_start3A_282] : memref<10240x128xf32, #tpu.memory_space<vmem_shared>> -> memref<10240x128xf32, #tpu.memory_space<vmem_shared>>
      tpu.enqueue_indirect_dma source(%dma_start3A_279 : memref<40x128xf32, #tpu.memory_space<vmem>>) target(%dma_start3A_283 : memref<10240x128xf32, #tpu.memory_space<vmem_shared>>) offsets(%dma_start3A_280 : memref<40xi32, #tpu.memory_space<vmem>>) semaphore(%arg16 : memref<!tpu.dma_semaphore, #tpu.memory_space<semaphore_mem>>) {add = true}
      %ge3A_284 = arith.constant 2 : i32
      %ge3A_285 = arith.cmpi sge, %add3A_261, %ge3A_284 : i32
      %convert_element_type3A_286 = arith.extui %ge3A_285 : i1 to i32
      %cond3A_287 = arith.constant 0 : i32
      %cond3A_288 = arith.cmpi ne, %convert_element_type3A_286, %cond3A_287 : i32
      scf.if %cond3A_288 {
        %sub3A = arith.constant 2 : i32
        %sub3A_335 = arith.subi %add3A_261, %sub3A : i32
        %mul3A_336 = arith.constant 40 : i32
        %mul3A_337 = arith.muli %sub3A_335, %mul3A_336 : i32
        %dma_wait3A_338 = arith.constant 0 : i32
        %dma_wait3A_339 = arith.constant 0 : i32
        %dma_wait3A_340 = arith.constant 0 : i32
        %dma_wait3A_341 = tpu.memref_slice %arg7[%dma_wait3A_338, %dma_wait3A_339, %dma_wait3A_340] : memref<4x40x128xf32, #tpu.memory_space<vmem>> -> memref<1x40x128xf32, #tpu.memory_space<vmem>>
        %dma_wait3A_342 = tpu.memref_squeeze %dma_wait3A_341 : memref<1x40x128xf32, #tpu.memory_space<vmem>> -> memref<40x128xf32, #tpu.memory_space<vmem>>
        %dma_wait3A_343 = tpu.memref_slice %arg6[%mul3A_337] : memref<5120xi32, #tpu.memory_space<vmem>> -> memref<40xi32, #tpu.memory_space<vmem>>
        %dma_wait3A_344 = arith.constant 0 : i32
        %dma_wait3A_345 = arith.constant 0 : i32
        %dma_wait3A_346 = tpu.memref_slice %arg9[%dma_wait3A_344, %dma_wait3A_345] : memref<10240x128xf32, #tpu.memory_space<vmem_shared>> -> memref<10240x128xf32, #tpu.memory_space<vmem_shared>>
        tpu.wait_indirect_dma semaphore(%arg14 : memref<!tpu.dma_semaphore, #tpu.memory_space<semaphore_mem>>) src(%dma_wait3A_342 : memref<40x128xf32, #tpu.memory_space<vmem>>) dst(%dma_wait3A_346 : memref<10240x128xf32, #tpu.memory_space<vmem_shared>>)
      } else {
      }
      %add3A_289 = arith.constant 2 : i32
      %add3A_290 = arith.addi %add3A_261, %add3A_289 : i32
      %lt3A_291 = arith.constant 128 : i32
      %lt3A_292 = arith.cmpi slt, %add3A_290, %lt3A_291 : i32
      %convert_element_type3A_293 = arith.extui %lt3A_292 : i1 to i32
      %cond3A_294 = arith.constant 0 : i32
      %cond3A_295 = arith.cmpi ne, %convert_element_type3A_293, %cond3A_294 : i32
      scf.if %cond3A_295 {
        %add3A_335 = arith.constant 2 : i32
        %add3A_336 = arith.addi %add3A_261, %add3A_335 : i32
        %mul3A_337 = arith.constant 40 : i32
        %mul3A_338 = arith.muli %add3A_336, %mul3A_337 : i32
        %dma_start3A_339 = arith.constant 0 : i32
        %dma_start3A_340 = arith.constant 0 : i32
        %dma_start3A_341 = arith.constant 0 : i32
        %dma_start3A_342 = tpu.memref_slice %arg7[%dma_start3A_339, %dma_start3A_340, %dma_start3A_341] : memref<4x40x128xf32, #tpu.memory_space<vmem>> -> memref<1x40x128xf32, #tpu.memory_space<vmem>>
        %dma_start3A_343 = tpu.memref_squeeze %dma_start3A_342 : memref<1x40x128xf32, #tpu.memory_space<vmem>> -> memref<40x128xf32, #tpu.memory_space<vmem>>
        %dma_start3A_344 = tpu.memref_slice %arg5[%mul3A_338] : memref<5120xi32, #tpu.memory_space<vmem>> -> memref<40xi32, #tpu.memory_space<vmem>>
        %dma_start3A_345 = arith.constant 0 : i32
        %dma_start3A_346 = arith.constant 0 : i32
        %dma_start3A_347 = tpu.memref_slice %arg3[%dma_start3A_345, %dma_start3A_346] : memref<10000x128xf32, #tpu.memory_space<hbm>> -> memref<10000x128xf32, #tpu.memory_space<hbm>>
        tpu.enqueue_indirect_dma source(%dma_start3A_347 : memref<10000x128xf32, #tpu.memory_space<hbm>>) target(%dma_start3A_343 : memref<40x128xf32, #tpu.memory_space<vmem>>) offsets(%dma_start3A_344 : memref<40xi32, #tpu.memory_space<vmem>>) semaphore(%arg10 : memref<!tpu.dma_semaphore, #tpu.memory_space<semaphore_mem>>)
      } else {
      }
      %mul3A_296 = arith.constant 4 : i32
      %mul3A_297 = arith.muli %scan3A_184, %mul3A_296 : i32
      %add3A_298 = arith.constant 3 : i32
      %add3A_299 = arith.addi %mul3A_297, %add3A_298 : i32
      %mul3A_300 = arith.constant 40 : i32
      %mul3A_301 = arith.muli %add3A_299, %mul3A_300 : i32
      %dma_wait3A_302 = arith.constant 3 : i32
      %dma_wait3A_303 = arith.constant 0 : i32
      %dma_wait3A_304 = arith.constant 0 : i32
      %dma_wait3A_305 = tpu.memref_slice %arg7[%dma_wait3A_302, %dma_wait3A_303, %dma_wait3A_304] : memref<4x40x128xf32, #tpu.memory_space<vmem>> -> memref<1x40x128xf32, #tpu.memory_space<vmem>>
      %dma_wait3A_306 = tpu.memref_squeeze %dma_wait3A_305 : memref<1x40x128xf32, #tpu.memory_space<vmem>> -> memref<40x128xf32, #tpu.memory_space<vmem>>
      %dma_wait3A_307 = tpu.memref_slice %arg5[%mul3A_301] : memref<5120xi32, #tpu.memory_space<vmem>> -> memref<40xi32, #tpu.memory_space<vmem>>
      %dma_wait3A_308 = arith.constant 0 : i32
      %dma_wait3A_309 = arith.constant 0 : i32
      %dma_wait3A_310 = tpu.memref_slice %arg3[%dma_wait3A_308, %dma_wait3A_309] : memref<10000x128xf32, #tpu.memory_space<hbm>> -> memref<10000x128xf32, #tpu.memory_space<hbm>>
      tpu.wait_indirect_dma semaphore(%arg13 : memref<!tpu.dma_semaphore, #tpu.memory_space<semaphore_mem>>) src(%dma_wait3A_310 : memref<10000x128xf32, #tpu.memory_space<hbm>>) dst(%dma_wait3A_306 : memref<40x128xf32, #tpu.memory_space<vmem>>)
      %mul3A_311 = arith.constant 40 : i32
      %mul3A_312 = arith.muli %add3A_299, %mul3A_311 : i32
      %dma_start3A_313 = arith.constant 3 : i32
      %dma_start3A_314 = arith.constant 0 : i32
      %dma_start3A_315 = arith.constant 0 : i32
      %dma_start3A_316 = tpu.memref_slice %arg7[%dma_start3A_313, %dma_start3A_314, %dma_start3A_315] : memref<4x40x128xf32, #tpu.memory_space<vmem>> -> memref<1x40x128xf32, #tpu.memory_space<vmem>>
      %dma_start3A_317 = tpu.memref_squeeze %dma_start3A_316 : memref<1x40x128xf32, #tpu.memory_space<vmem>> -> memref<40x128xf32, #tpu.memory_space<vmem>>
      %dma_start3A_318 = tpu.memref_slice %arg6[%mul3A_312] : memref<5120xi32, #tpu.memory_space<vmem>> -> memref<40xi32, #tpu.memory_space<vmem>>
      %dma_start3A_319 = arith.constant 0 : i32
      %dma_start3A_320 = arith.constant 0 : i32
      %dma_start3A_321 = tpu.memref_slice %arg9[%dma_start3A_319, %dma_start3A_320] : memref<10240x128xf32, #tpu.memory_space<vmem_shared>> -> memref<10240x128xf32, #tpu.memory_space<vmem_shared>>
      tpu.enqueue_indirect_dma source(%dma_start3A_317 : memref<40x128xf32, #tpu.memory_space<vmem>>) target(%dma_start3A_321 : memref<10240x128xf32, #tpu.memory_space<vmem_shared>>) offsets(%dma_start3A_318 : memref<40xi32, #tpu.memory_space<vmem>>) semaphore(%arg17 : memref<!tpu.dma_semaphore, #tpu.memory_space<semaphore_mem>>) {add = true}
      %ge3A_322 = arith.constant 2 : i32
      %ge3A_323 = arith.cmpi sge, %add3A_299, %ge3A_322 : i32
      %convert_element_type3A_324 = arith.extui %ge3A_323 : i1 to i32
      %cond3A_325 = arith.constant 0 : i32
      %cond3A_326 = arith.cmpi ne, %convert_element_type3A_324, %cond3A_325 : i32
      scf.if %cond3A_326 {
        %sub3A = arith.constant 2 : i32
        %sub3A_335 = arith.subi %add3A_299, %sub3A : i32
        %mul3A_336 = arith.constant 40 : i32
        %mul3A_337 = arith.muli %sub3A_335, %mul3A_336 : i32
        %dma_wait3A_338 = arith.constant 1 : i32
        %dma_wait3A_339 = arith.constant 0 : i32
        %dma_wait3A_340 = arith.constant 0 : i32
        %dma_wait3A_341 = tpu.memref_slice %arg7[%dma_wait3A_338, %dma_wait3A_339, %dma_wait3A_340] : memref<4x40x128xf32, #tpu.memory_space<vmem>> -> memref<1x40x128xf32, #tpu.memory_space<vmem>>
        %dma_wait3A_342 = tpu.memref_squeeze %dma_wait3A_341 : memref<1x40x128xf32, #tpu.memory_space<vmem>> -> memref<40x128xf32, #tpu.memory_space<vmem>>
        %dma_wait3A_343 = tpu.memref_slice %arg6[%mul3A_337] : memref<5120xi32, #tpu.memory_space<vmem>> -> memref<40xi32, #tpu.memory_space<vmem>>
        %dma_wait3A_344 = arith.constant 0 : i32
        %dma_wait3A_345 = arith.constant 0 : i32
        %dma_wait3A_346 = tpu.memref_slice %arg9[%dma_wait3A_344, %dma_wait3A_345] : memref<10240x128xf32, #tpu.memory_space<vmem_shared>> -> memref<10240x128xf32, #tpu.memory_space<vmem_shared>>
        tpu.wait_indirect_dma semaphore(%arg15 : memref<!tpu.dma_semaphore, #tpu.memory_space<semaphore_mem>>) src(%dma_wait3A_342 : memref<40x128xf32, #tpu.memory_space<vmem>>) dst(%dma_wait3A_346 : memref<10240x128xf32, #tpu.memory_space<vmem_shared>>)
      } else {
      }
      %add3A_327 = arith.constant 2 : i32
      %add3A_328 = arith.addi %add3A_299, %add3A_327 : i32
      %lt3A_329 = arith.constant 128 : i32
      %lt3A_330 = arith.cmpi slt, %add3A_328, %lt3A_329 : i32
      %convert_element_type3A_331 = arith.extui %lt3A_330 : i1 to i32
      %cond3A_332 = arith.constant 0 : i32
      %cond3A_333 = arith.cmpi ne, %convert_element_type3A_331, %cond3A_332 : i32
      scf.if %cond3A_333 {
        %add3A_335 = arith.constant 2 : i32
        %add3A_336 = arith.addi %add3A_299, %add3A_335 : i32
        %mul3A_337 = arith.constant 40 : i32
        %mul3A_338 = arith.muli %add3A_336, %mul3A_337 : i32
        %dma_start3A_339 = arith.constant 1 : i32
        %dma_start3A_340 = arith.constant 0 : i32
        %dma_start3A_341 = arith.constant 0 : i32
        %dma_start3A_342 = tpu.memref_slice %arg7[%dma_start3A_339, %dma_start3A_340, %dma_start3A_341] : memref<4x40x128xf32, #tpu.memory_space<vmem>> -> memref<1x40x128xf32, #tpu.memory_space<vmem>>
        %dma_start3A_343 = tpu.memref_squeeze %dma_start3A_342 : memref<1x40x128xf32, #tpu.memory_space<vmem>> -> memref<40x128xf32, #tpu.memory_space<vmem>>
        %dma_start3A_344 = tpu.memref_slice %arg5[%mul3A_338] : memref<5120xi32, #tpu.memory_space<vmem>> -> memref<40xi32, #tpu.memory_space<vmem>>
        %dma_start3A_345 = arith.constant 0 : i32
        %dma_start3A_346 = arith.constant 0 : i32
        %dma_start3A_347 = tpu.memref_slice %arg3[%dma_start3A_345, %dma_start3A_346] : memref<10000x128xf32, #tpu.memory_space<hbm>> -> memref<10000x128xf32, #tpu.memory_space<hbm>>
        tpu.enqueue_indirect_dma source(%dma_start3A_347 : memref<10000x128xf32, #tpu.memory_space<hbm>>) target(%dma_start3A_343 : memref<40x128xf32, #tpu.memory_space<vmem>>) offsets(%dma_start3A_344 : memref<40xi32, #tpu.memory_space<vmem>>) semaphore(%arg11 : memref<!tpu.dma_semaphore, #tpu.memory_space<semaphore_mem>>)
      } else {
      }
      %scan3A_334 = arith.constant 0 : i32
      scf.yield %scan3A_334 : i32
    }
    %scan3A_48 = arith.constant 32 : i32
    %dma_wait3A = arith.constant 2 : i32
    %dma_wait3A_49 = arith.constant 0 : i32
    %dma_wait3A_50 = arith.constant 0 : i32
    %dma_wait3A_51 = tpu.memref_slice %arg7[%dma_wait3A, %dma_wait3A_49, %dma_wait3A_50] : memref<4x40x128xf32, #tpu.memory_space<vmem>> -> memref<1x40x128xf32, #tpu.memory_space<vmem>>
    %dma_wait3A_52 = tpu.memref_squeeze %dma_wait3A_51 : memref<1x40x128xf32, #tpu.memory_space<vmem>> -> memref<40x128xf32, #tpu.memory_space<vmem>>
    %dma_wait3A_53 = arith.constant 5040 : i32
    %dma_wait3A_54 = tpu.memref_slice %arg6[%dma_wait3A_53] : memref<5120xi32, #tpu.memory_space<vmem>> -> memref<40xi32, #tpu.memory_space<vmem>>
    %dma_wait3A_55 = arith.constant 0 : i32
    %dma_wait3A_56 = arith.constant 0 : i32
    %dma_wait3A_57 = tpu.memref_slice %arg9[%dma_wait3A_55, %dma_wait3A_56] : memref<10240x128xf32, #tpu.memory_space<vmem_shared>> -> memref<10240x128xf32, #tpu.memory_space<vmem_shared>>
    tpu.wait_indirect_dma semaphore(%arg16 : memref<!tpu.dma_semaphore, #tpu.memory_space<semaphore_mem>>) src(%dma_wait3A_52 : memref<40x128xf32, #tpu.memory_space<vmem>>) dst(%dma_wait3A_57 : memref<10240x128xf32, #tpu.memory_space<vmem_shared>>)
    %dma_wait3A_58 = arith.constant 3 : i32
    %dma_wait3A_59 = arith.constant 0 : i32
    %dma_wait3A_60 = arith.constant 0 : i32
    %dma_wait3A_61 = tpu.memref_slice %arg7[%dma_wait3A_58, %dma_wait3A_59, %dma_wait3A_60] : memref<4x40x128xf32, #tpu.memory_space<vmem>> -> memref<1x40x128xf32, #tpu.memory_space<vmem>>
    %dma_wait3A_62 = tpu.memref_squeeze %dma_wait3A_61 : memref<1x40x128xf32, #tpu.memory_space<vmem>> -> memref<40x128xf32, #tpu.memory_space<vmem>>
    %dma_wait3A_63 = arith.constant 5080 : i32
    %dma_wait3A_64 = tpu.memref_slice %arg6[%dma_wait3A_63] : memref<5120xi32, #tpu.memory_space<vmem>> -> memref<40xi32, #tpu.memory_space<vmem>>
    %dma_wait3A_65 = arith.constant 0 : i32
    %dma_wait3A_66 = arith.constant 0 : i32
    %dma_wait3A_67 = tpu.memref_slice %arg9[%dma_wait3A_65, %dma_wait3A_66] : memref<10240x128xf32, #tpu.memory_space<vmem_shared>> -> memref<10240x128xf32, #tpu.memory_space<vmem_shared>>
    tpu.wait_indirect_dma semaphore(%arg17 : memref<!tpu.dma_semaphore, #tpu.memory_space<semaphore_mem>>) src(%dma_wait3A_62 : memref<40x128xf32, #tpu.memory_space<vmem>>) dst(%dma_wait3A_67 : memref<10240x128xf32, #tpu.memory_space<vmem_shared>>)
    %mul3A_68 = arith.constant 250 : i32
    %mul3A_69 = arith.muli %add3A, %mul3A_68 : i32
    %add3A_70 = arith.constant 128 : i32
    %add3A_71 = arith.addi %mul3A_69, %add3A_70 : i32
    %mul3A_72 = arith.constant 40 : i32
    %mul3A_73 = arith.muli %add3A_71, %mul3A_72 : i32
    %run_scoped3A_74 = arith.constant 0 : i32
    "tpu.region"() ({
      %run_scoped3A_184 = tpu.sem_alloc : memref<!tpu.dma_semaphore, #tpu.memory_space<semaphore_mem>>
      %dma_start3A_185 = arith.constant 0 : i32
      %dma_start3A_186 = tpu.memref_slice %arg5[%dma_start3A_185] : memref<5120xi32, #tpu.memory_space<vmem>> -> memref<4880xi32, #tpu.memory_space<vmem>>
      %dma_start3A_187 = tpu.memref_slice %arg2[%run_scoped3A_74, %mul3A_73] : memref<2x320000xi32, #tpu.memory_space<hbm>> -> memref<1x4880xi32, #tpu.memory_space<hbm>>
      %dma_start3A_188 = tpu.memref_squeeze %dma_start3A_187 : memref<1x4880xi32, #tpu.memory_space<hbm>> -> memref<4880xi32, #tpu.memory_space<hbm>>
      %dma_start3A_189 = arith.constant 0 : i32
      %dma_start3A_190 = tpu.memref_slice %arg5[%dma_start3A_189] : memref<5120xi32, #tpu.memory_space<vmem>> -> memref<4880xi32, #tpu.memory_space<vmem>>
      %dma_start3A_191 = tpu.memref_slice %arg2[%run_scoped3A_74, %mul3A_73] : memref<2x320000xi32, #tpu.memory_space<hbm>> -> memref<1x4880xi32, #tpu.memory_space<hbm>>
      %dma_start3A_192 = tpu.memref_squeeze %dma_start3A_191 : memref<1x4880xi32, #tpu.memory_space<hbm>> -> memref<4880xi32, #tpu.memory_space<hbm>>
      tpu.enqueue_dma source(%dma_start3A_192 : memref<4880xi32, #tpu.memory_space<hbm>>) target(%dma_start3A_190 : memref<4880xi32, #tpu.memory_space<vmem>>) target_semaphore(%run_scoped3A_184 : memref<!tpu.dma_semaphore, #tpu.memory_space<semaphore_mem>>)
      %dma_wait3A_193 = arith.constant 0 : i32
      %dma_wait3A_194 = tpu.memref_slice %arg5[%dma_wait3A_193] : memref<5120xi32, #tpu.memory_space<vmem>> -> memref<4880xi32, #tpu.memory_space<vmem>>
      %dma_wait3A_195 = tpu.memref_slice %arg2[%run_scoped3A_74, %mul3A_73] : memref<2x320000xi32, #tpu.memory_space<hbm>> -> memref<1x4880xi32, #tpu.memory_space<hbm>>
      %dma_wait3A_196 = tpu.memref_squeeze %dma_wait3A_195 : memref<1x4880xi32, #tpu.memory_space<hbm>> -> memref<4880xi32, #tpu.memory_space<hbm>>
      %dma_wait3A_197 = arith.constant 0 : i32
      %dma_wait3A_198 = tpu.memref_slice %arg5[%dma_wait3A_197] : memref<5120xi32, #tpu.memory_space<vmem>> -> memref<4880xi32, #tpu.memory_space<vmem>>
      %dma_wait3A_199 = tpu.memref_slice %arg2[%run_scoped3A_74, %mul3A_73] : memref<2x320000xi32, #tpu.memory_space<hbm>> -> memref<1x4880xi32, #tpu.memory_space<hbm>>
      %dma_wait3A_200 = tpu.memref_squeeze %dma_wait3A_199 : memref<1x4880xi32, #tpu.memory_space<hbm>> -> memref<4880xi32, #tpu.memory_space<hbm>>
      tpu.wait_dma2 semaphore(%run_scoped3A_184 : memref<!tpu.dma_semaphore, #tpu.memory_space<semaphore_mem>>) src(%dma_wait3A_200 : memref<4880xi32, #tpu.memory_space<hbm>>) dst(%dma_wait3A_198 : memref<4880xi32, #tpu.memory_space<vmem>>)
      tpu.yield
    }) : () -> ()
    %run_scoped3A_75 = arith.constant 1 : i32
    "tpu.region"() ({
      %run_scoped3A_184 = tpu.sem_alloc : memref<!tpu.dma_semaphore, #tpu.memory_space<semaphore_mem>>
      %dma_start3A_185 = arith.constant 0 : i32
      %dma_start3A_186 = tpu.memref_slice %arg6[%dma_start3A_185] : memref<5120xi32, #tpu.memory_space<vmem>> -> memref<4880xi32, #tpu.memory_space<vmem>>
      %dma_start3A_187 = tpu.memref_slice %arg2[%run_scoped3A_75, %mul3A_73] : memref<2x320000xi32, #tpu.memory_space<hbm>> -> memref<1x4880xi32, #tpu.memory_space<hbm>>
      %dma_start3A_188 = tpu.memref_squeeze %dma_start3A_187 : memref<1x4880xi32, #tpu.memory_space<hbm>> -> memref<4880xi32, #tpu.memory_space<hbm>>
      %dma_start3A_189 = arith.constant 0 : i32
      %dma_start3A_190 = tpu.memref_slice %arg6[%dma_start3A_189] : memref<5120xi32, #tpu.memory_space<vmem>> -> memref<4880xi32, #tpu.memory_space<vmem>>
      %dma_start3A_191 = tpu.memref_slice %arg2[%run_scoped3A_75, %mul3A_73] : memref<2x320000xi32, #tpu.memory_space<hbm>> -> memref<1x4880xi32, #tpu.memory_space<hbm>>
      %dma_start3A_192 = tpu.memref_squeeze %dma_start3A_191 : memref<1x4880xi32, #tpu.memory_space<hbm>> -> memref<4880xi32, #tpu.memory_space<hbm>>
      tpu.enqueue_dma source(%dma_start3A_192 : memref<4880xi32, #tpu.memory_space<hbm>>) target(%dma_start3A_190 : memref<4880xi32, #tpu.memory_space<vmem>>) target_semaphore(%run_scoped3A_184 : memref<!tpu.dma_semaphore, #tpu.memory_space<semaphore_mem>>)
      %dma_wait3A_193 = arith.constant 0 : i32
      %dma_wait3A_194 = tpu.memref_slice %arg6[%dma_wait3A_193] : memref<5120xi32, #tpu.memory_space<vmem>> -> memref<4880xi32, #tpu.memory_space<vmem>>
      %dma_wait3A_195 = tpu.memref_slice %arg2[%run_scoped3A_75, %mul3A_73] : memref<2x320000xi32, #tpu.memory_space<hbm>> -> memref<1x4880xi32, #tpu.memory_space<hbm>>
      %dma_wait3A_196 = tpu.memref_squeeze %dma_wait3A_195 : memref<1x4880xi32, #tpu.memory_space<hbm>> -> memref<4880xi32, #tpu.memory_space<hbm>>
      %dma_wait3A_197 = arith.constant 0 : i32
      %dma_wait3A_198 = tpu.memref_slice %arg6[%dma_wait3A_197] : memref<5120xi32, #tpu.memory_space<vmem>> -> memref<4880xi32, #tpu.memory_space<vmem>>
      %dma_wait3A_199 = tpu.memref_slice %arg2[%run_scoped3A_75, %mul3A_73] : memref<2x320000xi32, #tpu.memory_space<hbm>> -> memref<1x4880xi32, #tpu.memory_space<hbm>>
      %dma_wait3A_200 = tpu.memref_squeeze %dma_wait3A_199 : memref<1x4880xi32, #tpu.memory_space<hbm>> -> memref<4880xi32, #tpu.memory_space<hbm>>
      tpu.wait_dma2 semaphore(%run_scoped3A_184 : memref<!tpu.dma_semaphore, #tpu.memory_space<semaphore_mem>>) src(%dma_wait3A_200 : memref<4880xi32, #tpu.memory_space<hbm>>) dst(%dma_wait3A_198 : memref<4880xi32, #tpu.memory_space<vmem>>)
      tpu.yield
    }) : () -> ()
    %dma_start3A_76 = arith.constant 0 : i32
    %dma_start3A_77 = arith.constant 0 : i32
    %dma_start3A_78 = arith.constant 0 : i32
    %dma_start3A_79 = tpu.memref_slice %arg7[%dma_start3A_76, %dma_start3A_77, %dma_start3A_78] : memref<4x40x128xf32, #tpu.memory_space<vmem>> -> memref<1x40x128xf32, #tpu.memory_space<vmem>>
    %dma_start3A_80 = tpu.memref_squeeze %dma_start3A_79 : memref<1x40x128xf32, #tpu.memory_space<vmem>> -> memref<40x128xf32, #tpu.memory_space<vmem>>
    %dma_start3A_81 = arith.constant 0 : i32
    %dma_start3A_82 = tpu.memref_slice %arg5[%dma_start3A_81] : memref<5120xi32, #tpu.memory_space<vmem>> -> memref<40xi32, #tpu.memory_space<vmem>>
    %dma_start3A_83 = arith.constant 0 : i32
    %dma_start3A_84 = arith.constant 0 : i32
    %dma_start3A_85 = tpu.memref_slice %arg3[%dma_start3A_83, %dma_start3A_84] : memref<10000x128xf32, #tpu.memory_space<hbm>> -> memref<10000x128xf32, #tpu.memory_space<hbm>>
    tpu.enqueue_indirect_dma source(%dma_start3A_85 : memref<10000x128xf32, #tpu.memory_space<hbm>>) target(%dma_start3A_80 : memref<40x128xf32, #tpu.memory_space<vmem>>) offsets(%dma_start3A_82 : memref<40xi32, #tpu.memory_space<vmem>>) semaphore(%arg10 : memref<!tpu.dma_semaphore, #tpu.memory_space<semaphore_mem>>)
    %dma_start3A_86 = arith.constant 1 : i32
    %dma_start3A_87 = arith.constant 0 : i32
    %dma_start3A_88 = arith.constant 0 : i32
    %dma_start3A_89 = tpu.memref_slice %arg7[%dma_start3A_86, %dma_start3A_87, %dma_start3A_88] : memref<4x40x128xf32, #tpu.memory_space<vmem>> -> memref<1x40x128xf32, #tpu.memory_space<vmem>>
    %dma_start3A_90 = tpu.memref_squeeze %dma_start3A_89 : memref<1x40x128xf32, #tpu.memory_space<vmem>> -> memref<40x128xf32, #tpu.memory_space<vmem>>
    %dma_start3A_91 = arith.constant 40 : i32
    %dma_start3A_92 = tpu.memref_slice %arg5[%dma_start3A_91] : memref<5120xi32, #tpu.memory_space<vmem>> -> memref<40xi32, #tpu.memory_space<vmem>>
    %dma_start3A_93 = arith.constant 0 : i32
    %dma_start3A_94 = arith.constant 0 : i32
    %dma_start3A_95 = tpu.memref_slice %arg3[%dma_start3A_93, %dma_start3A_94] : memref<10000x128xf32, #tpu.memory_space<hbm>> -> memref<10000x128xf32, #tpu.memory_space<hbm>>
    tpu.enqueue_indirect_dma source(%dma_start3A_95 : memref<10000x128xf32, #tpu.memory_space<hbm>>) target(%dma_start3A_90 : memref<40x128xf32, #tpu.memory_space<vmem>>) offsets(%dma_start3A_92 : memref<40xi32, #tpu.memory_space<vmem>>) semaphore(%arg11 : memref<!tpu.dma_semaphore, #tpu.memory_space<semaphore_mem>>)
    %scan3A_96 = arith.constant 0 : i32
    %scan3A_97 = arith.constant 0 : i32
    %scan3A_98 = arith.constant 30 : i32
    %scan3A_99 = arith.addi %scan3A_97, %scan3A_98 : i32
    %scan3A_100 = arith.constant 1 : i32
    %scan3A_101 = scf.for %scan3A_184 = %scan3A_97 to %scan3A_99 step %scan3A_100 iter_args(%scan3A_185 = %scan3A_96) -> (i32)  : i32 {
      %mul3A_186 = arith.constant 4 : i32
      %mul3A_187 = arith.muli %scan3A_184, %mul3A_186 : i32
      %add3A_188 = arith.constant 0 : i32
      %add3A_189 = arith.addi %mul3A_187, %add3A_188 : i32
      %mul3A_190 = arith.constant 40 : i32
      %mul3A_191 = arith.muli %add3A_189, %mul3A_190 : i32
      %dma_wait3A_192 = arith.constant 0 : i32
      %dma_wait3A_193 = arith.constant 0 : i32
      %dma_wait3A_194 = arith.constant 0 : i32
      %dma_wait3A_195 = tpu.memref_slice %arg7[%dma_wait3A_192, %dma_wait3A_193, %dma_wait3A_194] : memref<4x40x128xf32, #tpu.memory_space<vmem>> -> memref<1x40x128xf32, #tpu.memory_space<vmem>>
      %dma_wait3A_196 = tpu.memref_squeeze %dma_wait3A_195 : memref<1x40x128xf32, #tpu.memory_space<vmem>> -> memref<40x128xf32, #tpu.memory_space<vmem>>
      %dma_wait3A_197 = tpu.memref_slice %arg5[%mul3A_191] : memref<5120xi32, #tpu.memory_space<vmem>> -> memref<40xi32, #tpu.memory_space<vmem>>
      %dma_wait3A_198 = arith.constant 0 : i32
      %dma_wait3A_199 = arith.constant 0 : i32
      %dma_wait3A_200 = tpu.memref_slice %arg3[%dma_wait3A_198, %dma_wait3A_199] : memref<10000x128xf32, #tpu.memory_space<hbm>> -> memref<10000x128xf32, #tpu.memory_space<hbm>>
      tpu.wait_indirect_dma semaphore(%arg10 : memref<!tpu.dma_semaphore, #tpu.memory_space<semaphore_mem>>) src(%dma_wait3A_200 : memref<10000x128xf32, #tpu.memory_space<hbm>>) dst(%dma_wait3A_196 : memref<40x128xf32, #tpu.memory_space<vmem>>)
      %mul3A_201 = arith.constant 40 : i32
      %mul3A_202 = arith.muli %add3A_189, %mul3A_201 : i32
      %dma_start3A_203 = arith.constant 0 : i32
      %dma_start3A_204 = arith.constant 0 : i32
      %dma_start3A_205 = arith.constant 0 : i32
      %dma_start3A_206 = tpu.memref_slice %arg7[%dma_start3A_203, %dma_start3A_204, %dma_start3A_205] : memref<4x40x128xf32, #tpu.memory_space<vmem>> -> memref<1x40x128xf32, #tpu.memory_space<vmem>>
      %dma_start3A_207 = tpu.memref_squeeze %dma_start3A_206 : memref<1x40x128xf32, #tpu.memory_space<vmem>> -> memref<40x128xf32, #tpu.memory_space<vmem>>
      %dma_start3A_208 = tpu.memref_slice %arg6[%mul3A_202] : memref<5120xi32, #tpu.memory_space<vmem>> -> memref<40xi32, #tpu.memory_space<vmem>>
      %dma_start3A_209 = arith.constant 0 : i32
      %dma_start3A_210 = arith.constant 0 : i32
      %dma_start3A_211 = tpu.memref_slice %arg9[%dma_start3A_209, %dma_start3A_210] : memref<10240x128xf32, #tpu.memory_space<vmem_shared>> -> memref<10240x128xf32, #tpu.memory_space<vmem_shared>>
      tpu.enqueue_indirect_dma source(%dma_start3A_207 : memref<40x128xf32, #tpu.memory_space<vmem>>) target(%dma_start3A_211 : memref<10240x128xf32, #tpu.memory_space<vmem_shared>>) offsets(%dma_start3A_208 : memref<40xi32, #tpu.memory_space<vmem>>) semaphore(%arg14 : memref<!tpu.dma_semaphore, #tpu.memory_space<semaphore_mem>>) {add = true}
      %ge3A = arith.constant 2 : i32
      %ge3A_212 = arith.cmpi sge, %add3A_189, %ge3A : i32
      %convert_element_type3A = arith.extui %ge3A_212 : i1 to i32
      %cond3A = arith.constant 0 : i32
      %cond3A_213 = arith.cmpi ne, %convert_element_type3A, %cond3A : i32
      scf.if %cond3A_213 {
        %sub3A = arith.constant 2 : i32
        %sub3A_335 = arith.subi %add3A_189, %sub3A : i32
        %mul3A_336 = arith.constant 40 : i32
        %mul3A_337 = arith.muli %sub3A_335, %mul3A_336 : i32
        %dma_wait3A_338 = arith.constant 2 : i32
        %dma_wait3A_339 = arith.constant 0 : i32
        %dma_wait3A_340 = arith.constant 0 : i32
        %dma_wait3A_341 = tpu.memref_slice %arg7[%dma_wait3A_338, %dma_wait3A_339, %dma_wait3A_340] : memref<4x40x128xf32, #tpu.memory_space<vmem>> -> memref<1x40x128xf32, #tpu.memory_space<vmem>>
        %dma_wait3A_342 = tpu.memref_squeeze %dma_wait3A_341 : memref<1x40x128xf32, #tpu.memory_space<vmem>> -> memref<40x128xf32, #tpu.memory_space<vmem>>
        %dma_wait3A_343 = tpu.memref_slice %arg6[%mul3A_337] : memref<5120xi32, #tpu.memory_space<vmem>> -> memref<40xi32, #tpu.memory_space<vmem>>
        %dma_wait3A_344 = arith.constant 0 : i32
        %dma_wait3A_345 = arith.constant 0 : i32
        %dma_wait3A_346 = tpu.memref_slice %arg9[%dma_wait3A_344, %dma_wait3A_345] : memref<10240x128xf32, #tpu.memory_space<vmem_shared>> -> memref<10240x128xf32, #tpu.memory_space<vmem_shared>>
        tpu.wait_indirect_dma semaphore(%arg16 : memref<!tpu.dma_semaphore, #tpu.memory_space<semaphore_mem>>) src(%dma_wait3A_342 : memref<40x128xf32, #tpu.memory_space<vmem>>) dst(%dma_wait3A_346 : memref<10240x128xf32, #tpu.memory_space<vmem_shared>>)
      } else {
      }
      %add3A_214 = arith.constant 2 : i32
      %add3A_215 = arith.addi %add3A_189, %add3A_214 : i32
      %lt3A = arith.constant 122 : i32
      %lt3A_216 = arith.cmpi slt, %add3A_215, %lt3A : i32
      %convert_element_type3A_217 = arith.extui %lt3A_216 : i1 to i32
      %cond3A_218 = arith.constant 0 : i32
      %cond3A_219 = arith.cmpi ne, %convert_element_type3A_217, %cond3A_218 : i32
      scf.if %cond3A_219 {
        %add3A_335 = arith.constant 2 : i32
        %add3A_336 = arith.addi %add3A_189, %add3A_335 : i32
        %mul3A_337 = arith.constant 40 : i32
        %mul3A_338 = arith.muli %add3A_336, %mul3A_337 : i32
        %dma_start3A_339 = arith.constant 2 : i32
        %dma_start3A_340 = arith.constant 0 : i32
        %dma_start3A_341 = arith.constant 0 : i32
        %dma_start3A_342 = tpu.memref_slice %arg7[%dma_start3A_339, %dma_start3A_340, %dma_start3A_341] : memref<4x40x128xf32, #tpu.memory_space<vmem>> -> memref<1x40x128xf32, #tpu.memory_space<vmem>>
        %dma_start3A_343 = tpu.memref_squeeze %dma_start3A_342 : memref<1x40x128xf32, #tpu.memory_space<vmem>> -> memref<40x128xf32, #tpu.memory_space<vmem>>
        %dma_start3A_344 = tpu.memref_slice %arg5[%mul3A_338] : memref<5120xi32, #tpu.memory_space<vmem>> -> memref<40xi32, #tpu.memory_space<vmem>>
        %dma_start3A_345 = arith.constant 0 : i32
        %dma_start3A_346 = arith.constant 0 : i32
        %dma_start3A_347 = tpu.memref_slice %arg3[%dma_start3A_345, %dma_start3A_346] : memref<10000x128xf32, #tpu.memory_space<hbm>> -> memref<10000x128xf32, #tpu.memory_space<hbm>>
        tpu.enqueue_indirect_dma source(%dma_start3A_347 : memref<10000x128xf32, #tpu.memory_space<hbm>>) target(%dma_start3A_343 : memref<40x128xf32, #tpu.memory_space<vmem>>) offsets(%dma_start3A_344 : memref<40xi32, #tpu.memory_space<vmem>>) semaphore(%arg12 : memref<!tpu.dma_semaphore, #tpu.memory_space<semaphore_mem>>)
      } else {
      }
      %mul3A_220 = arith.constant 4 : i32
      %mul3A_221 = arith.muli %scan3A_184, %mul3A_220 : i32
      %add3A_222 = arith.constant 1 : i32
      %add3A_223 = arith.addi %mul3A_221, %add3A_222 : i32
      %mul3A_224 = arith.constant 40 : i32
      %mul3A_225 = arith.muli %add3A_223, %mul3A_224 : i32
      %dma_wait3A_226 = arith.constant 1 : i32
      %dma_wait3A_227 = arith.constant 0 : i32
      %dma_wait3A_228 = arith.constant 0 : i32
      %dma_wait3A_229 = tpu.memref_slice %arg7[%dma_wait3A_226, %dma_wait3A_227, %dma_wait3A_228] : memref<4x40x128xf32, #tpu.memory_space<vmem>> -> memref<1x40x128xf32, #tpu.memory_space<vmem>>
      %dma_wait3A_230 = tpu.memref_squeeze %dma_wait3A_229 : memref<1x40x128xf32, #tpu.memory_space<vmem>> -> memref<40x128xf32, #tpu.memory_space<vmem>>
      %dma_wait3A_231 = tpu.memref_slice %arg5[%mul3A_225] : memref<5120xi32, #tpu.memory_space<vmem>> -> memref<40xi32, #tpu.memory_space<vmem>>
      %dma_wait3A_232 = arith.constant 0 : i32
      %dma_wait3A_233 = arith.constant 0 : i32
      %dma_wait3A_234 = tpu.memref_slice %arg3[%dma_wait3A_232, %dma_wait3A_233] : memref<10000x128xf32, #tpu.memory_space<hbm>> -> memref<10000x128xf32, #tpu.memory_space<hbm>>
      tpu.wait_indirect_dma semaphore(%arg11 : memref<!tpu.dma_semaphore, #tpu.memory_space<semaphore_mem>>) src(%dma_wait3A_234 : memref<10000x128xf32, #tpu.memory_space<hbm>>) dst(%dma_wait3A_230 : memref<40x128xf32, #tpu.memory_space<vmem>>)
      %mul3A_235 = arith.constant 40 : i32
      %mul3A_236 = arith.muli %add3A_223, %mul3A_235 : i32
      %dma_start3A_237 = arith.constant 1 : i32
      %dma_start3A_238 = arith.constant 0 : i32
      %dma_start3A_239 = arith.constant 0 : i32
      %dma_start3A_240 = tpu.memref_slice %arg7[%dma_start3A_237, %dma_start3A_238, %dma_start3A_239] : memref<4x40x128xf32, #tpu.memory_space<vmem>> -> memref<1x40x128xf32, #tpu.memory_space<vmem>>
      %dma_start3A_241 = tpu.memref_squeeze %dma_start3A_240 : memref<1x40x128xf32, #tpu.memory_space<vmem>> -> memref<40x128xf32, #tpu.memory_space<vmem>>
      %dma_start3A_242 = tpu.memref_slice %arg6[%mul3A_236] : memref<5120xi32, #tpu.memory_space<vmem>> -> memref<40xi32, #tpu.memory_space<vmem>>
      %dma_start3A_243 = arith.constant 0 : i32
      %dma_start3A_244 = arith.constant 0 : i32
      %dma_start3A_245 = tpu.memref_slice %arg9[%dma_start3A_243, %dma_start3A_244] : memref<10240x128xf32, #tpu.memory_space<vmem_shared>> -> memref<10240x128xf32, #tpu.memory_space<vmem_shared>>
      tpu.enqueue_indirect_dma source(%dma_start3A_241 : memref<40x128xf32, #tpu.memory_space<vmem>>) target(%dma_start3A_245 : memref<10240x128xf32, #tpu.memory_space<vmem_shared>>) offsets(%dma_start3A_242 : memref<40xi32, #tpu.memory_space<vmem>>) semaphore(%arg15 : memref<!tpu.dma_semaphore, #tpu.memory_space<semaphore_mem>>) {add = true}
      %ge3A_246 = arith.constant 2 : i32
      %ge3A_247 = arith.cmpi sge, %add3A_223, %ge3A_246 : i32
      %convert_element_type3A_248 = arith.extui %ge3A_247 : i1 to i32
      %cond3A_249 = arith.constant 0 : i32
      %cond3A_250 = arith.cmpi ne, %convert_element_type3A_248, %cond3A_249 : i32
      scf.if %cond3A_250 {
        %sub3A = arith.constant 2 : i32
        %sub3A_335 = arith.subi %add3A_223, %sub3A : i32
        %mul3A_336 = arith.constant 40 : i32
        %mul3A_337 = arith.muli %sub3A_335, %mul3A_336 : i32
        %dma_wait3A_338 = arith.constant 3 : i32
        %dma_wait3A_339 = arith.constant 0 : i32
        %dma_wait3A_340 = arith.constant 0 : i32
        %dma_wait3A_341 = tpu.memref_slice %arg7[%dma_wait3A_338, %dma_wait3A_339, %dma_wait3A_340] : memref<4x40x128xf32, #tpu.memory_space<vmem>> -> memref<1x40x128xf32, #tpu.memory_space<vmem>>
        %dma_wait3A_342 = tpu.memref_squeeze %dma_wait3A_341 : memref<1x40x128xf32, #tpu.memory_space<vmem>> -> memref<40x128xf32, #tpu.memory_space<vmem>>
        %dma_wait3A_343 = tpu.memref_slice %arg6[%mul3A_337] : memref<5120xi32, #tpu.memory_space<vmem>> -> memref<40xi32, #tpu.memory_space<vmem>>
        %dma_wait3A_344 = arith.constant 0 : i32
        %dma_wait3A_345 = arith.constant 0 : i32
        %dma_wait3A_346 = tpu.memref_slice %arg9[%dma_wait3A_344, %dma_wait3A_345] : memref<10240x128xf32, #tpu.memory_space<vmem_shared>> -> memref<10240x128xf32, #tpu.memory_space<vmem_shared>>
        tpu.wait_indirect_dma semaphore(%arg17 : memref<!tpu.dma_semaphore, #tpu.memory_space<semaphore_mem>>) src(%dma_wait3A_342 : memref<40x128xf32, #tpu.memory_space<vmem>>) dst(%dma_wait3A_346 : memref<10240x128xf32, #tpu.memory_space<vmem_shared>>)
      } else {
      }
      %add3A_251 = arith.constant 2 : i32
      %add3A_252 = arith.addi %add3A_223, %add3A_251 : i32
      %lt3A_253 = arith.constant 122 : i32
      %lt3A_254 = arith.cmpi slt, %add3A_252, %lt3A_253 : i32
      %convert_element_type3A_255 = arith.extui %lt3A_254 : i1 to i32
      %cond3A_256 = arith.constant 0 : i32
      %cond3A_257 = arith.cmpi ne, %convert_element_type3A_255, %cond3A_256 : i32
      scf.if %cond3A_257 {
        %add3A_335 = arith.constant 2 : i32
        %add3A_336 = arith.addi %add3A_223, %add3A_335 : i32
        %mul3A_337 = arith.constant 40 : i32
        %mul3A_338 = arith.muli %add3A_336, %mul3A_337 : i32
        %dma_start3A_339 = arith.constant 3 : i32
        %dma_start3A_340 = arith.constant 0 : i32
        %dma_start3A_341 = arith.constant 0 : i32
        %dma_start3A_342 = tpu.memref_slice %arg7[%dma_start3A_339, %dma_start3A_340, %dma_start3A_341] : memref<4x40x128xf32, #tpu.memory_space<vmem>> -> memref<1x40x128xf32, #tpu.memory_space<vmem>>
        %dma_start3A_343 = tpu.memref_squeeze %dma_start3A_342 : memref<1x40x128xf32, #tpu.memory_space<vmem>> -> memref<40x128xf32, #tpu.memory_space<vmem>>
        %dma_start3A_344 = tpu.memref_slice %arg5[%mul3A_338] : memref<5120xi32, #tpu.memory_space<vmem>> -> memref<40xi32, #tpu.memory_space<vmem>>
        %dma_start3A_345 = arith.constant 0 : i32
        %dma_start3A_346 = arith.constant 0 : i32
        %dma_start3A_347 = tpu.memref_slice %arg3[%dma_start3A_345, %dma_start3A_346] : memref<10000x128xf32, #tpu.memory_space<hbm>> -> memref<10000x128xf32, #tpu.memory_space<hbm>>
        tpu.enqueue_indirect_dma source(%dma_start3A_347 : memref<10000x128xf32, #tpu.memory_space<hbm>>) target(%dma_start3A_343 : memref<40x128xf32, #tpu.memory_space<vmem>>) offsets(%dma_start3A_344 : memref<40xi32, #tpu.memory_space<vmem>>) semaphore(%arg13 : memref<!tpu.dma_semaphore, #tpu.memory_space<semaphore_mem>>)
      } else {
      }
      %mul3A_258 = arith.constant 4 : i32
      %mul3A_259 = arith.muli %scan3A_184, %mul3A_258 : i32
      %add3A_260 = arith.constant 2 : i32
      %add3A_261 = arith.addi %mul3A_259, %add3A_260 : i32
      %mul3A_262 = arith.constant 40 : i32
      %mul3A_263 = arith.muli %add3A_261, %mul3A_262 : i32
      %dma_wait3A_264 = arith.constant 2 : i32
      %dma_wait3A_265 = arith.constant 0 : i32
      %dma_wait3A_266 = arith.constant 0 : i32
      %dma_wait3A_267 = tpu.memref_slice %arg7[%dma_wait3A_264, %dma_wait3A_265, %dma_wait3A_266] : memref<4x40x128xf32, #tpu.memory_space<vmem>> -> memref<1x40x128xf32, #tpu.memory_space<vmem>>
      %dma_wait3A_268 = tpu.memref_squeeze %dma_wait3A_267 : memref<1x40x128xf32, #tpu.memory_space<vmem>> -> memref<40x128xf32, #tpu.memory_space<vmem>>
      %dma_wait3A_269 = tpu.memref_slice %arg5[%mul3A_263] : memref<5120xi32, #tpu.memory_space<vmem>> -> memref<40xi32, #tpu.memory_space<vmem>>
      %dma_wait3A_270 = arith.constant 0 : i32
      %dma_wait3A_271 = arith.constant 0 : i32
      %dma_wait3A_272 = tpu.memref_slice %arg3[%dma_wait3A_270, %dma_wait3A_271] : memref<10000x128xf32, #tpu.memory_space<hbm>> -> memref<10000x128xf32, #tpu.memory_space<hbm>>
      tpu.wait_indirect_dma semaphore(%arg12 : memref<!tpu.dma_semaphore, #tpu.memory_space<semaphore_mem>>) src(%dma_wait3A_272 : memref<10000x128xf32, #tpu.memory_space<hbm>>) dst(%dma_wait3A_268 : memref<40x128xf32, #tpu.memory_space<vmem>>)
      %mul3A_273 = arith.constant 40 : i32
      %mul3A_274 = arith.muli %add3A_261, %mul3A_273 : i32
      %dma_start3A_275 = arith.constant 2 : i32
      %dma_start3A_276 = arith.constant 0 : i32
      %dma_start3A_277 = arith.constant 0 : i32
      %dma_start3A_278 = tpu.memref_slice %arg7[%dma_start3A_275, %dma_start3A_276, %dma_start3A_277] : memref<4x40x128xf32, #tpu.memory_space<vmem>> -> memref<1x40x128xf32, #tpu.memory_space<vmem>>
      %dma_start3A_279 = tpu.memref_squeeze %dma_start3A_278 : memref<1x40x128xf32, #tpu.memory_space<vmem>> -> memref<40x128xf32, #tpu.memory_space<vmem>>
      %dma_start3A_280 = tpu.memref_slice %arg6[%mul3A_274] : memref<5120xi32, #tpu.memory_space<vmem>> -> memref<40xi32, #tpu.memory_space<vmem>>
      %dma_start3A_281 = arith.constant 0 : i32
      %dma_start3A_282 = arith.constant 0 : i32
      %dma_start3A_283 = tpu.memref_slice %arg9[%dma_start3A_281, %dma_start3A_282] : memref<10240x128xf32, #tpu.memory_space<vmem_shared>> -> memref<10240x128xf32, #tpu.memory_space<vmem_shared>>
      tpu.enqueue_indirect_dma source(%dma_start3A_279 : memref<40x128xf32, #tpu.memory_space<vmem>>) target(%dma_start3A_283 : memref<10240x128xf32, #tpu.memory_space<vmem_shared>>) offsets(%dma_start3A_280 : memref<40xi32, #tpu.memory_space<vmem>>) semaphore(%arg16 : memref<!tpu.dma_semaphore, #tpu.memory_space<semaphore_mem>>) {add = true}
      %ge3A_284 = arith.constant 2 : i32
      %ge3A_285 = arith.cmpi sge, %add3A_261, %ge3A_284 : i32
      %convert_element_type3A_286 = arith.extui %ge3A_285 : i1 to i32
      %cond3A_287 = arith.constant 0 : i32
      %cond3A_288 = arith.cmpi ne, %convert_element_type3A_286, %cond3A_287 : i32
      scf.if %cond3A_288 {
        %sub3A = arith.constant 2 : i32
        %sub3A_335 = arith.subi %add3A_261, %sub3A : i32
        %mul3A_336 = arith.constant 40 : i32
        %mul3A_337 = arith.muli %sub3A_335, %mul3A_336 : i32
        %dma_wait3A_338 = arith.constant 0 : i32
        %dma_wait3A_339 = arith.constant 0 : i32
        %dma_wait3A_340 = arith.constant 0 : i32
        %dma_wait3A_341 = tpu.memref_slice %arg7[%dma_wait3A_338, %dma_wait3A_339, %dma_wait3A_340] : memref<4x40x128xf32, #tpu.memory_space<vmem>> -> memref<1x40x128xf32, #tpu.memory_space<vmem>>
        %dma_wait3A_342 = tpu.memref_squeeze %dma_wait3A_341 : memref<1x40x128xf32, #tpu.memory_space<vmem>> -> memref<40x128xf32, #tpu.memory_space<vmem>>
        %dma_wait3A_343 = tpu.memref_slice %arg6[%mul3A_337] : memref<5120xi32, #tpu.memory_space<vmem>> -> memref<40xi32, #tpu.memory_space<vmem>>
        %dma_wait3A_344 = arith.constant 0 : i32
        %dma_wait3A_345 = arith.constant 0 : i32
        %dma_wait3A_346 = tpu.memref_slice %arg9[%dma_wait3A_344, %dma_wait3A_345] : memref<10240x128xf32, #tpu.memory_space<vmem_shared>> -> memref<10240x128xf32, #tpu.memory_space<vmem_shared>>
        tpu.wait_indirect_dma semaphore(%arg14 : memref<!tpu.dma_semaphore, #tpu.memory_space<semaphore_mem>>) src(%dma_wait3A_342 : memref<40x128xf32, #tpu.memory_space<vmem>>) dst(%dma_wait3A_346 : memref<10240x128xf32, #tpu.memory_space<vmem_shared>>)
      } else {
      }
      %add3A_289 = arith.constant 2 : i32
      %add3A_290 = arith.addi %add3A_261, %add3A_289 : i32
      %lt3A_291 = arith.constant 122 : i32
      %lt3A_292 = arith.cmpi slt, %add3A_290, %lt3A_291 : i32
      %convert_element_type3A_293 = arith.extui %lt3A_292 : i1 to i32
      %cond3A_294 = arith.constant 0 : i32
      %cond3A_295 = arith.cmpi ne, %convert_element_type3A_293, %cond3A_294 : i32
      scf.if %cond3A_295 {
        %add3A_335 = arith.constant 2 : i32
        %add3A_336 = arith.addi %add3A_261, %add3A_335 : i32
        %mul3A_337 = arith.constant 40 : i32
        %mul3A_338 = arith.muli %add3A_336, %mul3A_337 : i32
        %dma_start3A_339 = arith.constant 0 : i32
        %dma_start3A_340 = arith.constant 0 : i32
        %dma_start3A_341 = arith.constant 0 : i32
        %dma_start3A_342 = tpu.memref_slice %arg7[%dma_start3A_339, %dma_start3A_340, %dma_start3A_341] : memref<4x40x128xf32, #tpu.memory_space<vmem>> -> memref<1x40x128xf32, #tpu.memory_space<vmem>>
        %dma_start3A_343 = tpu.memref_squeeze %dma_start3A_342 : memref<1x40x128xf32, #tpu.memory_space<vmem>> -> memref<40x128xf32, #tpu.memory_space<vmem>>
        %dma_start3A_344 = tpu.memref_slice %arg5[%mul3A_338] : memref<5120xi32, #tpu.memory_space<vmem>> -> memref<40xi32, #tpu.memory_space<vmem>>
        %dma_start3A_345 = arith.constant 0 : i32
        %dma_start3A_346 = arith.constant 0 : i32
        %dma_start3A_347 = tpu.memref_slice %arg3[%dma_start3A_345, %dma_start3A_346] : memref<10000x128xf32, #tpu.memory_space<hbm>> -> memref<10000x128xf32, #tpu.memory_space<hbm>>
        tpu.enqueue_indirect_dma source(%dma_start3A_347 : memref<10000x128xf32, #tpu.memory_space<hbm>>) target(%dma_start3A_343 : memref<40x128xf32, #tpu.memory_space<vmem>>) offsets(%dma_start3A_344 : memref<40xi32, #tpu.memory_space<vmem>>) semaphore(%arg10 : memref<!tpu.dma_semaphore, #tpu.memory_space<semaphore_mem>>)
      } else {
      }
      %mul3A_296 = arith.constant 4 : i32
      %mul3A_297 = arith.muli %scan3A_184, %mul3A_296 : i32
      %add3A_298 = arith.constant 3 : i32
      %add3A_299 = arith.addi %mul3A_297, %add3A_298 : i32
      %mul3A_300 = arith.constant 40 : i32
      %mul3A_301 = arith.muli %add3A_299, %mul3A_300 : i32
      %dma_wait3A_302 = arith.constant 3 : i32
      %dma_wait3A_303 = arith.constant 0 : i32
      %dma_wait3A_304 = arith.constant 0 : i32
      %dma_wait3A_305 = tpu.memref_slice %arg7[%dma_wait3A_302, %dma_wait3A_303, %dma_wait3A_304] : memref<4x40x128xf32, #tpu.memory_space<vmem>> -> memref<1x40x128xf32, #tpu.memory_space<vmem>>
      %dma_wait3A_306 = tpu.memref_squeeze %dma_wait3A_305 : memref<1x40x128xf32, #tpu.memory_space<vmem>> -> memref<40x128xf32, #tpu.memory_space<vmem>>
      %dma_wait3A_307 = tpu.memref_slice %arg5[%mul3A_301] : memref<5120xi32, #tpu.memory_space<vmem>> -> memref<40xi32, #tpu.memory_space<vmem>>
      %dma_wait3A_308 = arith.constant 0 : i32
      %dma_wait3A_309 = arith.constant 0 : i32
      %dma_wait3A_310 = tpu.memref_slice %arg3[%dma_wait3A_308, %dma_wait3A_309] : memref<10000x128xf32, #tpu.memory_space<hbm>> -> memref<10000x128xf32, #tpu.memory_space<hbm>>
      tpu.wait_indirect_dma semaphore(%arg13 : memref<!tpu.dma_semaphore, #tpu.memory_space<semaphore_mem>>) src(%dma_wait3A_310 : memref<10000x128xf32, #tpu.memory_space<hbm>>) dst(%dma_wait3A_306 : memref<40x128xf32, #tpu.memory_space<vmem>>)
      %mul3A_311 = arith.constant 40 : i32
      %mul3A_312 = arith.muli %add3A_299, %mul3A_311 : i32
      %dma_start3A_313 = arith.constant 3 : i32
      %dma_start3A_314 = arith.constant 0 : i32
      %dma_start3A_315 = arith.constant 0 : i32
      %dma_start3A_316 = tpu.memref_slice %arg7[%dma_start3A_313, %dma_start3A_314, %dma_start3A_315] : memref<4x40x128xf32, #tpu.memory_space<vmem>> -> memref<1x40x128xf32, #tpu.memory_space<vmem>>
      %dma_start3A_317 = tpu.memref_squeeze %dma_start3A_316 : memref<1x40x128xf32, #tpu.memory_space<vmem>> -> memref<40x128xf32, #tpu.memory_space<vmem>>
      %dma_start3A_318 = tpu.memref_slice %arg6[%mul3A_312] : memref<5120xi32, #tpu.memory_space<vmem>> -> memref<40xi32, #tpu.memory_space<vmem>>
      %dma_start3A_319 = arith.constant 0 : i32
      %dma_start3A_320 = arith.constant 0 : i32
      %dma_start3A_321 = tpu.memref_slice %arg9[%dma_start3A_319, %dma_start3A_320] : memref<10240x128xf32, #tpu.memory_space<vmem_shared>> -> memref<10240x128xf32, #tpu.memory_space<vmem_shared>>
      tpu.enqueue_indirect_dma source(%dma_start3A_317 : memref<40x128xf32, #tpu.memory_space<vmem>>) target(%dma_start3A_321 : memref<10240x128xf32, #tpu.memory_space<vmem_shared>>) offsets(%dma_start3A_318 : memref<40xi32, #tpu.memory_space<vmem>>) semaphore(%arg17 : memref<!tpu.dma_semaphore, #tpu.memory_space<semaphore_mem>>) {add = true}
      %ge3A_322 = arith.constant 2 : i32
      %ge3A_323 = arith.cmpi sge, %add3A_299, %ge3A_322 : i32
      %convert_element_type3A_324 = arith.extui %ge3A_323 : i1 to i32
      %cond3A_325 = arith.constant 0 : i32
      %cond3A_326 = arith.cmpi ne, %convert_element_type3A_324, %cond3A_325 : i32
      scf.if %cond3A_326 {
        %sub3A = arith.constant 2 : i32
        %sub3A_335 = arith.subi %add3A_299, %sub3A : i32
        %mul3A_336 = arith.constant 40 : i32
        %mul3A_337 = arith.muli %sub3A_335, %mul3A_336 : i32
        %dma_wait3A_338 = arith.constant 1 : i32
        %dma_wait3A_339 = arith.constant 0 : i32
        %dma_wait3A_340 = arith.constant 0 : i32
        %dma_wait3A_341 = tpu.memref_slice %arg7[%dma_wait3A_338, %dma_wait3A_339, %dma_wait3A_340] : memref<4x40x128xf32, #tpu.memory_space<vmem>> -> memref<1x40x128xf32, #tpu.memory_space<vmem>>
        %dma_wait3A_342 = tpu.memref_squeeze %dma_wait3A_341 : memref<1x40x128xf32, #tpu.memory_space<vmem>> -> memref<40x128xf32, #tpu.memory_space<vmem>>
        %dma_wait3A_343 = tpu.memref_slice %arg6[%mul3A_337] : memref<5120xi32, #tpu.memory_space<vmem>> -> memref<40xi32, #tpu.memory_space<vmem>>
        %dma_wait3A_344 = arith.constant 0 : i32
        %dma_wait3A_345 = arith.constant 0 : i32
        %dma_wait3A_346 = tpu.memref_slice %arg9[%dma_wait3A_344, %dma_wait3A_345] : memref<10240x128xf32, #tpu.memory_space<vmem_shared>> -> memref<10240x128xf32, #tpu.memory_space<vmem_shared>>
        tpu.wait_indirect_dma semaphore(%arg15 : memref<!tpu.dma_semaphore, #tpu.memory_space<semaphore_mem>>) src(%dma_wait3A_342 : memref<40x128xf32, #tpu.memory_space<vmem>>) dst(%dma_wait3A_346 : memref<10240x128xf32, #tpu.memory_space<vmem_shared>>)
      } else {
      }
      %add3A_327 = arith.constant 2 : i32
      %add3A_328 = arith.addi %add3A_299, %add3A_327 : i32
      %lt3A_329 = arith.constant 122 : i32
      %lt3A_330 = arith.cmpi slt, %add3A_328, %lt3A_329 : i32
      %convert_element_type3A_331 = arith.extui %lt3A_330 : i1 to i32
      %cond3A_332 = arith.constant 0 : i32
      %cond3A_333 = arith.cmpi ne, %convert_element_type3A_331, %cond3A_332 : i32
      scf.if %cond3A_333 {
        %add3A_335 = arith.constant 2 : i32
        %add3A_336 = arith.addi %add3A_299, %add3A_335 : i32
        %mul3A_337 = arith.constant 40 : i32
        %mul3A_338 = arith.muli %add3A_336, %mul3A_337 : i32
        %dma_start3A_339 = arith.constant 1 : i32
        %dma_start3A_340 = arith.constant 0 : i32
        %dma_start3A_341 = arith.constant 0 : i32
        %dma_start3A_342 = tpu.memref_slice %arg7[%dma_start3A_339, %dma_start3A_340, %dma_start3A_341] : memref<4x40x128xf32, #tpu.memory_space<vmem>> -> memref<1x40x128xf32, #tpu.memory_space<vmem>>
        %dma_start3A_343 = tpu.memref_squeeze %dma_start3A_342 : memref<1x40x128xf32, #tpu.memory_space<vmem>> -> memref<40x128xf32, #tpu.memory_space<vmem>>
        %dma_start3A_344 = tpu.memref_slice %arg5[%mul3A_338] : memref<5120xi32, #tpu.memory_space<vmem>> -> memref<40xi32, #tpu.memory_space<vmem>>
        %dma_start3A_345 = arith.constant 0 : i32
        %dma_start3A_346 = arith.constant 0 : i32
        %dma_start3A_347 = tpu.memref_slice %arg3[%dma_start3A_345, %dma_start3A_346] : memref<10000x128xf32, #tpu.memory_space<hbm>> -> memref<10000x128xf32, #tpu.memory_space<hbm>>
        tpu.enqueue_indirect_dma source(%dma_start3A_347 : memref<10000x128xf32, #tpu.memory_space<hbm>>) target(%dma_start3A_343 : memref<40x128xf32, #tpu.memory_space<vmem>>) offsets(%dma_start3A_344 : memref<40xi32, #tpu.memory_space<vmem>>) semaphore(%arg11 : memref<!tpu.dma_semaphore, #tpu.memory_space<semaphore_mem>>)
      } else {
      }
      %scan3A_334 = arith.constant 0 : i32
      scf.yield %scan3A_334 : i32
    }
    %scan3A_102 = arith.constant 30 : i32
    %dma_wait3A_103 = arith.constant 0 : i32
    %dma_wait3A_104 = arith.constant 0 : i32
    %dma_wait3A_105 = arith.constant 0 : i32
    %dma_wait3A_106 = tpu.memref_slice %arg7[%dma_wait3A_103, %dma_wait3A_104, %dma_wait3A_105] : memref<4x40x128xf32, #tpu.memory_space<vmem>> -> memref<1x40x128xf32, #tpu.memory_space<vmem>>
    %dma_wait3A_107 = tpu.memref_squeeze %dma_wait3A_106 : memref<1x40x128xf32, #tpu.memory_space<vmem>> -> memref<40x128xf32, #tpu.memory_space<vmem>>
    %dma_wait3A_108 = arith.constant 4800 : i32
    %dma_wait3A_109 = tpu.memref_slice %arg5[%dma_wait3A_108] : memref<5120xi32, #tpu.memory_space<vmem>> -> memref<40xi32, #tpu.memory_space<vmem>>
    %dma_wait3A_110 = arith.constant 0 : i32
    %dma_wait3A_111 = arith.constant 0 : i32
    %dma_wait3A_112 = tpu.memref_slice %arg3[%dma_wait3A_110, %dma_wait3A_111] : memref<10000x128xf32, #tpu.memory_space<hbm>> -> memref<10000x128xf32, #tpu.memory_space<hbm>>
    tpu.wait_indirect_dma semaphore(%arg10 : memref<!tpu.dma_semaphore, #tpu.memory_space<semaphore_mem>>) src(%dma_wait3A_112 : memref<10000x128xf32, #tpu.memory_space<hbm>>) dst(%dma_wait3A_107 : memref<40x128xf32, #tpu.memory_space<vmem>>)
    %dma_start3A_113 = arith.constant 0 : i32
    %dma_start3A_114 = arith.constant 0 : i32
    %dma_start3A_115 = arith.constant 0 : i32
    %dma_start3A_116 = tpu.memref_slice %arg7[%dma_start3A_113, %dma_start3A_114, %dma_start3A_115] : memref<4x40x128xf32, #tpu.memory_space<vmem>> -> memref<1x40x128xf32, #tpu.memory_space<vmem>>
    %dma_start3A_117 = tpu.memref_squeeze %dma_start3A_116 : memref<1x40x128xf32, #tpu.memory_space<vmem>> -> memref<40x128xf32, #tpu.memory_space<vmem>>
    %dma_start3A_118 = arith.constant 4800 : i32
    %dma_start3A_119 = tpu.memref_slice %arg6[%dma_start3A_118] : memref<5120xi32, #tpu.memory_space<vmem>> -> memref<40xi32, #tpu.memory_space<vmem>>
    %dma_start3A_120 = arith.constant 0 : i32
    %dma_start3A_121 = arith.constant 0 : i32
    %dma_start3A_122 = tpu.memref_slice %arg9[%dma_start3A_120, %dma_start3A_121] : memref<10240x128xf32, #tpu.memory_space<vmem_shared>> -> memref<10240x128xf32, #tpu.memory_space<vmem_shared>>
    tpu.enqueue_indirect_dma source(%dma_start3A_117 : memref<40x128xf32, #tpu.memory_space<vmem>>) target(%dma_start3A_122 : memref<10240x128xf32, #tpu.memory_space<vmem_shared>>) offsets(%dma_start3A_119 : memref<40xi32, #tpu.memory_space<vmem>>) semaphore(%arg14 : memref<!tpu.dma_semaphore, #tpu.memory_space<semaphore_mem>>) {add = true}
    %dma_wait3A_123 = arith.constant 2 : i32
    %dma_wait3A_124 = arith.constant 0 : i32
    %dma_wait3A_125 = arith.constant 0 : i32
    %dma_wait3A_126 = tpu.memref_slice %arg7[%dma_wait3A_123, %dma_wait3A_124, %dma_wait3A_125] : memref<4x40x128xf32, #tpu.memory_space<vmem>> -> memref<1x40x128xf32, #tpu.memory_space<vmem>>
    %dma_wait3A_127 = tpu.memref_squeeze %dma_wait3A_126 : memref<1x40x128xf32, #tpu.memory_space<vmem>> -> memref<40x128xf32, #tpu.memory_space<vmem>>
    %dma_wait3A_128 = arith.constant 4720 : i32
    %dma_wait3A_129 = tpu.memref_slice %arg6[%dma_wait3A_128] : memref<5120xi32, #tpu.memory_space<vmem>> -> memref<40xi32, #tpu.memory_space<vmem>>
    %dma_wait3A_130 = arith.constant 0 : i32
    %dma_wait3A_131 = arith.constant 0 : i32
    %dma_wait3A_132 = tpu.memref_slice %arg9[%dma_wait3A_130, %dma_wait3A_131] : memref<10240x128xf32, #tpu.memory_space<vmem_shared>> -> memref<10240x128xf32, #tpu.memory_space<vmem_shared>>
    tpu.wait_indirect_dma semaphore(%arg16 : memref<!tpu.dma_semaphore, #tpu.memory_space<semaphore_mem>>) src(%dma_wait3A_127 : memref<40x128xf32, #tpu.memory_space<vmem>>) dst(%dma_wait3A_132 : memref<10240x128xf32, #tpu.memory_space<vmem_shared>>)
    %dma_wait3A_133 = arith.constant 1 : i32
    %dma_wait3A_134 = arith.constant 0 : i32
    %dma_wait3A_135 = arith.constant 0 : i32
    %dma_wait3A_136 = tpu.memref_slice %arg7[%dma_wait3A_133, %dma_wait3A_134, %dma_wait3A_135] : memref<4x40x128xf32, #tpu.memory_space<vmem>> -> memref<1x40x128xf32, #tpu.memory_space<vmem>>
    %dma_wait3A_137 = tpu.memref_squeeze %dma_wait3A_136 : memref<1x40x128xf32, #tpu.memory_space<vmem>> -> memref<40x128xf32, #tpu.memory_space<vmem>>
    %dma_wait3A_138 = arith.constant 4840 : i32
    %dma_wait3A_139 = tpu.memref_slice %arg5[%dma_wait3A_138] : memref<5120xi32, #tpu.memory_space<vmem>> -> memref<40xi32, #tpu.memory_space<vmem>>
    %dma_wait3A_140 = arith.constant 0 : i32
    %dma_wait3A_141 = arith.constant 0 : i32
    %dma_wait3A_142 = tpu.memref_slice %arg3[%dma_wait3A_140, %dma_wait3A_141] : memref<10000x128xf32, #tpu.memory_space<hbm>> -> memref<10000x128xf32, #tpu.memory_space<hbm>>
    tpu.wait_indirect_dma semaphore(%arg11 : memref<!tpu.dma_semaphore, #tpu.memory_space<semaphore_mem>>) src(%dma_wait3A_142 : memref<10000x128xf32, #tpu.memory_space<hbm>>) dst(%dma_wait3A_137 : memref<40x128xf32, #tpu.memory_space<vmem>>)
    %dma_start3A_143 = arith.constant 1 : i32
    %dma_start3A_144 = arith.constant 0 : i32
    %dma_start3A_145 = arith.constant 0 : i32
    %dma_start3A_146 = tpu.memref_slice %arg7[%dma_start3A_143, %dma_start3A_144, %dma_start3A_145] : memref<4x40x128xf32, #tpu.memory_space<vmem>> -> memref<1x40x128xf32, #tpu.memory_space<vmem>>
    %dma_start3A_147 = tpu.memref_squeeze %dma_start3A_146 : memref<1x40x128xf32, #tpu.memory_space<vmem>> -> memref<40x128xf32, #tpu.memory_space<vmem>>
    %dma_start3A_148 = arith.constant 4840 : i32
    %dma_start3A_149 = tpu.memref_slice %arg6[%dma_start3A_148] : memref<5120xi32, #tpu.memory_space<vmem>> -> memref<40xi32, #tpu.memory_space<vmem>>
    %dma_start3A_150 = arith.constant 0 : i32
    %dma_start3A_151 = arith.constant 0 : i32
    %dma_start3A_152 = tpu.memref_slice %arg9[%dma_start3A_150, %dma_start3A_151] : memref<10240x128xf32, #tpu.memory_space<vmem_shared>> -> memref<10240x128xf32, #tpu.memory_space<vmem_shared>>
    tpu.enqueue_indirect_dma source(%dma_start3A_147 : memref<40x128xf32, #tpu.memory_space<vmem>>) target(%dma_start3A_152 : memref<10240x128xf32, #tpu.memory_space<vmem_shared>>) offsets(%dma_start3A_149 : memref<40xi32, #tpu.memory_space<vmem>>) semaphore(%arg15 : memref<!tpu.dma_semaphore, #tpu.memory_space<semaphore_mem>>) {add = true}
    %dma_wait3A_153 = arith.constant 3 : i32
    %dma_wait3A_154 = arith.constant 0 : i32
    %dma_wait3A_155 = arith.constant 0 : i32
    %dma_wait3A_156 = tpu.memref_slice %arg7[%dma_wait3A_153, %dma_wait3A_154, %dma_wait3A_155] : memref<4x40x128xf32, #tpu.memory_space<vmem>> -> memref<1x40x128xf32, #tpu.memory_space<vmem>>
    %dma_wait3A_157 = tpu.memref_squeeze %dma_wait3A_156 : memref<1x40x128xf32, #tpu.memory_space<vmem>> -> memref<40x128xf32, #tpu.memory_space<vmem>>
    %dma_wait3A_158 = arith.constant 4760 : i32
    %dma_wait3A_159 = tpu.memref_slice %arg6[%dma_wait3A_158] : memref<5120xi32, #tpu.memory_space<vmem>> -> memref<40xi32, #tpu.memory_space<vmem>>
    %dma_wait3A_160 = arith.constant 0 : i32
    %dma_wait3A_161 = arith.constant 0 : i32
    %dma_wait3A_162 = tpu.memref_slice %arg9[%dma_wait3A_160, %dma_wait3A_161] : memref<10240x128xf32, #tpu.memory_space<vmem_shared>> -> memref<10240x128xf32, #tpu.memory_space<vmem_shared>>
    tpu.wait_indirect_dma semaphore(%arg17 : memref<!tpu.dma_semaphore, #tpu.memory_space<semaphore_mem>>) src(%dma_wait3A_157 : memref<40x128xf32, #tpu.memory_space<vmem>>) dst(%dma_wait3A_162 : memref<10240x128xf32, #tpu.memory_space<vmem_shared>>)
    %dma_wait3A_163 = arith.constant 0 : i32
    %dma_wait3A_164 = arith.constant 0 : i32
    %dma_wait3A_165 = arith.constant 0 : i32
    %dma_wait3A_166 = tpu.memref_slice %arg7[%dma_wait3A_163, %dma_wait3A_164, %dma_wait3A_165] : memref<4x40x128xf32, #tpu.memory_space<vmem>> -> memref<1x40x128xf32, #tpu.memory_space<vmem>>
    %dma_wait3A_167 = tpu.memref_squeeze %dma_wait3A_166 : memref<1x40x128xf32, #tpu.memory_space<vmem>> -> memref<40x128xf32, #tpu.memory_space<vmem>>
    %dma_wait3A_168 = arith.constant 4800 : i32
    %dma_wait3A_169 = tpu.memref_slice %arg6[%dma_wait3A_168] : memref<5120xi32, #tpu.memory_space<vmem>> -> memref<40xi32, #tpu.memory_space<vmem>>
    %dma_wait3A_170 = arith.constant 0 : i32
    %dma_wait3A_171 = arith.constant 0 : i32
    %dma_wait3A_172 = tpu.memref_slice %arg9[%dma_wait3A_170, %dma_wait3A_171] : memref<10240x128xf32, #tpu.memory_space<vmem_shared>> -> memref<10240x128xf32, #tpu.memory_space<vmem_shared>>
    tpu.wait_indirect_dma semaphore(%arg14 : memref<!tpu.dma_semaphore, #tpu.memory_space<semaphore_mem>>) src(%dma_wait3A_167 : memref<40x128xf32, #tpu.memory_space<vmem>>) dst(%dma_wait3A_172 : memref<10240x128xf32, #tpu.memory_space<vmem_shared>>)
    %dma_wait3A_173 = arith.constant 1 : i32
    %dma_wait3A_174 = arith.constant 0 : i32
    %dma_wait3A_175 = arith.constant 0 : i32
    %dma_wait3A_176 = tpu.memref_slice %arg7[%dma_wait3A_173, %dma_wait3A_174, %dma_wait3A_175] : memref<4x40x128xf32, #tpu.memory_space<vmem>> -> memref<1x40x128xf32, #tpu.memory_space<vmem>>
    %dma_wait3A_177 = tpu.memref_squeeze %dma_wait3A_176 : memref<1x40x128xf32, #tpu.memory_space<vmem>> -> memref<40x128xf32, #tpu.memory_space<vmem>>
    %dma_wait3A_178 = arith.constant 4840 : i32
    %dma_wait3A_179 = tpu.memref_slice %arg6[%dma_wait3A_178] : memref<5120xi32, #tpu.memory_space<vmem>> -> memref<40xi32, #tpu.memory_space<vmem>>
    %dma_wait3A_180 = arith.constant 0 : i32
    %dma_wait3A_181 = arith.constant 0 : i32
    %dma_wait3A_182 = tpu.memref_slice %arg9[%dma_wait3A_180, %dma_wait3A_181] : memref<10240x128xf32, #tpu.memory_space<vmem_shared>> -> memref<10240x128xf32, #tpu.memory_space<vmem_shared>>
    tpu.wait_indirect_dma semaphore(%arg15 : memref<!tpu.dma_semaphore, #tpu.memory_space<semaphore_mem>>) src(%dma_wait3A_177 : memref<40x128xf32, #tpu.memory_space<vmem>>) dst(%dma_wait3A_182 : memref<10240x128xf32, #tpu.memory_space<vmem_shared>>)
    %barrier3A_183 = arith.constant 0 : index
    tpu.barrier barrier_id(%barrier3A_183)
    "tpu.region"() ({
      %run_scoped3A_184 = tpu.sem_alloc : memref<!tpu.dma_semaphore, #tpu.memory_space<semaphore_mem>>
      %dma_start3A_185 = arith.constant 0 : i32
      %dma_start3A_186 = tpu.memref_slice %arg4[%arg0, %mul3A_8, %dma_start3A_185] : memref<2x10240x128xf32, #tpu.memory_space<hbm>> -> memref<1x640x128xf32, #tpu.memory_space<hbm>>
      %dma_start3A_187 = tpu.memref_squeeze %dma_start3A_186 : memref<1x640x128xf32, #tpu.memory_space<hbm>> -> memref<640x128xf32, #tpu.memory_space<hbm>>
      %dma_start3A_188 = arith.constant 0 : i32
      %dma_start3A_189 = tpu.memref_slice %arg9[%mul3A_8, %dma_start3A_188] : memref<10240x128xf32, #tpu.memory_space<vmem_shared>> -> memref<640x128xf32, #tpu.memory_space<vmem_shared>>
      tpu.enqueue_dma source(%dma_start3A_189 : memref<640x128xf32, #tpu.memory_space<vmem_shared>>) target(%dma_start3A_187 : memref<640x128xf32, #tpu.memory_space<hbm>>) target_semaphore(%run_scoped3A_184 : memref<!tpu.dma_semaphore, #tpu.memory_space<semaphore_mem>>)
      %dma_wait3A_190 = arith.constant 0 : i32
      %dma_wait3A_191 = tpu.memref_slice %arg4[%arg0, %mul3A_8, %dma_wait3A_190] : memref<2x10240x128xf32, #tpu.memory_space<hbm>> -> memref<1x640x128xf32, #tpu.memory_space<hbm>>
      %dma_wait3A_192 = tpu.memref_squeeze %dma_wait3A_191 : memref<1x640x128xf32, #tpu.memory_space<hbm>> -> memref<640x128xf32, #tpu.memory_space<hbm>>
      %dma_wait3A_193 = arith.constant 0 : i32
      %dma_wait3A_194 = tpu.memref_slice %arg9[%mul3A_8, %dma_wait3A_193] : memref<10240x128xf32, #tpu.memory_space<vmem_shared>> -> memref<640x128xf32, #tpu.memory_space<vmem_shared>>
      tpu.wait_dma2 semaphore(%run_scoped3A_184 : memref<!tpu.dma_semaphore, #tpu.memory_space<semaphore_mem>>) src(%dma_wait3A_194 : memref<640x128xf32, #tpu.memory_space<vmem_shared>>) dst(%dma_wait3A_192 : memref<640x128xf32, #tpu.memory_space<hbm>>)
      tpu.yield
    }) : () -> ()
    return
  }
}

module attributes {stable_mosaic.version = 14 : i64} {
  func.func @_scale_body(%arg0: memref<2x10240xf32, #tpu.memory_space<vmem>>, %arg1: memref<10000x128xf32, #tpu.memory_space<vmem>>, %arg2: memref<10000xf32, #tpu.memory_space<vmem>>, %arg3: memref<10000x128xf32, #tpu.memory_space<vmem>>) attributes {dimension_semantics = [], scalar_prefetch = 0 : i64, scratch_operands = 0 : i64, tpu.core_type = #tpu.core_type<tc>} {
    %get3A = arith.constant 0 : index
    %get3A_0 = arith.constant 0 : index
    %get3A_1 = vector.load %arg0[%get3A, %get3A_0] : memref<2x10240xf32, #tpu.memory_space<vmem>>, vector<1x10000xf32>
    %get3A_2 = vector.shape_cast %get3A_1 : vector<1x10000xf32> to vector<10000xf32>
    %get3A_3 = arith.constant 1 : index
    %get3A_4 = arith.constant 0 : index
    %get3A_5 = vector.load %arg0[%get3A_3, %get3A_4] : memref<2x10240xf32, #tpu.memory_space<vmem>>, vector<1x10000xf32>
    %get3A_6 = vector.shape_cast %get3A_5 : vector<1x10000xf32> to vector<10000xf32>
    %add3A = arith.addf %get3A_2, %get3A_6 : vector<10000xf32>
    %add3A_7 = arith.constant 1.000000e+00 : f32
    %add3A_8 = vector.broadcast %add3A_7 : f32 to vector<10000xf32>
    %add3A_9 = arith.addf %add3A, %add3A_8 : vector<10000xf32>
    %rsqrt3A = math.rsqrt %add3A_9 : vector<10000xf32>
    %swap3A = arith.constant 0 : index
    %swap3A_10 = vector.load %arg2[%swap3A] : memref<10000xf32, #tpu.memory_space<vmem>>, vector<10000xf32>
    tpu.vector_store %arg2[%swap3A], %rsqrt3A {strides = array<i32>} : memref<10000xf32, #tpu.memory_space<vmem>>, vector<10000xf32>,
    %get3A_11 = arith.constant 0 : index
    %get3A_12 = arith.constant 0 : index
    %get3A_13 = vector.load %arg1[%get3A_11, %get3A_12] : memref<10000x128xf32, #tpu.memory_space<vmem>>, vector<10000x128xf32>
    %broadcast_in_dim3A = vector.shape_cast %rsqrt3A : vector<10000xf32> to vector<10000x1xf32>
    %mul3A = vector.broadcast %broadcast_in_dim3A : vector<10000x1xf32> to vector<10000x128xf32>
    %mul3A_14 = arith.mulf %get3A_13, %mul3A : vector<10000x128xf32>
    %swap3A_15 = arith.constant 0 : index
    %swap3A_16 = arith.constant 0 : index
    %swap3A_17 = vector.load %arg3[%swap3A_15, %swap3A_16] : memref<10000x128xf32, #tpu.memory_space<vmem>>, vector<10000x128xf32>
    tpu.vector_store %arg3[%swap3A_15, %swap3A_16], %mul3A_14 {strides = array<i32>} : memref<10000x128xf32, #tpu.memory_space<vmem>>, vector<10000x128xf32>,
    return
  }
}

module attributes {stable_mosaic.version = 14 : i64} {
  func.func @_dense_body(%arg0: i32, %arg1: memref<1x1000x128xf32, #tpu.memory_space<vmem>>, %arg2: memref<1x1000x128xf32, #tpu.memory_space<vmem>>, %arg3: memref<1000x128xf32, #tpu.memory_space<vmem>>, %arg4: memref<10x1000xf32, #tpu.memory_space<vmem>>, %arg5: memref<128x256xf32, #tpu.memory_space<vmem>>, %arg6: memref<1x256xf32, #tpu.memory_space<vmem>>, %arg7: memref<1x256xf32, #tpu.memory_space<vmem>>, %arg8: memref<10x1000xf32, #tpu.memory_space<vmem>>) attributes {dimension_semantics = [#tpu.dimension_semantics<arbitrary>], iteration_bounds = array<i64: 10>, scalar_prefetch = 0 : i64, scratch_operands = 0 : i64, tpu.core_type = #tpu.core_type<tc>, window_params = [{transform_indices = @transform_0, window_bounds = array<i64: 1, 1000, 128>}, {transform_indices = @transform_1, window_bounds = array<i64: 1, 1000, 128>}, {transform_indices = @transform_2, window_bounds = array<i64: 1000, 128>}, {pipeline_mode = #tpu.pipeline_mode<synchronous>, transform_indices = @transform_3, window_bounds = array<i64: 10, 1000>}, {pipeline_mode = #tpu.pipeline_mode<synchronous>, transform_indices = @transform_4, window_bounds = array<i64: 128, 256>}, {pipeline_mode = #tpu.pipeline_mode<synchronous>, transform_indices = @transform_5, window_bounds = array<i64: 1, 256>}, {pipeline_mode = #tpu.pipeline_mode<synchronous>, transform_indices = @transform_6, window_bounds = array<i64: 1, 256>}, {pipeline_mode = #tpu.pipeline_mode<synchronous>, transform_indices = @transform_7, window_bounds = array<i64: 10, 1000>}]} {
    %get3A = arith.index_cast %arg0 : i32 to index
    %get3A_0 = arith.constant 0 : index
    %get3A_1 = vector.load %arg4[%get3A, %get3A_0] : memref<10x1000xf32, #tpu.memory_space<vmem>>, vector<1x1000xf32>
    %get3A_2 = vector.shape_cast %get3A_1 : vector<1x1000xf32> to vector<1000xf32>
    %get3A_3 = arith.constant 0 : index
    %get3A_4 = arith.constant 0 : index
    %get3A_5 = arith.constant 0 : index
    %get3A_6 = vector.load %arg1[%get3A_3, %get3A_4, %get3A_5] : memref<1x1000x128xf32, #tpu.memory_space<vmem>>, vector<1x1000x128xf32>
    %get3A_7 = vector.shape_cast %get3A_6 : vector<1x1000x128xf32> to vector<1000x128xf32>
    %get3A_8 = arith.constant 0 : index
    %get3A_9 = arith.constant 0 : index
    %get3A_10 = arith.constant 0 : index
    %get3A_11 = vector.load %arg2[%get3A_8, %get3A_9, %get3A_10] : memref<1x1000x128xf32, #tpu.memory_space<vmem>>, vector<1x1000x128xf32>
    %get3A_12 = vector.shape_cast %get3A_11 : vector<1x1000x128xf32> to vector<1000x128xf32>
    %add3A = arith.addf %get3A_7, %get3A_12 : vector<1000x128xf32>
    %get3A_13 = arith.constant 0 : index
    %get3A_14 = arith.constant 0 : index
    %get3A_15 = vector.load %arg3[%get3A_13, %get3A_14] : memref<1000x128xf32, #tpu.memory_space<vmem>>, vector<1000x128xf32>
    %add3A_16 = arith.addf %add3A, %get3A_15 : vector<1000x128xf32>
    %broadcast_in_dim3A = vector.shape_cast %get3A_2 : vector<1000xf32> to vector<1000x1xf32>
    %mul3A = vector.broadcast %broadcast_in_dim3A : vector<1000x1xf32> to vector<1000x128xf32>
    %mul3A_17 = arith.mulf %add3A_16, %mul3A : vector<1000x128xf32>
    %get3A_18 = arith.constant 0 : index
    %get3A_19 = arith.constant 0 : index
    %get3A_20 = vector.load %arg5[%get3A_18, %get3A_19] : memref<128x256xf32, #tpu.memory_space<vmem>>, vector<128x256xf32>
    %dot_general3A = arith.constant dense<0.000000e+00> : vector<1000x256xf32>
    %dot_general3A_21 = tpu.matmul %mul3A_17, %get3A_20, %dot_general3A {dimension_numbers = #tpu.dot_dimension_numbers<[1], [0], [0], [1], [0, 0, 1, 1], [], []>, precision = #tpu.contract_precision<fp32>, transpose_lhs_hint = false} : vector<1000x128xf32>, vector<128x256xf32>, vector<1000x256xf32> -> vector<1000x256xf32>
    %get3A_22 = arith.constant 0 : index
    %get3A_23 = arith.constant 0 : index
    %get3A_24 = vector.load %arg6[%get3A_22, %get3A_23] : memref<1x256xf32, #tpu.memory_space<vmem>>, vector<1x256xf32>
    %add3A_25 = vector.broadcast %get3A_24 : vector<1x256xf32> to vector<1000x256xf32>
    %add3A_26 = arith.addf %dot_general3A_21, %add3A_25 : vector<1000x256xf32>
    %max3A = arith.constant 0.000000e+00 : f32
    %max3A_27 = vector.broadcast %max3A : f32 to vector<1000x256xf32>
    %max3A_28 = arith.maximumf %add3A_26, %max3A_27 : vector<1000x256xf32>
    %get3A_29 = arith.constant 0 : index
    %get3A_30 = arith.constant 0 : index
    %get3A_31 = vector.load %arg7[%get3A_29, %get3A_30] : memref<1x256xf32, #tpu.memory_space<vmem>>, vector<1x256xf32>
    %mul3A_32 = vector.broadcast %get3A_31 : vector<1x256xf32> to vector<1000x256xf32>
    %mul3A_33 = arith.mulf %max3A_28, %mul3A_32 : vector<1000x256xf32>
    %reduce_sum3A = arith.constant dense<0.000000e+00> : vector<1000xf32>
    %reduce_sum3A_34 = vector.multi_reduction <add>, %mul3A_33, %reduce_sum3A [1] : vector<1000x256xf32> to vector<1000xf32>
    %mul3A_35 = arith.mulf %reduce_sum3A_34, %get3A_2 : vector<1000xf32>
    %swap3A = arith.index_cast %arg0 : i32 to index
    %swap3A_36 = arith.constant 0 : index
    %swap3A_37 = vector.load %arg8[%swap3A, %swap3A_36] : memref<10x1000xf32, #tpu.memory_space<vmem>>, vector<1x1000xf32>
    %swap3A_38 = vector.shape_cast %swap3A_37 : vector<1x1000xf32> to vector<1000xf32>
    %swap3A_39 = vector.shape_cast %mul3A_35 : vector<1000xf32> to vector<1x1000xf32>
    tpu.vector_store %arg8[%swap3A, %swap3A_36], %swap3A_39 {strides = array<i32>} : memref<10x1000xf32, #tpu.memory_space<vmem>>, vector<1x1000xf32>,
    return
  }
  func.func @transform_0(%arg0: i32) -> (i32, i32, i32) {
    %c0_i32 = arith.constant 0 : i32
    %c0_i32_0 = arith.constant 0 : i32
    %c0_i32_1 = arith.constant 0 : i32
    return %c0_i32, %arg0, %c0_i32_0 : i32, i32, i32
  }
  func.func @transform_1(%arg0: i32) -> (i32, i32, i32) {
    %c1_i32 = arith.constant 1 : i32
    %c0_i32 = arith.constant 0 : i32
    %c0_i32_0 = arith.constant 0 : i32
    return %c1_i32, %arg0, %c0_i32 : i32, i32, i32
  }
  func.func @transform_2(%arg0: i32) -> (i32, i32) {
    %c0_i32 = arith.constant 0 : i32
    %c0_i32_0 = arith.constant 0 : i32
    return %arg0, %c0_i32 : i32, i32
  }
  func.func @transform_3(%arg0: i32) -> (i32, i32) {
    %c0_i32 = arith.constant 0 : i32
    %c0_i32_0 = arith.constant 0 : i32
    %c0_i32_1 = arith.constant 0 : i32
    return %c0_i32, %c0_i32_0 : i32, i32
  }
  func.func @transform_4(%arg0: i32) -> (i32, i32) {
    %c0_i32 = arith.constant 0 : i32
    %c0_i32_0 = arith.constant 0 : i32
    %c0_i32_1 = arith.constant 0 : i32
    return %c0_i32, %c0_i32_0 : i32, i32
  }
  func.func @transform_5(%arg0: i32) -> (i32, i32) {
    %c0_i32 = arith.constant 0 : i32
    %c0_i32_0 = arith.constant 0 : i32
    %c0_i32_1 = arith.constant 0 : i32
    return %c0_i32, %c0_i32_0 : i32, i32
  }
  func.func @transform_6(%arg0: i32) -> (i32, i32) {
    %c0_i32 = arith.constant 0 : i32
    %c0_i32_0 = arith.constant 0 : i32
    %c0_i32_1 = arith.constant 0 : i32
    return %c0_i32, %c0_i32_0 : i32, i32
  }
  func.func @transform_7(%arg0: i32) -> (i32, i32) {
    %c0_i32 = arith.constant 0 : i32
    %c0_i32_0 = arith.constant 0 : i32
    %c0_i32_1 = arith.constant 0 : i32
    return %c0_i32, %c0_i32_0 : i32, i32
  }
}

module attributes {stable_mosaic.version = 14 : i64} {
  func.func @_comb_body(%arg0: memref<2x10240xf32, #tpu.memory_space<vmem>>, %arg1: memref<10000xf32, #tpu.memory_space<vmem>>, %arg2: memref<10000xf32, #tpu.memory_space<vmem>>, %arg3: memref<1xf32, #tpu.memory_space<smem>>, %arg4: memref<10000xf32, #tpu.memory_space<vmem>>) attributes {dimension_semantics = [], scalar_prefetch = 0 : i64, scratch_operands = 0 : i64, tpu.core_type = #tpu.core_type<tc>} {
    %get3A = arith.constant 0 : index
    %get3A_0 = arith.constant 0 : index
    %get3A_1 = vector.load %arg0[%get3A, %get3A_0] : memref<2x10240xf32, #tpu.memory_space<vmem>>, vector<1x10000xf32>
    %get3A_2 = vector.shape_cast %get3A_1 : vector<1x10000xf32> to vector<10000xf32>
    %get3A_3 = arith.constant 1 : index
    %get3A_4 = arith.constant 0 : index
    %get3A_5 = vector.load %arg0[%get3A_3, %get3A_4] : memref<2x10240xf32, #tpu.memory_space<vmem>>, vector<1x10000xf32>
    %get3A_6 = vector.shape_cast %get3A_5 : vector<1x10000xf32> to vector<10000xf32>
    %add3A = arith.addf %get3A_2, %get3A_6 : vector<10000xf32>
    %get3A_7 = arith.constant 0 : index
    %get3A_8 = vector.load %arg1[%get3A_7] : memref<10000xf32, #tpu.memory_space<vmem>>, vector<10000xf32>
    %add3A_9 = arith.addf %add3A, %get3A_8 : vector<10000xf32>
    %get3A_10 = arith.constant 0 : index
    %get3A_11 = vector.load %arg2[%get3A_10] : memref<10000xf32, #tpu.memory_space<vmem>>, vector<10000xf32>
    %mul3A = arith.mulf %add3A_9, %get3A_11 : vector<10000xf32>
    %get3A_12 = arith.constant 0 : index
    %get3A_13 = memref.load %arg3[%get3A_12] : memref<1xf32, #tpu.memory_space<smem>>
    %add3A_14 = vector.broadcast %get3A_13 : f32 to vector<10000xf32>
    %add3A_15 = arith.addf %mul3A, %add3A_14 : vector<10000xf32>
    %swap3A = arith.constant 0 : index
    %swap3A_16 = vector.load %arg4[%swap3A] : memref<10000xf32, #tpu.memory_space<vmem>>, vector<10000xf32>
    tpu.vector_store %arg4[%swap3A], %add3A_15 {strides = array<i32>} : memref<10000xf32, #tpu.memory_space<vmem>>, vector<10000xf32>,
    return
  }
}

</mosaic_0001>

<sc_bundles>
// kernel: kernel.11.cloned.1.call-start
scs
__scs_entry_jumppad:
0x0: {  	(pc) =	sbr.rel $0x88, $3  }
0x1: {  	(tag) =	ssettag $0x0;
	lr =	simm.s32 $0x1  }
0x2: {  	[smem:$0x3F9B] =	sst lr;
	_ =	strace $0xD0000000  }
0x3: {  	_ = 	snop  }
0x4: {  	_ = 	snop  }
0x5: {  	_ = 	snop  }
0x6: {  	_ = 	snop  }
0x7: {  	_ = 	snop  }
__scs_overlays_trampoline_lowered:
0x8: {  	[smem:$0x3FAA] =	sst s0  }
0x9: {  	[smem:$0x3FAB] =	sst s1  }
0xa: {  	[smem:$0x3FAC] =	sst s2  }
0xb: {  	[smem:$0x3FAD] =	sst s3  }
0xc: {  	[smem:$0x3FAE] =	sst s4  }
0xd: {  	[smem:$0x3FAF] =	sst s5  }
0xe: {  	[smem:$0x3FB0] =	sst s6  }
0xf: {  	[smem:$0x3FB1] =	sst s7  }
0x10: {  	[smem:$0x3FB2] =	sst s8  }
0x11: {  	[smem:$0x3FB3] =	sst s9;
	s0 =	simm.s32 @!p0 $0x0  }
0x12: {  	s1 =	sld [smem:$0x3F99];
	s0 =	simm.s32 @p0 $0x1  }
0x13: {  	[smem:$0x3FB4] =	sst s0;
	s0 =	simm.s32 @!p1 $0x0  }
0x14: {  	s2 =	sld [smem:$0x3F98];
	s0 =	simm.s32 @p1 $0x1  }
0x15: {  	[smem:$0x3FB5] =	sst s0;
	s0 =	simm.s32 @!p2 $0x0  }
0x16: {  	s3 =	sld [smem:$0x3FDB];
	s0 =	simm.s32 @p2 $0x1  }
0x17: {  	s4 =	simm.s32 $0x1BF5;
	[smem:$0x3FB7] =	sst s0  }
0x18: {  	s0 =	sld [smem:$0x3F9A];
	_ =	swait.ge [sflag:s4], $0x0  }
0x19: {  	s7 =	sld [smem:$0x3F9B]  }
0x1a: {  	s8 =	sadd.s32 $0xFFFFE003, lr  }
0x1b: {  	s9 =	sadd.s32 $0xFFFFFEF7, lr;
	s5 =	simm.s32 $0xFFFFFFFF;
	p2 =	slt.u32 s8, $0xFFFFF086  }
0x1c: {  	p1 =	slt.u32 s9, $0xF7A;
	s5 =	simm.s32 @!p2 $0x0  }
0x1d: {  	s5 =	simm.s32 @p1 $0x1;
	p0 =	seq.s32 s7, s2  }
0x1e: {  	s7 =	smul.u32 @!p0 $0xF7A, s2;
	p2 =	seq.s32 @!p0 s5, $0x0  }
0x1f: {  	s9 =	smul.u32 $0xF7A, s1;
	s8 =	simm.s32 @!p0 $0x1BF5;
	p2 =	por !p2, p0  }
0x20: {  	[sflag:s8] =	ssyncset.s32 @!p0 $0xFFFFF086;
	s6 =	sadd.s32 @!p0 s3, s7;
	s7 =	simm.s32 @!p0 $0x108  }
0x21: {  	s3 =	sadd.s32 s3, s9;
	s6 =	sadd.s32 @!p0 $0x88, s6;
	s7 =	simm.s32 @p2 $0x1082  }
0x22: {  	[simem:s7], [sflag:s8] =	dma.local @!p0 [hbm:s6], $0xF7A  }
0x23: {  	s9 =	sor.u32 $0xD0000000, s2;
	s6 =	simm.s32 $0x108;
	_ =	swait.ge @!p0 [sflag:s8], $0x0  }
0x24: {  	s3 =	sadd.s32 $0x88, s3;
	s6 =	simm.s32 @!p1 $0x1082;
	[sflag:s4] =	ssyncset.s32 $0xFFFFF086  }
0x25: {  	[simem:s6], [sflag:s4] =	dma.local [hbm:s3], $0xF7A  }
0x26: {  	[smem:$0x3F9B] =	sst s1;
	(tag) =	ssettag s2;
	_ =	strace s9  }
0x27: {  	s1 =	sld [smem:$0x3FAB]  }
0x28: {  	s2 =	sld [smem:$0x3FAC]  }
0x29: {  	s4 =	sld [smem:$0x3FAE]  }
0x2a: {  	p0 =	seq.s32 s5, $0x0;
	s5 =	sld [smem:$0x3FAF]  }
0x2b: {  	s6 =	sld [smem:$0x3FB0]  }
0x2c: {  	s7 =	sld [smem:$0x3FB1]  }
0x2d: {  	s3 =	simm.s32 $0x108;
	s8 =	sld [smem:$0x3FB2]  }
0x2e: {  	s3 =	simm.s32 @!p0 $0x1082;
	s9 =	sld [smem:$0x3FB3]  }
0x2f: {  	lr =	sadd.s32 s0, s3;
	s0 =	sld [smem:$0x3FAA]  }
0x30: {  	s3 =	sld [smem:$0x3FAD]  }
0x31: {  	[smem:$0x3FB6] =	sst s10  }
0x32: {  	s10 =	sld [smem:$0x3FB4];
	_ =	sdelay $0x3  }
0x33: {  	p0 =	seq.s32 s10, $0x1;
	s10 =	sld [smem:$0x3FB6];
	_ =	sdelay $0x3  }
0x34: {  	[smem:$0x3FB6] =	sst s10  }
0x35: {  	s10 =	sld [smem:$0x3FB5];
	_ =	sdelay $0x3  }
0x36: {  	p1 =	seq.s32 s10, $0x1;
	s10 =	sld [smem:$0x3FB6];
	_ =	sdelay $0x3  }
0x37: {  	[smem:$0x3FB6] =	sst s10  }
0x38: {  	s10 =	sld [smem:$0x3FB7]  }
0x39: {  	_ = 	snop;
	(pc) =	sbr.ind lr, $3  }
0x3a: {  	_ = 	snop  }
0x3b: {  	_ = 	snop  }
0x3c: {  	p2 =	seq.s32 s10, $0x1;
	s10 =	sld [smem:$0x3FB6]  }
0x3d: {  	_ =	shalt  }
0x3e: {  	_ =	shalt  }
0x3f: {  	_ =	shalt  }
0x40: {  	_ =	shalt  }
0x41: {  	_ =	shalt  }
0x42: {  	_ =	shalt  }
0x43: {  	_ =	shalt  }
0x44: {  	_ =	shalt  }
0x45: {  	_ =	shalt  }
0x46: {  	_ =	shalt  }
0x47: {  	_ =	shalt  }
0x48: {  	_ =	shalt  }
0x49: {  	_ =	shalt  }
0x4a: {  	_ =	shalt  }
0x4b: {  	_ =	shalt  }
0x4c: {  	_ =	shalt  }
0x4d: {  	_ =	shalt  }
0x4e: {  	_ =	shalt  }
0x4f: {  	_ =	shalt  }
0x50: {  	_ =	shalt  }
0x51: {  	_ =	shalt  }
0x52: {  	_ =	shalt  }
0x53: {  	_ =	shalt  }
0x54: {  	_ =	shalt  }
0x55: {  	_ =	shalt  }
0x56: {  	_ =	shalt  }
0x57: {  	_ =	shalt  }
0x58: {  	_ =	shalt  }
0x59: {  	_ =	shalt  }
0x5a: {  	_ =	shalt  }
0x5b: {  	_ =	shalt  }
0x5c: {  	_ =	shalt  }
0x5d: {  	_ =	shalt  }
0x5e: {  	_ =	shalt  }
0x5f: {  	_ =	shalt  }
0x60: {  	_ =	shalt  }
0x61: {  	_ =	shalt  }
0x62: {  	_ =	shalt  }
0x63: {  	_ =	shalt  }
0x64: {  	_ =	shalt  }
0x65: {  	_ =	shalt  }
0x66: {  	_ =	shalt  }
0x67: {  	_ =	shalt  }
0x68: {  	_ =	shalt  }
0x69: {  	_ =	shalt  }
0x6a: {  	_ =	shalt  }
0x6b: {  	_ =	shalt  }
0x6c: {  	_ =	shalt  }
0x6d: {  	_ =	shalt  }
0x6e: {  	_ =	shalt  }
0x6f: {  	_ =	shalt  }
0x70: {  	_ =	shalt  }
0x71: {  	_ =	shalt  }
0x72: {  	_ =	shalt  }
0x73: {  	_ =	shalt  }
0x74: {  	_ =	shalt  }
0x75: {  	_ =	shalt  }
0x76: {  	_ =	shalt  }
0x77: {  	_ =	shalt  }
0x78: {  	_ =	shalt  }
0x79: {  	_ =	shalt  }
0x7a: {  	_ =	shalt  }
0x7b: {  	_ =	shalt  }
0x7c: {  	_ =	shalt  }
0x7d: {  	_ =	shalt  }
0x7e: {  	_ =	shalt  }
0x7f: {  	_ =	shalt  }
0x80: {  	_ =	shalt  }
0x81: {  	_ =	shalt  }
0x82: {  	_ =	shalt  }
0x83: {  	_ =	shalt  }
0x84: {  	_ =	shalt  }
0x85: {  	_ =	shalt  }
0x86: {  	_ =	shalt  }
0x87: {  	_ =	shalt  }
.Lfunc_end0:
.L_simem_size_0:
called_computation.1_lowered:
.L_overlay_start_0:
0x88: {  	s2 =	sld [smem:$0x3FD9]  }
0x89: {  	s3 =	sld [smem:$0x3FFE];
	_ =	sdelay $0x1  }
0x8a: {  	s1 =	srdreg.scid  }
0x8b: {  	s0 =	sand.u32 $0x1, s1  }
0x8c: {  	s16 =	sshll.u32 s0, $0xA;
	s2 =	sadd.s32 s3, s2  }
0x8d: {  	s2 =	sadd.s32 s2, s16  }
0x8e: {  	[smem:$0x3FC2] =	sst s2  }
0x8f: {  	_ = 	snop  }
0x90: {  	(tm) =	ssettm $0x1  }
0x91: {  	s17 =	sld [smem:$0x3FFB];
	_ =	sdelay $0x3  }
0x92: {  	_ =	strace s17  }
0x93: {  	s2 =	sld [smem:$0x3FFC];
	_ =	sdelay $0x3  }
0x94: {  	_ =	strace s2  }
0x95: {  	s2 =	sld [smem:$0x3FFD];
	_ =	sdelay $0x3  }
0x96: {  	_ =	strace s2  }
0x97: {  	_ =	strace $0x8FFFFFFF  }
0x98: {  	s18 =	sld [smem:$0x3FDB];
	_ =	sdelay $0x1  }
0x99: {  	s19 =	simm.s32 $_scs_section_size  }
0x9a: {  	s4 =	simm.s32 $_size__tile_overlayer_lowered;
	s5 =	simm.s32 $_tile_overlayer_lowered  }
0x9b: {  	s22 =	simm.s32 $0x1BFF;
	s21 =	sshll.u32 s5, $0x1;
	s2 =	sadd.s32 s19, s18  }
0x9c: {  	s6 =	simm.s32 $0x0;
	s20 =	sshll.u32 s4, $0x1;
	s4 =	sadd.s32 s21, s2  }
0x9d: {  	[timem:s6], [sflag:s22] =	dma.local [hbm:s4], s20  }
0x9e: {  	_ =	swait.ge [sflag:s22], s20  }
0x9f: {  	s3 =	ssub.s32 $0x0, s20;
	[sflag:s22] =	ssyncset.done $0x0  }
0xa0: {  	[sflag:s22] =	ssyncadd.s32 s3;
	_ =	sdelay $0x1  }
0xa1: {  	s23 =	simm.s32 $0x1B8B  }
0xa2: {  	_ =	swait.ge [sflag:s23], $0x1  }
0xa3: {  	[sflag:s23] =	ssyncset.done $0x0  }
0xa4: {  	s25 =	simm.s32 $0x1B8E;
	s24 =	sld [smem:$0x3FFE];
	[sflag:s23] =	ssyncadd.s32 $0xFFFFFFFF  }
0xa5: {  	s26 =	simm.s32 $execute0_lowered;
	[smem:$0x3FD2] =	sst s25  }
0xa6: {  	s4 =	sshll.u32 s26, $0x1;
	_ =	strace $0x80000049;
	[dreg:$0x1] =	wrdreg $0xFFFFFFFF  }
0xa7: {  	s28 =	simm.s32 $_size_execute0_lowered;
	s2 =	sadd.s32 s2, s4;
	[dreg:$0x0] =	wrdreg $0x0  }
0xa8: {  	s4 =	sshll.u32 s28, $0x1;
	[dreg:$0x2] =	wrdreg s2  }
0xa9: {  	[dreg:$0x3] =	wrdreg s4  }
0xaa: {  	[dreg:$0x4] =	wrdreg $0xC0  }
0xab: {  	_ =	task [dreg:s6], $0x5FFFF  }
0xac: {  	[dreg:$0x1] =	wrdreg $0xFFFFFFFF  }
0xad: {  	[dreg:$0x0] =	wrdreg $0x60  }
0xae: {  	[dreg:$0x2] =	wrdreg s24  }
0xaf: {  	[dreg:$0x3] =	wrdreg $0x80000  }
0xb0: {  	[dreg:$0x4] =	wrdreg $0x9  }
0xb1: {  	_ =	task.clear_ibuf [dreg:s6], $0x5FFFF;
	_ =	strace $0x90000049  }
0xb2: {  	s29 =	simm.s32 $0x9;
	_ =	strace $0x8000004B  }
0xb3: {  	_ =	swait.ge [sflag:s29], $0x1  }
0xb4: {  	[sflag:s29] =	ssyncadd.s32 $0xFFFFFFFF  }
0xb5: {  	_ =	strace $0x9000004B  }
0xb6: {  	_ =	sfence  }
0xb7: {  	s30 =	sld [smem:$0x0];
	_ =	sdelay $0x2  }
0xb8: {  	s31 =	sshll.u32 s1, $0xD;
	s1 =	sshrl.u32 s1, $0x2  }
0xb9: {  	s3 =	sand.u32 $0x4000, s31;
	s1 =	sadd.s32 s1, s30  }
0xba: {  	s0 =	sor.u32 s3, s0;
	s1 =	sshll.u32 s1, $0x11  }
0xbb: {  	s0 =	sor.u32 s1, s0  }
0xbc: {  	s0 =	sadd.s32 $0x8F2B, s0  }
0xbd: {  	[sflag:s0] =	ssyncadd.remote.s32 $0x1  }
0xbe: {  	_ =	sfence.sel $0xFFFF  }
0xbf: {  	[dreg:$0x0] =	wrdreg $0xFFFFFFFF;
	(pc) =	sbr.abs _section_cstart, $3  }
0xc0: {  	[dreg:$0x1] =	wrdreg $0xFFFFFFFF  }
0xc1: {  	_ =	task.clear_ibuf [dreg:s6], $0x2FFFF;
	_ =	strace $0x9FFFFFFF  }
0xc2: {  	(tm) =	ssettm $0x7FFFFFFF  }
0xc3: {  	_ =	shalt  }
tec
execute0_lowered:
.L_overlay_start_1:
0x0: {  	(tag) =	ssettag $0x1  }
0x1: {  	s0 =	srdreg.scid;
	s5 =	rddreg [dreg:$0x0]  }
0x2: {  	s4 =	stileid.u32;
	s2 =	rddreg [dreg:$0x1]  }
0x3: {  	s3 =	simm.s32 $0x0;
	s12 =	simm.s32 $0x7800;
	s13 =	simm.s32 $0x9  }
0x4: {  	s14 =	simm.s32 $0x1400;
	s15 =	simm.s32 $0x28;
	s16 =	simm.s32 $0x2800  }
0x5: {  	s17 =	simm.s32 $0x3C00;
	s18 =	simm.s32 $0x1;
	s20 =	simm.s32 $0x5000  }
0x6: {  	s21 =	simm.s32 $0x2;
	s28 =	simm.s32 $0x1450;
	s29 =	simm.s32 $0x5  }
0x7: {  	s30 =	simm.s32 $0xA0;
	s31 =	simm.s32 $0x4;
	s7 =	smul.u32 $0x14000, s4  }
0x8: {  	s0 =	sand.u32 $0x1, s0;
	[smem:$0x7FF] =	sst s3;
	s8 =	smul.u32 $0x50000, s4  }
0x9: {  	s1 =	sshll.u32 s0, $0x4;
	s6 =	smul.u32 $0x140000, s0;
	_ =	strace $0x8000004A  }
0xa: {  	s0 =	ssub.s32 $0x2, s0;
	s1 =	sor.u32 s4, s1;
	s4 =	sadd.s32 $0x15E00, s5  }
0xb: {  	s9 =	sshrl.u32 s0, $0x1;
	s8 =	sshrl.u32 s8, $0x2;
	s26 =	sadd.s32 s7, s2  }
0xc: {  	s1 =	smul.u32 $0x2710, s1;
	s6 =	sadd.s32 s7, s6;
	s0 =	ssub.s32 s0, s9  }
0xd: {  	s7 =	simm.s32 $0x7;
	s6 =	sshrl.u32 s6, $0x3;
	s0 =	smax.u32 s0, $0x1  }
0xe: {  	s1 =	sshrl.u32 s1, $0x3;
	s6 =	sadd.s32 s6, s5;
	[dreg:$0x8] =	wrdreg s0  }
0xf: {  	s0 =	simm.s32 $0x6;
	s1 =	sadd.s32 s1, s5;
	s25 =	sadd.s32 $0x3D000, s6  }
0x10: {  	s5 =	sadd.s32 s8, s2;
	s22 =	sadd.s32 $0x2400, s1;
	[dreg:$0x7] =	wrdreg s25  }
0x11: {  	s6 =	simm.s32 $0xC8;
	s23 =	sadd.s32 $0xC040, s1;
	[dreg:$0x3] =	wrdreg s22  }
0x12: {  	s8 =	simm.s32 $0x8;
	s24 =	sadd.s32 $0x2680, s1;
	[dreg:$0x4] =	wrdreg s23  }
0x13: {  	s1 =	sadd.s32 $0xC2C0, s1;
	s25 =	sshrl.u32 s26, $0x3;
	[dreg:$0x5] =	wrdreg s24  }
0x14: {  	s26 =	simm.s32 $0x3;
	[dreg:$0x6] =	wrdreg s1;
	s22 =	simm.s32 $0x1428  }
0x15: {  	v0 =	vimm.f32 $0.0e+00;
	s23 =	simm.s32 $0x78;
	s24 =	simm.s32 $0x6400;
	s1 =	simm.s32 $0x1478  }
.LBB2_1:
0x16: {  	s9 =	simm.s32 $0x0;
	s10 =	simm.s32 $0x0  }
.LBB2_2:
0x17: {  	p0 =	sne.s32 s10, $0x1FC0  }
.Ltmp0:
0x18: {  	_ = 	snop;
	(pc) =	sbr.rel @p0 .LBB2_2-.Ltmp0, $4  }
0x19: {  	s11 =	sand.u32 $0x1E00, s10  }
0x1a: {  	s19 =	sand.u32 $0x70, s9;
	s11 =	sshrl.u32 s11, $0x2  }
0x1b: {  	s11 =	sor.u32 s19, s11  }
0x1c: {  	s9 =	sadd.s32 $0x10, s9;
	s10 =	sadd.s32 $0x40, s10;
	[tilespmem:s11+$0x7800] =	vst v0  }
0x1d: {  	s9 =	sadd.s32 $0x0, s5  }
0x1e: {  	[spmem:s9] =	stream.linear.scatter [tilespmem:s12], [sflag:$0x9], $0x800, $0x38;
	[tilespmem:$0x1C000] =	vst v63  }
0x1f: {  	s9 =	simm.s32 $0x2000;
	_ =	swait.ge [sflag:s13], $0x800  }
.LBB2_4:
0x20: {  	s10 =	sshra.s32 s9, $0x2;
	[sflag:s13] =	ssyncset.done $0x0;
	p0 =	sne.s32 s9, $0x4E000  }
.Ltmp1:
0x21: {  	s10 =	sadd.s32 s10, s5;
	[sflag:s13] =	ssyncadd.s32 $0xFFFFF800;
	(pc) =	sbr.rel @p0 .LBB2_4-.Ltmp1, $3  }
0x22: {  	[spmem:s10] =	stream.linear.scatter [tilespmem:s12], [sflag:$0x9], $0x800, $0x38;
	[tilespmem:$0x1C000] =	vst v63  }
0x23: {  	s9 =	sadd.s32 $0x2000, s9;
	_ =	sdelay $0x1  }
0x24: {  	_ =	swait.ge [sflag:s13], $0x800  }
0x25: {  	[sflag:s13] =	ssyncset.done $0x0  }
0x26: {  	[sflag:s13] =	ssyncadd.s32 $0xFFFFF800  }
0x27: {  	[bflag:$0x0] =	sbarrier.arrive $0xFFFF  }
0x28: {  	s9 =	simm.s32 $0x0;
	s10 =	rddreg [dreg:$0x3]  }
0x29: {  	[tilespmem:s9], [sflag:$0x9] =	stream.linear.gather [hbm4b:s10+s9], $0x1400, $0x38;
	[tilespmem:$0x1C000] =	vst v63  }
0x2a: {  	_ =	swait.ge [sflag:s13], $0x1400  }
0x2b: {  	[sflag:s13] =	ssyncset.done $0x0  }
0x2c: {  	s11 =	rddreg [dreg:$0x4];
	[sflag:s13] =	ssyncadd.s32 $0xFFFFEC00  }
0x2d: {  	[tilespmem:s14], [sflag:$0x9] =	stream.linear.gather [hbm4b:s11+s9], $0x1400, $0x38;
	[tilespmem:$0x1C000] =	vst v63  }
0x2e: {  	_ =	swait.ge [sflag:s13], $0x1400  }
0x2f: {  	[sflag:s13] =	ssyncset.done $0x0  }
0x30: {  	[sflag:s13] =	ssyncadd.s32 $0xFFFFEC00  }
0x31: {  	[tilespmem:s16], [sflag:$0x1] =	stream.indirect.gather [hbm4b:s4+s15], $0x80, s9, s15, $0xb8;
	[tilespmem:$0x1C000] =	vst v63  }
0x32: {  	_ = 	snop  }
0x33: {  	[tilespmem:s17], [sflag:$0x2] =	stream.indirect.gather [hbm4b:s4+s15], $0x80, s15, s15, $0xb8;
	[tilespmem:$0x1C000] =	vst v63  }
0x34: {  	_ =	swait.ge [sflag:s18], $0x1400  }
0x35: {  	[sflag:s18] =	ssyncset.done $0x0  }
0x36: {  	[sflag:s18] =	ssyncadd.s32 $0xFFFFEC00  }
0x37: {  	[spmem:s2] =	stream.indirect.scatter.add.f32 [tilespmem:s16], [sflag:$0x5], $0x80, s14, s15, $0xb8;
	[tilespmem:$0x1C000] =	vst v63  }
0x38: {  	s19 =	simm.s32 $0x50  }
0x39: {  	[tilespmem:s20], [sflag:$0x3] =	stream.indirect.gather [hbm4b:s4+s15], $0x80, s19, s15, $0xb8;
	[tilespmem:$0x1C000] =	vst v63  }
0x3a: {  	_ =	swait.ge [sflag:s21], $0x1400  }
0x3b: {  	[sflag:s21] =	ssyncset.done $0x0  }
0x3c: {  	[sflag:s21] =	ssyncadd.s32 $0xFFFFEC00  }
0x3d: {  	[spmem:s2] =	stream.indirect.scatter.add.f32 [tilespmem:s17], [sflag:$0x6], $0x80, s22, s15, $0xb8;
	[tilespmem:$0x1C000] =	vst v63  }
0x3e: {  	_ = 	snop  }
0x3f: {  	[tilespmem:s24], [sflag:$0x4] =	stream.indirect.gather [hbm4b:s4+s15], $0x80, s23, s15, $0xb8;
	[tilespmem:$0x1C000] =	vst v63  }
0x40: {  	_ =	swait.ge [sflag:s26], $0x1400  }
0x41: {  	[sflag:s26] =	ssyncset.done $0x0  }
0x42: {  	[sflag:s26] =	ssyncadd.s32 $0xFFFFEC00  }
0x43: {  	[spmem:s2] =	stream.indirect.scatter.add.f32 [tilespmem:s20], [sflag:$0x7], $0x80, s28, s15, $0xb8;
	[tilespmem:$0x1C000] =	vst v63  }
0x44: {  	_ =	swait.ge [sflag:s29], $0x1400  }
0x45: {  	[sflag:s29] =	ssyncset.done $0x0  }
0x46: {  	[sflag:s29] =	ssyncadd.s32 $0xFFFFEC00  }
0x47: {  	[tilespmem:s16], [sflag:$0x1] =	stream.indirect.gather [hbm4b:s4+s15], $0x80, s30, s15, $0xb8;
	[tilespmem:$0x1C000] =	vst v63  }
0x48: {  	_ =	swait.ge [sflag:s31], $0x1400  }
0x49: {  	[sflag:s31] =	ssyncset.done $0x0  }
0x4a: {  	[sflag:s31] =	ssyncadd.s32 $0xFFFFEC00  }
0x4b: {  	[spmem:s2] =	stream.indirect.scatter.add.f32 [tilespmem:s24], [sflag:$0x8], $0x80, s1, s15, $0xb8;
	[tilespmem:$0x1C000] =	vst v63  }
0x4c: {  	_ =	swait.ge [sflag:s0], $0x1400  }
0x4d: {  	[sflag:s0] =	ssyncset.done $0x0  }
0x4e: {  	[sflag:s0] =	ssyncadd.s32 $0xFFFFEC00  }
0x4f: {  	[tilespmem:s17], [sflag:$0x2] =	stream.indirect.gather [hbm4b:s4+s15], $0x80, s6, s15, $0xb8;
	[tilespmem:$0x1C000] =	vst v63  }
.LBB2_6:
0x50: {  	_ =	swait.ge [sflag:s18], $0x1400  }
0x51: {  	s10 =	sshra.s32 s9, $0x2;
	[sflag:s18] =	ssyncset.done $0x0  }
0x52: {  	s11 =	sadd.s32 $0x14A0, s10;
	[sflag:s18] =	ssyncadd.s32 $0xFFFFEC00  }
0x53: {  	[spmem:s2] =	stream.indirect.scatter.add.f32 [tilespmem:s16], [sflag:$0x5], $0x80, s11, s15, $0xb8;
	[tilespmem:$0x1C000] =	vst v63  }
0x54: {  	_ =	swait.ge [sflag:s7], $0x1400  }
0x55: {  	[sflag:s7] =	ssyncset.done $0x0  }
0x56: {  	s19 =	sadd.s32 $0xF0, s10;
	[sflag:s7] =	ssyncadd.s32 $0xFFFFEC00  }
0x57: {  	[tilespmem:s20], [sflag:$0x3] =	stream.indirect.gather [hbm4b:s4+s15], $0x80, s19, s15, $0xb8;
	[tilespmem:$0x1C000] =	vst v63  }
0x58: {  	_ =	swait.ge [sflag:s21], $0x1400  }
0x59: {  	[sflag:s21] =	ssyncset.done $0x0  }
0x5a: {  	s19 =	sadd.s32 $0x14C8, s10;
	[sflag:s21] =	ssyncadd.s32 $0xFFFFEC00  }
0x5b: {  	[spmem:s2] =	stream.indirect.scatter.add.f32 [tilespmem:s17], [sflag:$0x6], $0x80, s19, s15, $0xb8;
	[tilespmem:$0x1C000] =	vst v63  }
0x5c: {  	_ =	swait.ge [sflag:s8], $0x1400  }
0x5d: {  	[sflag:s8] =	ssyncset.done $0x0  }
0x5e: {  	s19 =	sadd.s32 $0x118, s10;
	[sflag:s8] =	ssyncadd.s32 $0xFFFFEC00  }
0x5f: {  	[tilespmem:s24], [sflag:$0x4] =	stream.indirect.gather [hbm4b:s4+s15], $0x80, s19, s15, $0xb8;
	[tilespmem:$0x1C000] =	vst v63  }
0x60: {  	_ =	swait.ge [sflag:s26], $0x1400  }
0x61: {  	p0 =	seq.s32 s9, $0x4B00;
	[sflag:s26] =	ssyncset.done $0x0  }
.Ltmp2:
0x62: {  	s19 =	sadd.s32 $0x14F0, s10;
	[sflag:s26] =	ssyncadd.s32 $0xFFFFEC00;
	(pc) =	sbr.rel @p0 .LBB2_8-.Ltmp2, $4  }
0x63: {  	[spmem:s2] =	stream.indirect.scatter.add.f32 [tilespmem:s20], [sflag:$0x7], $0x80, s19, s15, $0xb8;
	[tilespmem:$0x1C000] =	vst v63  }
0x64: {  	_ =	swait.ge [sflag:s29], $0x1400  }
0x65: {  	[sflag:s29] =	ssyncset.done $0x0  }
0x66: {  	s11 =	sadd.s32 $0x1518, s10;
	[sflag:s29] =	ssyncadd.s32 $0xFFFFEC00  }
0x67: {  	s19 =	sadd.s32 $0x140, s10  }
0x68: {  	[tilespmem:s16], [sflag:$0x1] =	stream.indirect.gather [hbm4b:s4+s15], $0x80, s19, s15, $0xb8;
	[tilespmem:$0x1C000] =	vst v63  }
0x69: {  	_ =	swait.ge [sflag:s31], $0x1400  }
0x6a: {  	[sflag:s31] =	ssyncset.done $0x0  }
0x6b: {  	[sflag:s31] =	ssyncadd.s32 $0xFFFFEC00  }
0x6c: {  	[spmem:s2] =	stream.indirect.scatter.add.f32 [tilespmem:s24], [sflag:$0x8], $0x80, s11, s15, $0xb8;
	[tilespmem:$0x1C000] =	vst v63  }
.Ltmp3:
0x6d: {  	_ = 	snop;
	(pc) =	sbr.rel .LBB2_6-.Ltmp3, $4  }
0x6e: {  	_ =	swait.ge [sflag:s0], $0x1400  }
0x6f: {  	[sflag:s0] =	ssyncset.done $0x0  }
0x70: {  	s9 =	sadd.s32 $0x280, s9;
	s19 =	sadd.s32 $0x168, s10;
	[sflag:s0] =	ssyncadd.s32 $0xFFFFEC00  }
0x71: {  	[tilespmem:s17], [sflag:$0x2] =	stream.indirect.gather [hbm4b:s4+s15], $0x80, s19, s15, $0xb8;
	[tilespmem:$0x1C000] =	vst v63  }
.LBB2_8:
0x72: {  	_ =	swait.ge [sflag:s31], $0x1400  }
0x73: {  	[sflag:s31] =	ssyncset.done $0x0  }
0x74: {  	[sflag:s31] =	ssyncadd.s32 $0xFFFFEC00  }
0x75: {  	[spmem:s2] =	stream.indirect.scatter.add.f32 [tilespmem:s24], [sflag:$0x8], $0x80, s11, s15, $0xb8;
	[tilespmem:$0x1C000] =	vst v63  }
0x76: {  	_ =	swait.ge [sflag:s0], $0x1400  }
0x77: {  	[sflag:s0] =	ssyncset.done $0x0  }
0x78: {  	[sflag:s0] =	ssyncadd.s32 $0xFFFFEC00  }
0x79: {  	_ =	swait.ge [sflag:s7], $0x1400  }
0x7a: {  	[sflag:s7] =	ssyncset.done $0x0  }
0x7b: {  	[sflag:s7] =	ssyncadd.s32 $0xFFFFEC00  }
0x7c: {  	_ =	swait.ge [sflag:s8], $0x1400  }
0x7d: {  	[sflag:s8] =	ssyncset.done $0x0  }
0x7e: {  	s9 =	simm.s32 $0x0;
	s10 =	rddreg [dreg:$0x5];
	[sflag:s8] =	ssyncadd.s32 $0xFFFFEC00  }
0x7f: {  	[tilespmem:s9], [sflag:$0x9] =	stream.linear.gather [hbm4b:s10+s9], $0x1310, $0x38;
	[tilespmem:$0x1C000] =	vst v63  }
0x80: {  	_ =	swait.ge [sflag:s13], $0x1310  }
0x81: {  	[sflag:s13] =	ssyncset.done $0x0  }
0x82: {  	s19 =	rddreg [dreg:$0x6];
	[sflag:s13] =	ssyncadd.s32 $0xFFFFECF0  }
0x83: {  	[tilespmem:s14], [sflag:$0x9] =	stream.linear.gather [hbm4b:s19+s9], $0x1310, $0x38;
	[tilespmem:$0x1C000] =	vst v63  }
0x84: {  	_ =	swait.ge [sflag:s13], $0x1310  }
0x85: {  	[sflag:s13] =	ssyncset.done $0x0  }
0x86: {  	[sflag:s13] =	ssyncadd.s32 $0xFFFFECF0  }
0x87: {  	[tilespmem:s16], [sflag:$0x1] =	stream.indirect.gather [hbm4b:s4+s15], $0x80, s9, s15, $0xb8;
	[tilespmem:$0x1C000] =	vst v63  }
0x88: {  	_ = 	snop  }
0x89: {  	[tilespmem:s17], [sflag:$0x2] =	stream.indirect.gather [hbm4b:s4+s15], $0x80, s15, s15, $0xb8;
	[tilespmem:$0x1C000] =	vst v63  }
0x8a: {  	_ =	swait.ge [sflag:s18], $0x1400  }
0x8b: {  	[sflag:s18] =	ssyncset.done $0x0  }
0x8c: {  	[sflag:s18] =	ssyncadd.s32 $0xFFFFEC00  }
0x8d: {  	[spmem:s2] =	stream.indirect.scatter.add.f32 [tilespmem:s16], [sflag:$0x5], $0x80, s14, s15, $0xb8;
	[tilespmem:$0x1C000] =	vst v63  }
0x8e: {  	s11 =	simm.s32 $0x50  }
0x8f: {  	[tilespmem:s20], [sflag:$0x3] =	stream.indirect.gather [hbm4b:s4+s15], $0x80, s11, s15, $0xb8;
	[tilespmem:$0x1C000] =	vst v63  }
0x90: {  	_ =	swait.ge [sflag:s21], $0x1400  }
0x91: {  	[sflag:s21] =	ssyncset.done $0x0  }
0x92: {  	[sflag:s21] =	ssyncadd.s32 $0xFFFFEC00  }
0x93: {  	[spmem:s2] =	stream.indirect.scatter.add.f32 [tilespmem:s17], [sflag:$0x6], $0x80, s22, s15, $0xb8;
	[tilespmem:$0x1C000] =	vst v63  }
0x94: {  	_ = 	snop  }
0x95: {  	[tilespmem:s24], [sflag:$0x4] =	stream.indirect.gather [hbm4b:s4+s15], $0x80, s23, s15, $0xb8;
	[tilespmem:$0x1C000] =	vst v63  }
0x96: {  	_ =	swait.ge [sflag:s26], $0x1400  }
0x97: {  	[sflag:s26] =	ssyncset.done $0x0  }
0x98: {  	[sflag:s26] =	ssyncadd.s32 $0xFFFFEC00  }
0x99: {  	[spmem:s2] =	stream.indirect.scatter.add.f32 [tilespmem:s20], [sflag:$0x7], $0x80, s28, s15, $0xb8;
	[tilespmem:$0x1C000] =	vst v63  }
0x9a: {  	_ =	swait.ge [sflag:s29], $0x1400  }
0x9b: {  	[sflag:s29] =	ssyncset.done $0x0  }
0x9c: {  	[sflag:s29] =	ssyncadd.s32 $0xFFFFEC00  }
0x9d: {  	[tilespmem:s16], [sflag:$0x1] =	stream.indirect.gather [hbm4b:s4+s15], $0x80, s30, s15, $0xb8;
	[tilespmem:$0x1C000] =	vst v63  }
0x9e: {  	_ =	swait.ge [sflag:s31], $0x1400  }
0x9f: {  	[sflag:s31] =	ssyncset.done $0x0  }
0xa0: {  	[sflag:s31] =	ssyncadd.s32 $0xFFFFEC00  }
0xa1: {  	[spmem:s2] =	stream.indirect.scatter.add.f32 [tilespmem:s24], [sflag:$0x8], $0x80, s1, s15, $0xb8;
	[tilespmem:$0x1C000] =	vst v63  }
0xa2: {  	_ =	swait.ge [sflag:s0], $0x1400  }
0xa3: {  	[sflag:s0] =	ssyncset.done $0x0  }
0xa4: {  	[sflag:s0] =	ssyncadd.s32 $0xFFFFEC00  }
0xa5: {  	[tilespmem:s17], [sflag:$0x2] =	stream.indirect.gather [hbm4b:s4+s15], $0x80, s6, s15, $0xb8;
	[tilespmem:$0x1C000] =	vst v63  }
0xa6: {  	_ =	swait.ge [sflag:s18], $0x1400  }
0xa7: {  	[sflag:s18] =	ssyncset.done $0x0  }
0xa8: {  	s19 =	simm.s32 $0x14A0;
	[sflag:s18] =	ssyncadd.s32 $0xFFFFEC00  }
0xa9: {  	[spmem:s2] =	stream.indirect.scatter.add.f32 [tilespmem:s16], [sflag:$0x5], $0x80, s19, s15, $0xb8;
	[tilespmem:$0x1C000] =	vst v63  }
0xaa: {  	_ =	swait.ge [sflag:s7], $0x1400  }
0xab: {  	[sflag:s7] =	ssyncset.done $0x0  }
0xac: {  	s10 =	simm.s32 $0xF0;
	[sflag:s7] =	ssyncadd.s32 $0xFFFFEC00  }
0xad: {  	[tilespmem:s20], [sflag:$0x3] =	stream.indirect.gather [hbm4b:s4+s15], $0x80, s10, s15, $0xb8;
	[tilespmem:$0x1C000] =	vst v63  }
0xae: {  	_ =	swait.ge [sflag:s21], $0x1400  }
0xaf: {  	[sflag:s21] =	ssyncset.done $0x0  }
0xb0: {  	s11 =	simm.s32 $0x14C8;
	[sflag:s21] =	ssyncadd.s32 $0xFFFFEC00  }
0xb1: {  	[spmem:s2] =	stream.indirect.scatter.add.f32 [tilespmem:s17], [sflag:$0x6], $0x80, s11, s15, $0xb8;
	[tilespmem:$0x1C000] =	vst v63  }
0xb2: {  	_ =	swait.ge [sflag:s8], $0x1400  }
0xb3: {  	[sflag:s8] =	ssyncset.done $0x0  }
0xb4: {  	s19 =	simm.s32 $0x118;
	[sflag:s8] =	ssyncadd.s32 $0xFFFFEC00  }
0xb5: {  	[tilespmem:s24], [sflag:$0x4] =	stream.indirect.gather [hbm4b:s4+s15], $0x80, s19, s15, $0xb8;
	[tilespmem:$0x1C000] =	vst v63  }
0xb6: {  	_ =	swait.ge [sflag:s26], $0x1400  }
0xb7: {  	[sflag:s26] =	ssyncset.done $0x0  }
0xb8: {  	s10 =	simm.s32 $0x14F0;
	[sflag:s26] =	ssyncadd.s32 $0xFFFFEC00  }
0xb9: {  	[spmem:s2] =	stream.indirect.scatter.add.f32 [tilespmem:s20], [sflag:$0x7], $0x80, s10, s15, $0xb8;
	[tilespmem:$0x1C000] =	vst v63  }
0xba: {  	_ =	swait.ge [sflag:s29], $0x1400  }
0xbb: {  	[sflag:s29] =	ssyncset.done $0x0  }
0xbc: {  	s11 =	simm.s32 $0x140;
	[sflag:s29] =	ssyncadd.s32 $0xFFFFEC00  }
0xbd: {  	[tilespmem:s16], [sflag:$0x1] =	stream.indirect.gather [hbm4b:s4+s15], $0x80, s11, s15, $0xb8;
	[tilespmem:$0x1C000] =	vst v63  }
0xbe: {  	_ =	swait.ge [sflag:s31], $0x1400  }
0xbf: {  	[sflag:s31] =	ssyncset.done $0x0  }
0xc0: {  	s19 =	simm.s32 $0x1518;
	[sflag:s31] =	ssyncadd.s32 $0xFFFFEC00  }
0xc1: {  	[spmem:s2] =	stream.indirect.scatter.add.f32 [tilespmem:s24], [sflag:$0x8], $0x80, s19, s15, $0xb8;
	[tilespmem:$0x1C000] =	vst v63  }
0xc2: {  	_ =	swait.ge [sflag:s0], $0x1400  }
0xc3: {  	[sflag:s0] =	ssyncset.done $0x0  }
0xc4: {  	s9 =	simm.s32 $0x280;
	s10 =	simm.s32 $0x168;
	[sflag:s0] =	ssyncadd.s32 $0xFFFFEC00  }
.LBB2_9:
0xc5: {  	[tilespmem:s17], [sflag:$0x2] =	stream.indirect.gather [hbm4b:s4+s15], $0x80, s10, s15, $0xb8;
	[tilespmem:$0x1C000] =	vst v63  }
0xc6: {  	s10 =	smov.u32 s9  }
0xc7: {  	p0 =	sne.s32 s9, $0x4600;
	s9 =	sadd.s32 $0x280, s9;
	_ =	swait.ge [sflag:s18], $0x1400  }
0xc8: {  	s10 =	sshra.s32 s10, $0x2;
	[sflag:s18] =	ssyncset.done $0x0  }
0xc9: {  	s11 =	sadd.s32 $0x14A0, s10;
	[sflag:s18] =	ssyncadd.s32 $0xFFFFEC00  }
0xca: {  	[spmem:s2] =	stream.indirect.scatter.add.f32 [tilespmem:s16], [sflag:$0x5], $0x80, s11, s15, $0xb8;
	[tilespmem:$0x1C000] =	vst v63  }
0xcb: {  	_ =	swait.ge [sflag:s7], $0x1400  }
0xcc: {  	[sflag:s7] =	ssyncset.done $0x0  }
0xcd: {  	s11 =	sadd.s32 $0xF0, s10;
	[sflag:s7] =	ssyncadd.s32 $0xFFFFEC00  }
0xce: {  	[tilespmem:s20], [sflag:$0x3] =	stream.indirect.gather [hbm4b:s4+s15], $0x80, s11, s15, $0xb8;
	[tilespmem:$0x1C000] =	vst v63  }
0xcf: {  	_ =	swait.ge [sflag:s21], $0x1400  }
0xd0: {  	[sflag:s21] =	ssyncset.done $0x0  }
0xd1: {  	s11 =	sadd.s32 $0x14C8, s10;
	[sflag:s21] =	ssyncadd.s32 $0xFFFFEC00  }
0xd2: {  	[spmem:s2] =	stream.indirect.scatter.add.f32 [tilespmem:s17], [sflag:$0x6], $0x80, s11, s15, $0xb8;
	[tilespmem:$0x1C000] =	vst v63  }
0xd3: {  	_ =	swait.ge [sflag:s8], $0x1400  }
0xd4: {  	[sflag:s8] =	ssyncset.done $0x0  }
0xd5: {  	s11 =	sadd.s32 $0x118, s10;
	[sflag:s8] =	ssyncadd.s32 $0xFFFFEC00  }
0xd6: {  	[tilespmem:s24], [sflag:$0x4] =	stream.indirect.gather [hbm4b:s4+s15], $0x80, s11, s15, $0xb8;
	[tilespmem:$0x1C000] =	vst v63  }
0xd7: {  	_ =	swait.ge [sflag:s26], $0x1400  }
0xd8: {  	[sflag:s26] =	ssyncset.done $0x0  }
0xd9: {  	s11 =	sadd.s32 $0x14F0, s10;
	[sflag:s26] =	ssyncadd.s32 $0xFFFFEC00  }
0xda: {  	[spmem:s2] =	stream.indirect.scatter.add.f32 [tilespmem:s20], [sflag:$0x7], $0x80, s11, s15, $0xb8;
	[tilespmem:$0x1C000] =	vst v63  }
0xdb: {  	_ =	swait.ge [sflag:s29], $0x1400  }
0xdc: {  	[sflag:s29] =	ssyncset.done $0x0  }
0xdd: {  	s11 =	sadd.s32 $0x140, s10;
	[sflag:s29] =	ssyncadd.s32 $0xFFFFEC00  }
0xde: {  	[tilespmem:s16], [sflag:$0x1] =	stream.indirect.gather [hbm4b:s4+s15], $0x80, s11, s15, $0xb8;
	[tilespmem:$0x1C000] =	vst v63  }
0xdf: {  	_ =	swait.ge [sflag:s31], $0x1400  }
0xe0: {  	[sflag:s31] =	ssyncset.done $0x0  }
.Ltmp4:
0xe1: {  	s11 =	sadd.s32 $0x1518, s10;
	[sflag:s31] =	ssyncadd.s32 $0xFFFFEC00;
	(pc) =	sbr.rel @p0 .LBB2_9-.Ltmp4, $4  }
0xe2: {  	[spmem:s2] =	stream.indirect.scatter.add.f32 [tilespmem:s24], [sflag:$0x8], $0x80, s11, s15, $0xb8;
	[tilespmem:$0x1C000] =	vst v63  }
0xe3: {  	_ =	swait.ge [sflag:s0], $0x1400  }
0xe4: {  	[sflag:s0] =	ssyncset.done $0x0  }
0xe5: {  	s10 =	sadd.s32 $0x168, s10;
	[sflag:s0] =	ssyncadd.s32 $0xFFFFEC00  }
0xe6: {  	[tilespmem:s17], [sflag:$0x2] =	stream.indirect.gather [hbm4b:s4+s15], $0x80, s10, s15, $0xb8;
	[tilespmem:$0x1C000] =	vst v63  }
0xe7: {  	_ =	swait.ge [sflag:s18], $0x1400  }
0xe8: {  	[sflag:s18] =	ssyncset.done $0x0  }
0xe9: {  	s9 =	simm.s32 $0x26C0;
	[sflag:s18] =	ssyncadd.s32 $0xFFFFEC00  }
0xea: {  	[spmem:s2] =	stream.indirect.scatter.add.f32 [tilespmem:s16], [sflag:$0x5], $0x80, s9, s15, $0xb8;
	[tilespmem:$0x1C000] =	vst v63  }
0xeb: {  	_ =	swait.ge [sflag:s7], $0x1400  }
0xec: {  	[sflag:s7] =	ssyncset.done $0x0  }
0xed: {  	[sflag:s7] =	ssyncadd.s32 $0xFFFFEC00  }
0xee: {  	_ =	swait.ge [sflag:s21], $0x1400  }
0xef: {  	[sflag:s21] =	ssyncset.done $0x0  }
0xf0: {  	s19 =	simm.s32 $0x26E8;
	[sflag:s21] =	ssyncadd.s32 $0xFFFFEC00  }
0xf1: {  	[spmem:s2] =	stream.indirect.scatter.add.f32 [tilespmem:s17], [sflag:$0x6], $0x80, s19, s15, $0xb8;
	[tilespmem:$0x1C000] =	vst v63  }
0xf2: {  	_ =	swait.ge [sflag:s8], $0x1400  }
0xf3: {  	[sflag:s8] =	ssyncset.done $0x0  }
0xf4: {  	[sflag:s8] =	ssyncadd.s32 $0xFFFFEC00  }
0xf5: {  	_ =	swait.ge [sflag:s29], $0x1400  }
0xf6: {  	[sflag:s29] =	ssyncset.done $0x0  }
0xf7: {  	[sflag:s29] =	ssyncadd.s32 $0xFFFFEC00  }
0xf8: {  	_ =	swait.ge [sflag:s0], $0x1400  }
0xf9: {  	[sflag:s0] =	ssyncset.done $0x0  }
0xfa: {  	s10 =	stileid.u32;
	[sflag:s0] =	ssyncadd.s32 $0xFFFFEC00  }
0xfb: {  	s9 =	sshll.u32 s10, $0x6;
	[bflag:$0x0] =	sbarrier.arrive $0xFFFF  }
0xfc: {  	s9 =	sor.u32 $0x1C09, s9;
	s11 =	rddreg [dreg:$0x7]  }
0xfd: {  	[hbm:s11], [sflag:s9] =	dma.local [spmem:s25], $0x2800  }
0xfe: {  	_ =	swait.ge [sflag:s13], $0x2800  }
0xff: {  	s3 =	sadd.s32 $0x1, s3;
	s19 =	rddreg [dreg:$0x8]  }
0x100: {  	p0 =	sne.s32 s3, s19  }
.Ltmp5:
0x101: {  	_ = 	snop;
	(pc) =	sbr.rel @p0 .LBB2_1-.Ltmp5, $3  }
0x102: {  	_ =	sdelay $0x1  }
0x103: {  	[sflag:s13] =	ssyncset.done $0x0  }
0x104: {  	[sflag:s13] =	ssyncadd.s32 $0xFFFFD800  }
0x105: {  	_ =	sfence.sel $0x180000  }
0x106: {  	[bflag:$0x0] =	sbarrier.arrive $0xFFFF  }
0x107: {  	_ =	strace $0x9000004A  }
0x108: {  	s0 =	stileid.u32;
	[bflag:$0x2] =	sbarrier.arrive $0xFFFF  }
0x109: {  	p0 =	sne.s32 s0, $0x0;
	s0 =	rddreg [dreg:$0x2]  }
0x10a: {  	s0 =	sadd.s32 @!p0 $0x100000, s0  }
0x10b: {  	[sflag:s0] =	ssyncadd.tile.s32 @!p0 $0x1;
	_ =	shalt  }
.Lfunc_end2:
_tile_overlayer_lowered:
.L_overlay_start_2:
0x10c: {  	(tag) =	ssettag $0x2  }
0x10d: {  	s0 =	rddreg [dreg:$0x0];
	s2 =	stileid.u32  }
0x10e: {  	s1 =	rddreg [dreg:$0x1];
	p0 =	sne.s32 s2, $0x0  }
0x10f: {  	s3 =	rddreg [dreg:$0x2];
	[bflag:$0x3] =	sbarrier.arrive $0xFFFF;
	s2 =	simm.s32 @!p0 $0x1C09  }
0x110: {  	[timem:s3], [sflag:s2] =	dma.local @!p0 [hbm:s0], s1  }
0x111: {  	s0 =	simm.s32 @!p0 $0x9  }
0x112: {  	_ =	swait.ge @!p0 [sflag:s0], s1  }
0x113: {  	s1 =	ssub.s32 @!p0 $0x0, s1;
	[sflag:s0] =	ssyncset.done @!p0 $0x0  }
0x114: {  	[sflag:s0] =	ssyncadd.s32 @!p0 s1  }
0x115: {  	[bflag:$0x3] =	sbarrier.arrive $0xFFFF  }
0x116: {  	_ =	shalt  }

// kernel: kernel.14.cloned.1.call-start
scs
__scs_entry_jumppad:
0x0: {  	(pc) =	sbr.rel $0x88, $3  }
0x1: {  	(tag) =	ssettag $0x0;
	lr =	simm.s32 $0x1  }
0x2: {  	[smem:$0x3F9B] =	sst lr;
	_ =	strace $0xD0000000  }
0x3: {  	_ = 	snop  }
0x4: {  	_ = 	snop  }
0x5: {  	_ = 	snop  }
0x6: {  	_ = 	snop  }
0x7: {  	_ = 	snop  }
__scs_overlays_trampoline_lowered:
0x8: {  	[smem:$0x3FAA] =	sst s0  }
0x9: {  	[smem:$0x3FAB] =	sst s1  }
0xa: {  	[smem:$0x3FAC] =	sst s2  }
0xb: {  	[smem:$0x3FAD] =	sst s3  }
0xc: {  	[smem:$0x3FAE] =	sst s4  }
0xd: {  	[smem:$0x3FAF] =	sst s5  }
0xe: {  	[smem:$0x3FB0] =	sst s6  }
0xf: {  	[smem:$0x3FB1] =	sst s7  }
0x10: {  	[smem:$0x3FB2] =	sst s8  }
0x11: {  	[smem:$0x3FB3] =	sst s9;
	s0 =	simm.s32 @!p0 $0x0  }
0x12: {  	s1 =	sld [smem:$0x3F99];
	s0 =	simm.s32 @p0 $0x1  }
0x13: {  	[smem:$0x3FB4] =	sst s0;
	s0 =	simm.s32 @!p1 $0x0  }
0x14: {  	s2 =	sld [smem:$0x3F98];
	s0 =	simm.s32 @p1 $0x1  }
0x15: {  	[smem:$0x3FB5] =	sst s0;
	s0 =	simm.s32 @!p2 $0x0  }
0x16: {  	s3 =	sld [smem:$0x3FDB];
	s0 =	simm.s32 @p2 $0x1  }
0x17: {  	s4 =	simm.s32 $0x1BF5;
	[smem:$0x3FB7] =	sst s0  }
0x18: {  	s0 =	sld [smem:$0x3F9A];
	_ =	swait.ge [sflag:s4], $0x0  }
0x19: {  	s7 =	sld [smem:$0x3F9B]  }
0x1a: {  	s8 =	sadd.s32 $0xFFFFE003, lr  }
0x1b: {  	s9 =	sadd.s32 $0xFFFFFEF7, lr;
	s5 =	simm.s32 $0xFFFFFFFF;
	p2 =	slt.u32 s8, $0xFFFFF086  }
0x1c: {  	p1 =	slt.u32 s9, $0xF7A;
	s5 =	simm.s32 @!p2 $0x0  }
0x1d: {  	s5 =	simm.s32 @p1 $0x1;
	p0 =	seq.s32 s7, s2  }
0x1e: {  	s7 =	smul.u32 @!p0 $0xF7A, s2;
	p2 =	seq.s32 @!p0 s5, $0x0  }
0x1f: {  	s9 =	smul.u32 $0xF7A, s1;
	s8 =	simm.s32 @!p0 $0x1BF5;
	p2 =	por !p2, p0  }
0x20: {  	[sflag:s8] =	ssyncset.s32 @!p0 $0xFFFFF086;
	s6 =	sadd.s32 @!p0 s3, s7;
	s7 =	simm.s32 @!p0 $0x108  }
0x21: {  	s3 =	sadd.s32 s3, s9;
	s6 =	sadd.s32 @!p0 $0x88, s6;
	s7 =	simm.s32 @p2 $0x1082  }
0x22: {  	[simem:s7], [sflag:s8] =	dma.local @!p0 [hbm:s6], $0xF7A  }
0x23: {  	s9 =	sor.u32 $0xD0000000, s2;
	s6 =	simm.s32 $0x108;
	_ =	swait.ge @!p0 [sflag:s8], $0x0  }
0x24: {  	s3 =	sadd.s32 $0x88, s3;
	s6 =	simm.s32 @!p1 $0x1082;
	[sflag:s4] =	ssyncset.s32 $0xFFFFF086  }
0x25: {  	[simem:s6], [sflag:s4] =	dma.local [hbm:s3], $0xF7A  }
0x26: {  	[smem:$0x3F9B] =	sst s1;
	(tag) =	ssettag s2;
	_ =	strace s9  }
0x27: {  	s1 =	sld [smem:$0x3FAB]  }
0x28: {  	s2 =	sld [smem:$0x3FAC]  }
0x29: {  	s4 =	sld [smem:$0x3FAE]  }
0x2a: {  	p0 =	seq.s32 s5, $0x0;
	s5 =	sld [smem:$0x3FAF]  }
0x2b: {  	s6 =	sld [smem:$0x3FB0]  }
0x2c: {  	s7 =	sld [smem:$0x3FB1]  }
0x2d: {  	s3 =	simm.s32 $0x108;
	s8 =	sld [smem:$0x3FB2]  }
0x2e: {  	s3 =	simm.s32 @!p0 $0x1082;
	s9 =	sld [smem:$0x3FB3]  }
0x2f: {  	lr =	sadd.s32 s0, s3;
	s0 =	sld [smem:$0x3FAA]  }
0x30: {  	s3 =	sld [smem:$0x3FAD]  }
0x31: {  	[smem:$0x3FB6] =	sst s10  }
0x32: {  	s10 =	sld [smem:$0x3FB4];
	_ =	sdelay $0x3  }
0x33: {  	p0 =	seq.s32 s10, $0x1;
	s10 =	sld [smem:$0x3FB6];
	_ =	sdelay $0x3  }
0x34: {  	[smem:$0x3FB6] =	sst s10  }
0x35: {  	s10 =	sld [smem:$0x3FB5];
	_ =	sdelay $0x3  }
0x36: {  	p1 =	seq.s32 s10, $0x1;
	s10 =	sld [smem:$0x3FB6];
	_ =	sdelay $0x3  }
0x37: {  	[smem:$0x3FB6] =	sst s10  }
0x38: {  	s10 =	sld [smem:$0x3FB7]  }
0x39: {  	_ = 	snop;
	(pc) =	sbr.ind lr, $3  }
0x3a: {  	_ = 	snop  }
0x3b: {  	_ = 	snop  }
0x3c: {  	p2 =	seq.s32 s10, $0x1;
	s10 =	sld [smem:$0x3FB6]  }
0x3d: {  	_ =	shalt  }
0x3e: {  	_ =	shalt  }
0x3f: {  	_ =	shalt  }
0x40: {  	_ =	shalt  }
0x41: {  	_ =	shalt  }
0x42: {  	_ =	shalt  }
0x43: {  	_ =	shalt  }
0x44: {  	_ =	shalt  }
0x45: {  	_ =	shalt  }
0x46: {  	_ =	shalt  }
0x47: {  	_ =	shalt  }
0x48: {  	_ =	shalt  }
0x49: {  	_ =	shalt  }
0x4a: {  	_ =	shalt  }
0x4b: {  	_ =	shalt  }
0x4c: {  	_ =	shalt  }
0x4d: {  	_ =	shalt  }
0x4e: {  	_ =	shalt  }
0x4f: {  	_ =	shalt  }
0x50: {  	_ =	shalt  }
0x51: {  	_ =	shalt  }
0x52: {  	_ =	shalt  }
0x53: {  	_ =	shalt  }
0x54: {  	_ =	shalt  }
0x55: {  	_ =	shalt  }
0x56: {  	_ =	shalt  }
0x57: {  	_ =	shalt  }
0x58: {  	_ =	shalt  }
0x59: {  	_ =	shalt  }
0x5a: {  	_ =	shalt  }
0x5b: {  	_ =	shalt  }
0x5c: {  	_ =	shalt  }
0x5d: {  	_ =	shalt  }
0x5e: {  	_ =	shalt  }
0x5f: {  	_ =	shalt  }
0x60: {  	_ =	shalt  }
0x61: {  	_ =	shalt  }
0x62: {  	_ =	shalt  }
0x63: {  	_ =	shalt  }
0x64: {  	_ =	shalt  }
0x65: {  	_ =	shalt  }
0x66: {  	_ =	shalt  }
0x67: {  	_ =	shalt  }
0x68: {  	_ =	shalt  }
0x69: {  	_ =	shalt  }
0x6a: {  	_ =	shalt  }
0x6b: {  	_ =	shalt  }
0x6c: {  	_ =	shalt  }
0x6d: {  	_ =	shalt  }
0x6e: {  	_ =	shalt  }
0x6f: {  	_ =	shalt  }
0x70: {  	_ =	shalt  }
0x71: {  	_ =	shalt  }
0x72: {  	_ =	shalt  }
0x73: {  	_ =	shalt  }
0x74: {  	_ =	shalt  }
0x75: {  	_ =	shalt  }
0x76: {  	_ =	shalt  }
0x77: {  	_ =	shalt  }
0x78: {  	_ =	shalt  }
0x79: {  	_ =	shalt  }
0x7a: {  	_ =	shalt  }
0x7b: {  	_ =	shalt  }
0x7c: {  	_ =	shalt  }
0x7d: {  	_ =	shalt  }
0x7e: {  	_ =	shalt  }
0x7f: {  	_ =	shalt  }
0x80: {  	_ =	shalt  }
0x81: {  	_ =	shalt  }
0x82: {  	_ =	shalt  }
0x83: {  	_ =	shalt  }
0x84: {  	_ =	shalt  }
0x85: {  	_ =	shalt  }
0x86: {  	_ =	shalt  }
0x87: {  	_ =	shalt  }
.Lfunc_end0:
.L_simem_size_0:
called_computation.2_lowered:
.L_overlay_start_0:
0x88: {  	s2 =	sld [smem:$0x3FD9]  }
0x89: {  	s3 =	sld [smem:$0x3FFE];
	_ =	sdelay $0x1  }
0x8a: {  	s1 =	srdreg.scid  }
0x8b: {  	s0 =	sand.u32 $0x1, s1  }
0x8c: {  	s16 =	sshll.u32 s0, $0xA;
	s2 =	sadd.s32 s3, s2  }
0x8d: {  	s2 =	sadd.s32 s2, s16  }
0x8e: {  	[smem:$0x3FC2] =	sst s2  }
0x8f: {  	_ = 	snop  }
0x90: {  	(tm) =	ssettm $0x1  }
0x91: {  	s17 =	sld [smem:$0x3FFB];
	_ =	sdelay $0x3  }
0x92: {  	_ =	strace s17  }
0x93: {  	s2 =	sld [smem:$0x3FFC];
	_ =	sdelay $0x3  }
0x94: {  	_ =	strace s2  }
0x95: {  	s2 =	sld [smem:$0x3FFD];
	_ =	sdelay $0x3  }
0x96: {  	_ =	strace s2  }
0x97: {  	_ =	strace $0x8FFFFFFF  }
0x98: {  	s18 =	sld [smem:$0x3FDB];
	_ =	sdelay $0x1  }
0x99: {  	s19 =	simm.s32 $_scs_section_size  }
0x9a: {  	s4 =	simm.s32 $_size__tile_overlayer_lowered;
	s5 =	simm.s32 $_tile_overlayer_lowered  }
0x9b: {  	s22 =	simm.s32 $0x1BFF;
	s21 =	sshll.u32 s5, $0x1;
	s2 =	sadd.s32 s19, s18  }
0x9c: {  	s6 =	simm.s32 $0x0;
	s20 =	sshll.u32 s4, $0x1;
	s4 =	sadd.s32 s21, s2  }
0x9d: {  	[timem:s6], [sflag:s22] =	dma.local [hbm:s4], s20  }
0x9e: {  	_ =	swait.ge [sflag:s22], s20  }
0x9f: {  	s3 =	ssub.s32 $0x0, s20;
	[sflag:s22] =	ssyncset.done $0x0  }
0xa0: {  	[sflag:s22] =	ssyncadd.s32 s3;
	_ =	sdelay $0x1  }
0xa1: {  	s23 =	simm.s32 $0x1B8B  }
0xa2: {  	_ =	swait.ge [sflag:s23], $0x1  }
0xa3: {  	[sflag:s23] =	ssyncset.done $0x0  }
0xa4: {  	s25 =	simm.s32 $0x1B8E;
	s24 =	sld [smem:$0x3FFE];
	[sflag:s23] =	ssyncadd.s32 $0xFFFFFFFF  }
0xa5: {  	s26 =	simm.s32 $execute0_lowered;
	[smem:$0x3FD2] =	sst s25  }
0xa6: {  	s4 =	sshll.u32 s26, $0x1;
	_ =	strace $0x8000004C;
	[dreg:$0x1] =	wrdreg $0xFFFFFFFF  }
0xa7: {  	s28 =	simm.s32 $_size_execute0_lowered;
	s2 =	sadd.s32 s2, s4;
	[dreg:$0x0] =	wrdreg $0x0  }
0xa8: {  	s4 =	sshll.u32 s28, $0x1;
	[dreg:$0x2] =	wrdreg s2  }
0xa9: {  	[dreg:$0x3] =	wrdreg s4  }
0xaa: {  	[dreg:$0x4] =	wrdreg $0xC0  }
0xab: {  	_ =	task [dreg:s6], $0x5FFFF  }
0xac: {  	[dreg:$0x1] =	wrdreg $0xFFFFFFFF  }
0xad: {  	[dreg:$0x0] =	wrdreg $0x60  }
0xae: {  	[dreg:$0x2] =	wrdreg s24  }
0xaf: {  	[dreg:$0x3] =	wrdreg $0x79900  }
0xb0: {  	[dreg:$0x4] =	wrdreg $0x9  }
0xb1: {  	_ =	task.clear_ibuf [dreg:s6], $0x5FFFF;
	_ =	strace $0x9000004C  }
0xb2: {  	s29 =	simm.s32 $0x9;
	_ =	strace $0x8000004E  }
0xb3: {  	_ =	swait.ge [sflag:s29], $0x1  }
0xb4: {  	[sflag:s29] =	ssyncadd.s32 $0xFFFFFFFF  }
0xb5: {  	_ =	strace $0x9000004E  }
0xb6: {  	_ =	sfence  }
0xb7: {  	s30 =	sld [smem:$0x0];
	_ =	sdelay $0x2  }
0xb8: {  	s31 =	sshll.u32 s1, $0xD;
	s1 =	sshrl.u32 s1, $0x2  }
0xb9: {  	s3 =	sand.u32 $0x4000, s31;
	s1 =	sadd.s32 s1, s30  }
0xba: {  	s0 =	sor.u32 s3, s0;
	s1 =	sshll.u32 s1, $0x11  }
0xbb: {  	s0 =	sor.u32 s1, s0  }
0xbc: {  	s0 =	sadd.s32 $0x8F2B, s0  }
0xbd: {  	[sflag:s0] =	ssyncadd.remote.s32 $0x1  }
0xbe: {  	_ =	sfence.sel $0xFFFF  }
0xbf: {  	[dreg:$0x0] =	wrdreg $0xFFFFFFFF;
	(pc) =	sbr.abs _section_cstart, $3  }
0xc0: {  	[dreg:$0x1] =	wrdreg $0xFFFFFFFF  }
0xc1: {  	_ =	task.clear_ibuf [dreg:s6], $0x2FFFF;
	_ =	strace $0x9FFFFFFF  }
0xc2: {  	(tm) =	ssettm $0x7FFFFFFF  }
0xc3: {  	_ =	shalt  }
tec
execute0_lowered:
.L_overlay_start_1:
0x0: {  	(tag) =	ssettag $0x1  }
0x1: {  	s5 =	rddreg [dreg:$0x0]  }
0x2: {  	s2 =	rddreg [dreg:$0x1]  }
0x3: {  	s0 =	rddreg [dreg:$0x2];
	s3 =	simm.s32 $0x0  }
0x4: {  	s4 =	srdreg.scid;
	s1 =	stileid.u32;
	s15 =	simm.s32 $0x2780  }
0x5: {  	s16 =	simm.s32 $0x80;
	s17 =	simm.s32 $0x7610;
	s18 =	simm.s32 $0x2800  }
0x6: {  	s19 =	simm.s32 $0x7690;
	s20 =	simm.s32 $0x1;
	s21 =	simm.s32 $0x2  }
0x7: {  	s22 =	simm.s32 $0x4E80;
	s24 =	simm.s32 $0x0;
	[smem:$0x7FF] =	sst s3  }
0x8: {  	s6 =	sand.u32 $0x1, s4;
	s7 =	smul.u32 $0x280, s1;
	s10 =	sadd.s32 $0x2400, s5  }
0x9: {  	s4 =	sadd.s32 $0x15E00, s5;
	s23 =	sshll.u32 s1, $0x6;
	s9 =	sshll.u32 s6, $0x4  }
0xa: {  	_ =	strace $0x8000004D;
	s8 =	smul.u32 $0x2800, s6;
	s12 =	sor.u32 s1, s9  }
0xb: {  	s6 =	ssub.s32 $0x2, s6;
	s23 =	sor.u32 $0x1C03, s23;
	s9 =	smul.u32 $0x2700, s12  }
0xc: {  	s11 =	sshrl.u32 s6, $0x1;
	s8 =	sadd.s32 s7, s8;
	s13 =	smul.u32 $0x2780, s12  }
0xd: {  	s11 =	ssub.s32 s6, s11;
	p0 =	sgt.u32 s12, $0x3;
	s12 =	simm.s32 $0x7710  }
.Ltmp0:
0xe: {  	s8 =	sshrl.u32 s8, $0x3;
	s11 =	smax.u32 s11, $0x1;
	(pc) =	sbr.rel .LBB2_1-.Ltmp0, $4  }
0xf: {  	s14 =	sadd.s32 s8, s5;
	s29 =	sshrl.u32 s9, $0x3;
	s5 =	sadd.s32 s7, s2  }
0x10: {  	s31 =	sshrl.u32 s13, $0x3;
	s13 =	simm.s32 $0x3;
	s30 =	sadd.s32 s10, s29  }
0x11: {  	s8 =	sadd.s32 s10, s31;
	s10 =	sadd.s32 $0x16400, s14;
	s14 =	simm.s32 $0x4F00  }
0x12: {  	v0 =	vimm.f32 $0.0e+00;
	s6 =	sadd.s32 $0x40, s30;
	s7 =	sadd.s32 $0x9C80, s30;
	s9 =	sadd.s32 $0x9C40, s8  }
.LBB2_7:
0x13: {  	_ =	swait.ge [sflag:s26], $0x80  }
0x14: {  	[sflag:s26] =	ssyncset.done $0x0  }
0x15: {  	[sflag:s26] =	ssyncadd.s32 $0xFFFFFF80  }
0x16: {  	_ =	swait.ge [sflag:s25], $0x80  }
0x17: {  	s24 =	sadd.s32 $0x1, s24;
	[sflag:s25] =	ssyncset.done $0x0  }
0x18: {  	p1 =	sne.s32 s24, s11;
	[sflag:s25] =	ssyncadd.s32 $0xFFFFFF80  }
.Ltmp1:
0x19: {  	s31 =	sshrl.u32 s5, $0x3;
	[bflag:$0x0] =	sbarrier.arrive $0xFFFF;
	(pc) =	sbr.rel @!p1 .LBB2_8-.Ltmp1, $4  }
0x1a: {  	[hbm:s10], [sflag:s23] =	dma.local [spmem:s31], $0x50  }
0x1b: {  	_ =	swait.ge [sflag:s13], $0x50  }
0x1c: {  	[sflag:s13] =	ssyncset.done $0x0  }
0x1d: {  	[sflag:s13] =	ssyncadd.s32 $0xFFFFFFB0  }
.LBB2_1:
0x1e: {  	[tilespmem:$0x7710] =	vst v0  }
0x1f: {  	[tilespmem:$0x7720] =	vst v0  }
0x20: {  	[tilespmem:$0x7730] =	vst v0  }
0x21: {  	[tilespmem:$0x7740] =	vst v0  }
0x22: {  	[tilespmem:$0x7750] =	vst v0  }
0x23: {  	[tilespmem:$0x7760] =	vst v0  }
0x24: {  	[tilespmem:$0x7770] =	vst v0  }
0x25: {  	[tilespmem:$0x7780] =	vst v0  }
0x26: {  	[tilespmem:$0x7790] =	vst v0  }
0x27: {  	[tilespmem:$0x77A0] =	vst v0  }
0x28: {  	[tilespmem:$0x77B0] =	vst v0  }
0x29: {  	[tilespmem:$0x77C0] =	vst v0  }
0x2a: {  	[tilespmem:$0x77D0] =	vst v0  }
0x2b: {  	[tilespmem:$0x77E0] =	vst v0  }
0x2c: {  	[tilespmem:$0x77F0] =	vst v0  }
0x2d: {  	[tilespmem:$0x7800] =	vst v0  }
0x2e: {  	[tilespmem:$0x7810] =	vst v0  }
0x2f: {  	[tilespmem:$0x7820] =	vst v0  }
0x30: {  	[tilespmem:$0x7830] =	vst v0  }
0x31: {  	[tilespmem:$0x7840] =	vst v0  }
0x32: {  	[tilespmem:$0x7850] =	vst v0  }
0x33: {  	[tilespmem:$0x7860] =	vst v0  }
0x34: {  	[tilespmem:$0x7870] =	vst v0  }
0x35: {  	[tilespmem:$0x7880] =	vst v0  }
0x36: {  	[tilespmem:$0x7890] =	vst v0  }
0x37: {  	[tilespmem:$0x78A0] =	vst v0  }
0x38: {  	[tilespmem:$0x78B0] =	vst v0  }
0x39: {  	[tilespmem:$0x78C0] =	vst v0  }
0x3a: {  	[tilespmem:$0x78D0] =	vst v0  }
0x3b: {  	[tilespmem:$0x78E0] =	vst v0  }
0x3c: {  	[tilespmem:$0x78F0] =	vst v0  }
0x3d: {  	[tilespmem:$0x7900] =	vst v0  }
0x3e: {  	[tilespmem:$0x7910] =	vst v0  }
0x3f: {  	[tilespmem:$0x7920] =	vst v0  }
0x40: {  	[tilespmem:$0x7930] =	vst v0  }
0x41: {  	[tilespmem:$0x7940] =	vst v0  }
0x42: {  	[tilespmem:$0x7950] =	vst v0  }
0x43: {  	[tilespmem:$0x7960] =	vst v0  }
0x44: {  	[tilespmem:$0x7970] =	vst v0  }
0x45: {  	[tilespmem:$0x7980] =	vst v0  }
0x46: {  	[spmem:s5] =	stream.linear.scatter [tilespmem:s12], [sflag:$0x3], $0x280, $0x38;
	[tilespmem:$0x7C10] =	vst v63  }
0x47: {  	_ =	swait.ge [sflag:s13], $0x280  }
0x48: {  	[sflag:s13] =	ssyncset.done $0x0  }
0x49: {  	[sflag:s13] =	ssyncadd.s32 $0xFFFFFD80  }
.Ltmp2:
0x4a: {  	[bflag:$0x0] =	sbarrier.arrive $0xFFFF;
	(pc) =	sbr.rel @p0 .LBB2_5-.Ltmp2, $4  }
0x4b: {  	[tilespmem:s14], [sflag:$0x3] =	stream.linear.gather [hbm4b:s4+s3], $0x2710, $0x38;
	[tilespmem:$0x7C10] =	vst v63  }
0x4c: {  	_ =	swait.ge [sflag:s13], $0x2710  }
0x4d: {  	[sflag:s13] =	ssyncset.done $0x0  }
0x4e: {  	[sflag:s13] =	ssyncadd.s32 $0xFFFFD8F0  }
0x4f: {  	[tilespmem:s3], [sflag:$0x3] =	stream.linear.gather [hbm4b:s8+s3], $0x2780, $0x38;
	[tilespmem:$0x7C10] =	vst v63  }
0x50: {  	_ =	swait.ge [sflag:s13], $0x2780  }
0x51: {  	[sflag:s13] =	ssyncset.done $0x0  }
0x52: {  	[sflag:s13] =	ssyncadd.s32 $0xFFFFD880  }
0x53: {  	[tilespmem:s15], [sflag:$0x3] =	stream.linear.gather [hbm4b:s9+s3], $0x2780, $0x38;
	[tilespmem:$0x7C10] =	vst v63  }
0x54: {  	_ =	swait.ge [sflag:s13], $0x2780  }
0x55: {  	[sflag:s13] =	ssyncset.done $0x0  }
0x56: {  	[sflag:s13] =	ssyncadd.s32 $0xFFFFD880  }
0x57: {  	v1 =	vld [tilespmem:$0x0];
	_ =	sdelay $0x5  }
0x58: {  	v2 =	vld [tilespmem:$0x10];
	_ =	sdelay $0x1  }
0x59: {  	v1 =	vld.idx.msk [tilespmem:v1+s14+$0x0], $0xffff;
	_ =	sdelay $0x3  }
0x5a: {  	v3 =	vld [tilespmem:$0x20]  }
0x5b: {  	[tilespmem:$0x7610] =	vst v1  }
0x5c: {  	v1 =	vld.idx.msk [tilespmem:v2+s14+$0x0], $0xffff;
	_ =	sdelay $0x3  }
0x5d: {  	v2 =	vld [tilespmem:$0x30]  }
0x5e: {  	[tilespmem:$0x7620] =	vst v1  }
0x5f: {  	v1 =	vld.idx.msk [tilespmem:v3+s14+$0x0], $0xffff;
	_ =	sdelay $0x3  }
0x60: {  	v3 =	vld [tilespmem:$0x40]  }
0x61: {  	[tilespmem:$0x7630] =	vst v1  }
0x62: {  	v1 =	vld.idx.msk [tilespmem:v2+s14+$0x0], $0xffff;
	_ =	sdelay $0x3  }
0x63: {  	v2 =	vld [tilespmem:$0x50]  }
0x64: {  	[tilespmem:$0x7640] =	vst v1  }
0x65: {  	v1 =	vld.idx.msk [tilespmem:v3+s14+$0x0], $0xffff;
	_ =	sdelay $0x3  }
0x66: {  	v3 =	vld [tilespmem:$0x60]  }
0x67: {  	[tilespmem:$0x7650] =	vst v1  }
0x68: {  	v1 =	vld.idx.msk [tilespmem:v2+s14+$0x0], $0xffff;
	_ =	sdelay $0x3  }
0x69: {  	v2 =	vld [tilespmem:$0x70]  }
0x6a: {  	[tilespmem:$0x7660] =	vst v1  }
0x6b: {  	v1 =	vld.idx.msk [tilespmem:v3+s14+$0x0], $0xffff;
	_ =	sdelay $0x4  }
0x6c: {  	[tilespmem:$0x7670] =	vst v1  }
0x6d: {  	v1 =	vld.idx.msk [tilespmem:v2+s14+$0x0], $0xffff;
	_ =	sdelay $0x4  }
0x6e: {  	[tilespmem:$0x7680] =	vst v1  }
0x6f: {  	[spmem:s2] =	stream.indirect.scatter.add.f32 [tilespmem:s17], [sflag:$0x1], $0x1, s15, s16, $0xb8;
	[tilespmem:$0x7C10] =	vst v63  }
0x70: {  	v1 =	vld [tilespmem:$0x80];
	_ =	sdelay $0x5  }
0x71: {  	v2 =	vld [tilespmem:$0x90];
	_ =	sdelay $0x1  }
0x72: {  	v1 =	vld.idx.msk [tilespmem:v1+s14+$0x0], $0xffff;
	_ =	sdelay $0x3  }
0x73: {  	v3 =	vld [tilespmem:$0xA0]  }
0x74: {  	[tilespmem:$0x7690] =	vst v1  }
0x75: {  	v1 =	vld.idx.msk [tilespmem:v2+s14+$0x0], $0xffff;
	_ =	sdelay $0x3  }
0x76: {  	v2 =	vld [tilespmem:$0xB0]  }
0x77: {  	[tilespmem:$0x76A0] =	vst v1  }
0x78: {  	v1 =	vld.idx.msk [tilespmem:v3+s14+$0x0], $0xffff;
	_ =	sdelay $0x3  }
0x79: {  	v3 =	vld [tilespmem:$0xC0]  }
0x7a: {  	[tilespmem:$0x76B0] =	vst v1  }
0x7b: {  	v1 =	vld.idx.msk [tilespmem:v2+s14+$0x0], $0xffff;
	_ =	sdelay $0x3  }
0x7c: {  	v2 =	vld [tilespmem:$0xD0]  }
0x7d: {  	[tilespmem:$0x76C0] =	vst v1  }
0x7e: {  	v1 =	vld.idx.msk [tilespmem:v3+s14+$0x0], $0xffff;
	_ =	sdelay $0x3  }
0x7f: {  	v3 =	vld [tilespmem:$0xE0]  }
0x80: {  	[tilespmem:$0x76D0] =	vst v1  }
0x81: {  	v1 =	vld.idx.msk [tilespmem:v2+s14+$0x0], $0xffff;
	_ =	sdelay $0x3  }
0x82: {  	v2 =	vld [tilespmem:$0xF0]  }
0x83: {  	[tilespmem:$0x76E0] =	vst v1  }
0x84: {  	v1 =	vld.idx.msk [tilespmem:v3+s14+$0x0], $0xffff;
	_ =	sdelay $0x4  }
0x85: {  	[tilespmem:$0x76F0] =	vst v1  }
0x86: {  	v1 =	vld.idx.msk [tilespmem:v2+s14+$0x0], $0xffff;
	_ =	sdelay $0x4  }
0x87: {  	s25 =	simm.s32 $0x7C0;
	[tilespmem:$0x7700] =	vst v1  }
0x88: {  	[spmem:s2] =	stream.indirect.scatter.add.f32 [tilespmem:s19], [sflag:$0x2], $0x1, s18, s16, $0xb8;
	[tilespmem:$0x7C10] =	vst v63  }
.LBB2_3:
0x89: {  	_ =	swait.ge [sflag:s20], $0x80  }
0x8a: {  	[sflag:s20] =	ssyncset.done $0x0  }
0x8b: {  	s26 =	sshra.s32 s25, $0x2;
	[sflag:s20] =	ssyncadd.s32 $0xFFFFFF80  }
0x8c: {  	v1 =	vld [tilespmem:s26+$0xFFFFFF10];
	_ =	sdelay $0x7  }
0x8d: {  	v1 =	vld.idx.msk [tilespmem:v1+s14+$0x0], $0xffff;
	_ =	sdelay $0x4  }
0x8e: {  	[tilespmem:$0x7610] =	vst v1  }
0x8f: {  	v1 =	vld [tilespmem:s26+$0xFFFFFF20];
	_ =	sdelay $0x7  }
0x90: {  	v1 =	vld.idx.msk [tilespmem:v1+s14+$0x0], $0xffff;
	_ =	sdelay $0x4  }
0x91: {  	[tilespmem:$0x7620] =	vst v1  }
0x92: {  	v1 =	vld [tilespmem:s26+$0xFFFFFF30];
	_ =	sdelay $0x7  }
0x93: {  	v1 =	vld.idx.msk [tilespmem:v1+s14+$0x0], $0xffff;
	_ =	sdelay $0x4  }
0x94: {  	[tilespmem:$0x7630] =	vst v1  }
0x95: {  	v1 =	vld [tilespmem:s26+$0xFFFFFF40];
	_ =	sdelay $0x7  }
0x96: {  	v1 =	vld.idx.msk [tilespmem:v1+s14+$0x0], $0xffff;
	_ =	sdelay $0x4  }
0x97: {  	[tilespmem:$0x7640] =	vst v1  }
0x98: {  	v1 =	vld [tilespmem:s26+$0xFFFFFF50];
	_ =	sdelay $0x7  }
0x99: {  	v1 =	vld.idx.msk [tilespmem:v1+s14+$0x0], $0xffff;
	_ =	sdelay $0x4  }
0x9a: {  	[tilespmem:$0x7650] =	vst v1  }
0x9b: {  	v1 =	vld [tilespmem:s26+$0xFFFFFF60];
	_ =	sdelay $0x7  }
0x9c: {  	v1 =	vld.idx.msk [tilespmem:v1+s14+$0x0], $0xffff;
	_ =	sdelay $0x4  }
0x9d: {  	[tilespmem:$0x7660] =	vst v1  }
0x9e: {  	v1 =	vld [tilespmem:s26+$0xFFFFFF70];
	_ =	sdelay $0x7  }
0x9f: {  	v1 =	vld.idx.msk [tilespmem:v1+s14+$0x0], $0xffff;
	_ =	sdelay $0x4  }
0xa0: {  	[tilespmem:$0x7670] =	vst v1  }
0xa1: {  	v1 =	vld [tilespmem:s26+$0xFFFFFF80];
	_ =	sdelay $0x7  }
0xa2: {  	v1 =	vld.idx.msk [tilespmem:v1+s14+$0x0], $0xffff;
	_ =	sdelay $0x4  }
0xa3: {  	s28 =	sadd.s32 $0x2690, s26;
	[tilespmem:$0x7680] =	vst v1  }
0xa4: {  	[spmem:s2] =	stream.indirect.scatter.add.f32 [tilespmem:s17], [sflag:$0x1], $0x1, s28, s16, $0xb8;
	[tilespmem:$0x7C10] =	vst v63  }
0xa5: {  	_ =	swait.ge [sflag:s21], $0x80  }
0xa6: {  	[sflag:s21] =	ssyncset.done $0x0  }
0xa7: {  	[sflag:s21] =	ssyncadd.s32 $0xFFFFFF80  }
0xa8: {  	v1 =	vld [tilespmem:s26+$0xFFFFFF90];
	_ =	sdelay $0x7  }
0xa9: {  	v1 =	vld.idx.msk [tilespmem:v1+s14+$0x0], $0xffff;
	_ =	sdelay $0x4  }
0xaa: {  	[tilespmem:$0x7690] =	vst v1  }
0xab: {  	v1 =	vld [tilespmem:s26+$0xFFFFFFA0];
	_ =	sdelay $0x7  }
0xac: {  	v1 =	vld.idx.msk [tilespmem:v1+s14+$0x0], $0xffff;
	_ =	sdelay $0x4  }
0xad: {  	[tilespmem:$0x76A0] =	vst v1  }
0xae: {  	v1 =	vld [tilespmem:s26+$0xFFFFFFB0];
	_ =	sdelay $0x7  }
0xaf: {  	v1 =	vld.idx.msk [tilespmem:v1+s14+$0x0], $0xffff;
	_ =	sdelay $0x4  }
0xb0: {  	[tilespmem:$0x76B0] =	vst v1  }
0xb1: {  	v1 =	vld [tilespmem:s26+$0xFFFFFFC0];
	_ =	sdelay $0x7  }
0xb2: {  	v1 =	vld.idx.msk [tilespmem:v1+s14+$0x0], $0xffff;
	_ =	sdelay $0x4  }
0xb3: {  	[tilespmem:$0x76C0] =	vst v1  }
0xb4: {  	v1 =	vld [tilespmem:s26+$0xFFFFFFD0];
	_ =	sdelay $0x7  }
0xb5: {  	v1 =	vld.idx.msk [tilespmem:v1+s14+$0x0], $0xffff;
	_ =	sdelay $0x4  }
0xb6: {  	[tilespmem:$0x76D0] =	vst v1  }
0xb7: {  	v1 =	vld [tilespmem:s26+$0xFFFFFFE0];
	_ =	sdelay $0x7  }
0xb8: {  	v1 =	vld.idx.msk [tilespmem:v1+s14+$0x0], $0xffff;
	_ =	sdelay $0x4  }
0xb9: {  	[tilespmem:$0x76E0] =	vst v1  }
0xba: {  	v1 =	vld [tilespmem:s26+$0xFFFFFFF0];
	_ =	sdelay $0x7  }
0xbb: {  	v1 =	vld.idx.msk [tilespmem:v1+s14+$0x0], $0xffff;
	_ =	sdelay $0x4  }
0xbc: {  	[tilespmem:$0x76F0] =	vst v1  }
0xbd: {  	v1 =	vld [tilespmem:s26+$0x0];
	_ =	sdelay $0x7  }
0xbe: {  	v1 =	vld.idx.msk [tilespmem:v1+s14+$0x0], $0xffff  }
0xbf: {  	p1 =	sne.s32 s25, $0x9BC0  }
.Ltmp3:
0xc0: {  	_ = 	snop;
	(pc) =	sbr.rel @p1 .LBB2_3-.Ltmp3, $3  }
0xc1: {  	_ =	sdelay $0x1  }
0xc2: {  	s25 =	sadd.s32 $0x400, s25;
	s26 =	sadd.s32 $0x2710, s26;
	[tilespmem:$0x7700] =	vst v1  }
0xc3: {  	[spmem:s2] =	stream.indirect.scatter.add.f32 [tilespmem:s19], [sflag:$0x2], $0x1, s26, s16, $0xb8;
	[tilespmem:$0x7C10] =	vst v63  }
0xc4: {  	s25 =	simm.s32 $0x1  }
0xc5: {  	_ =	swait.ge [sflag:s25], $0x80  }
0xc6: {  	[sflag:s25] =	ssyncset.done $0x0  }
0xc7: {  	[sflag:s25] =	ssyncadd.s32 $0xFFFFFF80  }
0xc8: {  	v1 =	vld [tilespmem:$0x2700];
	_ =	sdelay $0x5  }
0xc9: {  	v2 =	vld [tilespmem:$0x2710];
	_ =	sdelay $0x1  }
0xca: {  	v1 =	vld.idx.msk [tilespmem:v1+s14+$0x0], $0xffff;
	_ =	sdelay $0x3  }
0xcb: {  	v3 =	vld [tilespmem:$0x2720]  }
0xcc: {  	[tilespmem:$0x7610] =	vst v1  }
0xcd: {  	v1 =	vld.idx.msk [tilespmem:v2+s14+$0x0], $0xffff;
	_ =	sdelay $0x3  }
0xce: {  	v2 =	vld [tilespmem:$0x2730]  }
0xcf: {  	[tilespmem:$0x7620] =	vst v1  }
0xd0: {  	v1 =	vld.idx.msk [tilespmem:v3+s14+$0x0], $0xffff;
	_ =	sdelay $0x3  }
0xd1: {  	v3 =	vld [tilespmem:$0x2740]  }
0xd2: {  	[tilespmem:$0x7630] =	vst v1  }
0xd3: {  	v1 =	vld.idx.msk [tilespmem:v2+s14+$0x0], $0xffff;
	_ =	sdelay $0x3  }
0xd4: {  	v2 =	vld [tilespmem:$0x2750]  }
0xd5: {  	[tilespmem:$0x7640] =	vst v1  }
0xd6: {  	v1 =	vld.idx.msk [tilespmem:v3+s14+$0x0], $0xffff;
	_ =	sdelay $0x3  }
0xd7: {  	v3 =	vld [tilespmem:$0x2760]  }
0xd8: {  	[tilespmem:$0x7650] =	vst v1  }
0xd9: {  	v1 =	vld.idx.msk [tilespmem:v2+s14+$0x0], $0xffff;
	_ =	sdelay $0x3  }
0xda: {  	v2 =	vld [tilespmem:$0x2770]  }
0xdb: {  	[tilespmem:$0x7660] =	vst v1  }
0xdc: {  	v1 =	vld.idx.msk [tilespmem:v3+s14+$0x0], $0xffff;
	_ =	sdelay $0x4  }
0xdd: {  	[tilespmem:$0x7670] =	vst v1  }
0xde: {  	v1 =	vld.idx.msk [tilespmem:v2+s14+$0x0], $0xffff;
	_ =	sdelay $0x1  }
.Ltmp4:
0xdf: {  	_ = 	snop;
	(pc) =	sbr.rel .LBB2_7-.Ltmp4, $3  }
0xe0: {  	_ =	sdelay $0x1  }
0xe1: {  	s26 =	simm.s32 $0x2;
	[tilespmem:$0x7680] =	vst v1  }
0xe2: {  	[spmem:s2] =	stream.indirect.scatter.add.f32 [tilespmem:s17], [sflag:$0x1], $0x1, s22, s16, $0xb8;
	[tilespmem:$0x7C10] =	vst v63  }
.LBB2_5:
0xe3: {  	[tilespmem:s3], [sflag:$0x3] =	stream.linear.gather [hbm4b:s6+s3], $0x2700, $0x38;
	[tilespmem:$0x7C10] =	vst v63  }
0xe4: {  	_ =	swait.ge [sflag:s13], $0x2700  }
0xe5: {  	[sflag:s13] =	ssyncset.done $0x0  }
0xe6: {  	[sflag:s13] =	ssyncadd.s32 $0xFFFFD900  }
0xe7: {  	[tilespmem:s15], [sflag:$0x3] =	stream.linear.gather [hbm4b:s7+s3], $0x2700, $0x38;
	[tilespmem:$0x7C10] =	vst v63  }
0xe8: {  	_ =	swait.ge [sflag:s13], $0x2700  }
0xe9: {  	[sflag:s13] =	ssyncset.done $0x0  }
0xea: {  	[sflag:s13] =	ssyncadd.s32 $0xFFFFD900  }
0xeb: {  	v1 =	vld [tilespmem:$0x0];
	_ =	sdelay $0x5  }
0xec: {  	v2 =	vld [tilespmem:$0x10];
	_ =	sdelay $0x1  }
0xed: {  	v1 =	vld.idx.msk [tilespmem:v1+s14+$0x0], $0xffff;
	_ =	sdelay $0x3  }
0xee: {  	v3 =	vld [tilespmem:$0x20]  }
0xef: {  	[tilespmem:$0x7610] =	vst v1  }
0xf0: {  	v1 =	vld.idx.msk [tilespmem:v2+s14+$0x0], $0xffff;
	_ =	sdelay $0x3  }
0xf1: {  	v2 =	vld [tilespmem:$0x30]  }
0xf2: {  	[tilespmem:$0x7620] =	vst v1  }
0xf3: {  	v1 =	vld.idx.msk [tilespmem:v3+s14+$0x0], $0xffff;
	_ =	sdelay $0x3  }
0xf4: {  	v3 =	vld [tilespmem:$0x40]  }
0xf5: {  	[tilespmem:$0x7630] =	vst v1  }
0xf6: {  	v1 =	vld.idx.msk [tilespmem:v2+s14+$0x0], $0xffff;
	_ =	sdelay $0x3  }
0xf7: {  	v2 =	vld [tilespmem:$0x50]  }
0xf8: {  	[tilespmem:$0x7640] =	vst v1  }
0xf9: {  	v1 =	vld.idx.msk [tilespmem:v3+s14+$0x0], $0xffff;
	_ =	sdelay $0x3  }
0xfa: {  	v3 =	vld [tilespmem:$0x60]  }
0xfb: {  	[tilespmem:$0x7650] =	vst v1  }
0xfc: {  	v1 =	vld.idx.msk [tilespmem:v2+s14+$0x0], $0xffff;
	_ =	sdelay $0x3  }
0xfd: {  	v2 =	vld [tilespmem:$0x70]  }
0xfe: {  	[tilespmem:$0x7660] =	vst v1  }
0xff: {  	v1 =	vld.idx.msk [tilespmem:v3+s14+$0x0], $0xffff;
	_ =	sdelay $0x4  }
0x100: {  	[tilespmem:$0x7670] =	vst v1  }
0x101: {  	v1 =	vld.idx.msk [tilespmem:v2+s14+$0x0], $0xffff;
	_ =	sdelay $0x4  }
0x102: {  	[tilespmem:$0x7680] =	vst v1  }
0x103: {  	[spmem:s2] =	stream.indirect.scatter.add.f32 [tilespmem:s17], [sflag:$0x1], $0x1, s15, s16, $0xb8;
	[tilespmem:$0x7C10] =	vst v63  }
0x104: {  	v1 =	vld [tilespmem:$0x80];
	_ =	sdelay $0x5  }
0x105: {  	v2 =	vld [tilespmem:$0x90];
	_ =	sdelay $0x1  }
0x106: {  	v1 =	vld.idx.msk [tilespmem:v1+s14+$0x0], $0xffff;
	_ =	sdelay $0x3  }
0x107: {  	v3 =	vld [tilespmem:$0xA0]  }
0x108: {  	[tilespmem:$0x7690] =	vst v1  }
0x109: {  	v1 =	vld.idx.msk [tilespmem:v2+s14+$0x0], $0xffff;
	_ =	sdelay $0x3  }
0x10a: {  	v2 =	vld [tilespmem:$0xB0]  }
0x10b: {  	[tilespmem:$0x76A0] =	vst v1  }
0x10c: {  	v1 =	vld.idx.msk [tilespmem:v3+s14+$0x0], $0xffff;
	_ =	sdelay $0x3  }
0x10d: {  	v3 =	vld [tilespmem:$0xC0]  }
0x10e: {  	[tilespmem:$0x76B0] =	vst v1  }
0x10f: {  	v1 =	vld.idx.msk [tilespmem:v2+s14+$0x0], $0xffff;
	_ =	sdelay $0x3  }
0x110: {  	v2 =	vld [tilespmem:$0xD0]  }
0x111: {  	[tilespmem:$0x76C0] =	vst v1  }
0x112: {  	v1 =	vld.idx.msk [tilespmem:v3+s14+$0x0], $0xffff;
	_ =	sdelay $0x3  }
0x113: {  	v3 =	vld [tilespmem:$0xE0]  }
0x114: {  	[tilespmem:$0x76D0] =	vst v1  }
0x115: {  	v1 =	vld.idx.msk [tilespmem:v2+s14+$0x0], $0xffff;
	_ =	sdelay $0x3  }
0x116: {  	v2 =	vld [tilespmem:$0xF0]  }
0x117: {  	[tilespmem:$0x76E0] =	vst v1  }
0x118: {  	v1 =	vld.idx.msk [tilespmem:v3+s14+$0x0], $0xffff;
	_ =	sdelay $0x4  }
0x119: {  	[tilespmem:$0x76F0] =	vst v1  }
0x11a: {  	v1 =	vld.idx.msk [tilespmem:v2+s14+$0x0], $0xffff;
	_ =	sdelay $0x4  }
0x11b: {  	s28 =	simm.s32 $0x7C0;
	[tilespmem:$0x7700] =	vst v1  }
0x11c: {  	[spmem:s2] =	stream.indirect.scatter.add.f32 [tilespmem:s19], [sflag:$0x2], $0x1, s18, s16, $0xb8;
	[tilespmem:$0x7C10] =	vst v63  }
.LBB2_6:
0x11d: {  	s26 =	simm.s32 $0x1  }
0x11e: {  	_ =	swait.ge [sflag:s26], $0x80  }
0x11f: {  	[sflag:s26] =	ssyncset.done $0x0  }
0x120: {  	s29 =	sshra.s32 s28, $0x2;
	[sflag:s26] =	ssyncadd.s32 $0xFFFFFF80  }
0x121: {  	v1 =	vld [tilespmem:s29+$0xFFFFFF10];
	_ =	sdelay $0x7  }
0x122: {  	v1 =	vld.idx.msk [tilespmem:v1+s14+$0x0], $0xffff;
	_ =	sdelay $0x4  }
0x123: {  	[tilespmem:$0x7610] =	vst v1  }
0x124: {  	v1 =	vld [tilespmem:s29+$0xFFFFFF20];
	_ =	sdelay $0x7  }
0x125: {  	v1 =	vld.idx.msk [tilespmem:v1+s14+$0x0], $0xffff;
	_ =	sdelay $0x4  }
0x126: {  	[tilespmem:$0x7620] =	vst v1  }
0x127: {  	v1 =	vld [tilespmem:s29+$0xFFFFFF30];
	_ =	sdelay $0x7  }
0x128: {  	v1 =	vld.idx.msk [tilespmem:v1+s14+$0x0], $0xffff;
	_ =	sdelay $0x4  }
0x129: {  	[tilespmem:$0x7630] =	vst v1  }
0x12a: {  	v1 =	vld [tilespmem:s29+$0xFFFFFF40];
	_ =	sdelay $0x7  }
0x12b: {  	v1 =	vld.idx.msk [tilespmem:v1+s14+$0x0], $0xffff;
	_ =	sdelay $0x4  }
0x12c: {  	[tilespmem:$0x7640] =	vst v1  }
0x12d: {  	v1 =	vld [tilespmem:s29+$0xFFFFFF50];
	_ =	sdelay $0x7  }
0x12e: {  	v1 =	vld.idx.msk [tilespmem:v1+s14+$0x0], $0xffff;
	_ =	sdelay $0x4  }
0x12f: {  	[tilespmem:$0x7650] =	vst v1  }
0x130: {  	v1 =	vld [tilespmem:s29+$0xFFFFFF60];
	_ =	sdelay $0x7  }
0x131: {  	v1 =	vld.idx.msk [tilespmem:v1+s14+$0x0], $0xffff;
	_ =	sdelay $0x4  }
0x132: {  	[tilespmem:$0x7660] =	vst v1  }
0x133: {  	v1 =	vld [tilespmem:s29+$0xFFFFFF70];
	_ =	sdelay $0x7  }
0x134: {  	v1 =	vld.idx.msk [tilespmem:v1+s14+$0x0], $0xffff;
	_ =	sdelay $0x4  }
0x135: {  	[tilespmem:$0x7670] =	vst v1  }
0x136: {  	v1 =	vld [tilespmem:s29+$0xFFFFFF80];
	_ =	sdelay $0x7  }
0x137: {  	v1 =	vld.idx.msk [tilespmem:v1+s14+$0x0], $0xffff;
	_ =	sdelay $0x4  }
0x138: {  	s25 =	sadd.s32 $0x2690, s29;
	[tilespmem:$0x7680] =	vst v1  }
0x139: {  	[spmem:s2] =	stream.indirect.scatter.add.f32 [tilespmem:s17], [sflag:$0x1], $0x1, s25, s16, $0xb8;
	[tilespmem:$0x7C10] =	vst v63  }
0x13a: {  	s25 =	simm.s32 $0x2  }
0x13b: {  	_ =	swait.ge [sflag:s25], $0x80  }
0x13c: {  	[sflag:s25] =	ssyncset.done $0x0  }
0x13d: {  	[sflag:s25] =	ssyncadd.s32 $0xFFFFFF80  }
0x13e: {  	v1 =	vld [tilespmem:s29+$0xFFFFFF90];
	_ =	sdelay $0x7  }
0x13f: {  	v1 =	vld.idx.msk [tilespmem:v1+s14+$0x0], $0xffff;
	_ =	sdelay $0x4  }
0x140: {  	[tilespmem:$0x7690] =	vst v1  }
0x141: {  	v1 =	vld [tilespmem:s29+$0xFFFFFFA0];
	_ =	sdelay $0x7  }
0x142: {  	v1 =	vld.idx.msk [tilespmem:v1+s14+$0x0], $0xffff;
	_ =	sdelay $0x4  }
0x143: {  	[tilespmem:$0x76A0] =	vst v1  }
0x144: {  	v1 =	vld [tilespmem:s29+$0xFFFFFFB0];
	_ =	sdelay $0x7  }
0x145: {  	v1 =	vld.idx.msk [tilespmem:v1+s14+$0x0], $0xffff;
	_ =	sdelay $0x4  }
0x146: {  	[tilespmem:$0x76B0] =	vst v1  }
0x147: {  	v1 =	vld [tilespmem:s29+$0xFFFFFFC0];
	_ =	sdelay $0x7  }
0x148: {  	v1 =	vld.idx.msk [tilespmem:v1+s14+$0x0], $0xffff;
	_ =	sdelay $0x4  }
0x149: {  	[tilespmem:$0x76C0] =	vst v1  }
0x14a: {  	v1 =	vld [tilespmem:s29+$0xFFFFFFD0];
	_ =	sdelay $0x7  }
0x14b: {  	v1 =	vld.idx.msk [tilespmem:v1+s14+$0x0], $0xffff;
	_ =	sdelay $0x4  }
0x14c: {  	[tilespmem:$0x76D0] =	vst v1  }
0x14d: {  	v1 =	vld [tilespmem:s29+$0xFFFFFFE0];
	_ =	sdelay $0x7  }
0x14e: {  	v1 =	vld.idx.msk [tilespmem:v1+s14+$0x0], $0xffff;
	_ =	sdelay $0x4  }
0x14f: {  	[tilespmem:$0x76E0] =	vst v1  }
0x150: {  	v1 =	vld [tilespmem:s29+$0xFFFFFFF0];
	_ =	sdelay $0x7  }
0x151: {  	v1 =	vld.idx.msk [tilespmem:v1+s14+$0x0], $0xffff;
	_ =	sdelay $0x4  }
0x152: {  	[tilespmem:$0x76F0] =	vst v1  }
0x153: {  	v1 =	vld [tilespmem:s29+$0x0];
	_ =	sdelay $0x7  }
0x154: {  	v1 =	vld.idx.msk [tilespmem:v1+s14+$0x0], $0xffff  }
0x155: {  	p1 =	sne.s32 s28, $0x9BC0  }
.Ltmp5:
0x156: {  	_ = 	snop;
	(pc) =	sbr.rel @p1 .LBB2_6-.Ltmp5, $3  }
0x157: {  	_ =	sdelay $0x1  }
0x158: {  	s28 =	sadd.s32 $0x400, s28;
	s29 =	sadd.s32 $0x2710, s29;
	[tilespmem:$0x7700] =	vst v1  }
0x159: {  	[spmem:s2] =	stream.indirect.scatter.add.f32 [tilespmem:s19], [sflag:$0x2], $0x1, s29, s16, $0xb8;
	[tilespmem:$0x7C10] =	vst v63  }
.Ltmp6:
0x15a: {  	_ = 	snop;
	(pc) =	sbr.rel .LBB2_7-.Ltmp6, $1  }
0x15b: {  	_ =	sdelay $0x3  }
.LBB2_8:
0x15c: {  	_ =	sfence.sel $0x180000  }
0x15d: {  	[bflag:$0x0] =	sbarrier.arrive $0xFFFF  }
0x15e: {  	p0 =	sne.s32 s1, $0x0;
	_ =	strace $0x9000004D  }
0x15f: {  	s0 =	sadd.s32 @!p0 $0x100000, s0;
	[bflag:$0x2] =	sbarrier.arrive $0xFFFF  }
0x160: {  	[sflag:s0] =	ssyncadd.tile.s32 @!p0 $0x1;
	_ =	shalt  }
.Lfunc_end2:
_tile_overlayer_lowered:
.L_overlay_start_2:
0x161: {  	(tag) =	ssettag $0x2  }
0x162: {  	s0 =	rddreg [dreg:$0x0];
	s2 =	stileid.u32  }
0x163: {  	s1 =	rddreg [dreg:$0x1];
	p0 =	sne.s32 s2, $0x0  }
0x164: {  	s3 =	rddreg [dreg:$0x2];
	[bflag:$0x3] =	sbarrier.arrive $0xFFFF;
	s2 =	simm.s32 @!p0 $0x1C03  }
0x165: {  	[timem:s3], [sflag:s2] =	dma.local @!p0 [hbm:s0], s1  }
0x166: {  	s0 =	simm.s32 @!p0 $0x3  }
0x167: {  	_ =	swait.ge @!p0 [sflag:s0], s1  }
0x168: {  	s1 =	ssub.s32 @!p0 $0x0, s1;
	[sflag:s0] =	ssyncset.done @!p0 $0x0  }
0x169: {  	[sflag:s0] =	ssyncadd.s32 @!p0 s1  }
0x16a: {  	[bflag:$0x3] =	sbarrier.arrive $0xFFFF  }
0x16b: {  	_ =	shalt  }

// kernel: kernel.8.cloned.1.call-start
scs
__scs_entry_jumppad:
0x0: {  	(pc) =	sbr.rel $0x88, $3  }
0x1: {  	(tag) =	ssettag $0x0;
	lr =	simm.s32 $0x1  }
0x2: {  	[smem:$0x3F9B] =	sst lr;
	_ =	strace $0xD0000000  }
0x3: {  	_ = 	snop  }
0x4: {  	_ = 	snop  }
0x5: {  	_ = 	snop  }
0x6: {  	_ = 	snop  }
0x7: {  	_ = 	snop  }
__scs_overlays_trampoline_lowered:
0x8: {  	[smem:$0x3FAA] =	sst s0  }
0x9: {  	[smem:$0x3FAB] =	sst s1  }
0xa: {  	[smem:$0x3FAC] =	sst s2  }
0xb: {  	[smem:$0x3FAD] =	sst s3  }
0xc: {  	[smem:$0x3FAE] =	sst s4  }
0xd: {  	[smem:$0x3FAF] =	sst s5  }
0xe: {  	[smem:$0x3FB0] =	sst s6  }
0xf: {  	[smem:$0x3FB1] =	sst s7  }
0x10: {  	[smem:$0x3FB2] =	sst s8  }
0x11: {  	[smem:$0x3FB3] =	sst s9;
	s0 =	simm.s32 @!p0 $0x0  }
0x12: {  	s1 =	sld [smem:$0x3F99];
	s0 =	simm.s32 @p0 $0x1  }
0x13: {  	[smem:$0x3FB4] =	sst s0;
	s0 =	simm.s32 @!p1 $0x0  }
0x14: {  	s2 =	sld [smem:$0x3F98];
	s0 =	simm.s32 @p1 $0x1  }
0x15: {  	[smem:$0x3FB5] =	sst s0;
	s0 =	simm.s32 @!p2 $0x0  }
0x16: {  	s3 =	sld [smem:$0x3FDB];
	s0 =	simm.s32 @p2 $0x1  }
0x17: {  	s4 =	simm.s32 $0x1BF5;
	[smem:$0x3FB7] =	sst s0  }
0x18: {  	s0 =	sld [smem:$0x3F9A];
	_ =	swait.ge [sflag:s4], $0x0  }
0x19: {  	s7 =	sld [smem:$0x3F9B]  }
0x1a: {  	s8 =	sadd.s32 $0xFFFFE003, lr  }
0x1b: {  	s9 =	sadd.s32 $0xFFFFFEF7, lr;
	s5 =	simm.s32 $0xFFFFFFFF;
	p2 =	slt.u32 s8, $0xFFFFF086  }
0x1c: {  	p1 =	slt.u32 s9, $0xF7A;
	s5 =	simm.s32 @!p2 $0x0  }
0x1d: {  	s5 =	simm.s32 @p1 $0x1;
	p0 =	seq.s32 s7, s2  }
0x1e: {  	s7 =	smul.u32 @!p0 $0xF7A, s2;
	p2 =	seq.s32 @!p0 s5, $0x0  }
0x1f: {  	s9 =	smul.u32 $0xF7A, s1;
	s8 =	simm.s32 @!p0 $0x1BF5;
	p2 =	por !p2, p0  }
0x20: {  	[sflag:s8] =	ssyncset.s32 @!p0 $0xFFFFF086;
	s6 =	sadd.s32 @!p0 s3, s7;
	s7 =	simm.s32 @!p0 $0x108  }
0x21: {  	s3 =	sadd.s32 s3, s9;
	s6 =	sadd.s32 @!p0 $0x88, s6;
	s7 =	simm.s32 @p2 $0x1082  }
0x22: {  	[simem:s7], [sflag:s8] =	dma.local @!p0 [hbm:s6], $0xF7A  }
0x23: {  	s9 =	sor.u32 $0xD0000000, s2;
	s6 =	simm.s32 $0x108;
	_ =	swait.ge @!p0 [sflag:s8], $0x0  }
0x24: {  	s3 =	sadd.s32 $0x88, s3;
	s6 =	simm.s32 @!p1 $0x1082;
	[sflag:s4] =	ssyncset.s32 $0xFFFFF086  }
0x25: {  	[simem:s6], [sflag:s4] =	dma.local [hbm:s3], $0xF7A  }
0x26: {  	[smem:$0x3F9B] =	sst s1;
	(tag) =	ssettag s2;
	_ =	strace s9  }
0x27: {  	s1 =	sld [smem:$0x3FAB]  }
0x28: {  	s2 =	sld [smem:$0x3FAC]  }
0x29: {  	s4 =	sld [smem:$0x3FAE]  }
0x2a: {  	p0 =	seq.s32 s5, $0x0;
	s5 =	sld [smem:$0x3FAF]  }
0x2b: {  	s6 =	sld [smem:$0x3FB0]  }
0x2c: {  	s7 =	sld [smem:$0x3FB1]  }
0x2d: {  	s3 =	simm.s32 $0x108;
	s8 =	sld [smem:$0x3FB2]  }
0x2e: {  	s3 =	simm.s32 @!p0 $0x1082;
	s9 =	sld [smem:$0x3FB3]  }
0x2f: {  	lr =	sadd.s32 s0, s3;
	s0 =	sld [smem:$0x3FAA]  }
0x30: {  	s3 =	sld [smem:$0x3FAD]  }
0x31: {  	[smem:$0x3FB6] =	sst s10  }
0x32: {  	s10 =	sld [smem:$0x3FB4];
	_ =	sdelay $0x3  }
0x33: {  	p0 =	seq.s32 s10, $0x1;
	s10 =	sld [smem:$0x3FB6];
	_ =	sdelay $0x3  }
0x34: {  	[smem:$0x3FB6] =	sst s10  }
0x35: {  	s10 =	sld [smem:$0x3FB5];
	_ =	sdelay $0x3  }
0x36: {  	p1 =	seq.s32 s10, $0x1;
	s10 =	sld [smem:$0x3FB6];
	_ =	sdelay $0x3  }
0x37: {  	[smem:$0x3FB6] =	sst s10  }
0x38: {  	s10 =	sld [smem:$0x3FB7]  }
0x39: {  	_ = 	snop;
	(pc) =	sbr.ind lr, $3  }
0x3a: {  	_ = 	snop  }
0x3b: {  	_ = 	snop  }
0x3c: {  	p2 =	seq.s32 s10, $0x1;
	s10 =	sld [smem:$0x3FB6]  }
0x3d: {  	_ =	shalt  }
0x3e: {  	_ =	shalt  }
0x3f: {  	_ =	shalt  }
0x40: {  	_ =	shalt  }
0x41: {  	_ =	shalt  }
0x42: {  	_ =	shalt  }
0x43: {  	_ =	shalt  }
0x44: {  	_ =	shalt  }
0x45: {  	_ =	shalt  }
0x46: {  	_ =	shalt  }
0x47: {  	_ =	shalt  }
0x48: {  	_ =	shalt  }
0x49: {  	_ =	shalt  }
0x4a: {  	_ =	shalt  }
0x4b: {  	_ =	shalt  }
0x4c: {  	_ =	shalt  }
0x4d: {  	_ =	shalt  }
0x4e: {  	_ =	shalt  }
0x4f: {  	_ =	shalt  }
0x50: {  	_ =	shalt  }
0x51: {  	_ =	shalt  }
0x52: {  	_ =	shalt  }
0x53: {  	_ =	shalt  }
0x54: {  	_ =	shalt  }
0x55: {  	_ =	shalt  }
0x56: {  	_ =	shalt  }
0x57: {  	_ =	shalt  }
0x58: {  	_ =	shalt  }
0x59: {  	_ =	shalt  }
0x5a: {  	_ =	shalt  }
0x5b: {  	_ =	shalt  }
0x5c: {  	_ =	shalt  }
0x5d: {  	_ =	shalt  }
0x5e: {  	_ =	shalt  }
0x5f: {  	_ =	shalt  }
0x60: {  	_ =	shalt  }
0x61: {  	_ =	shalt  }
0x62: {  	_ =	shalt  }
0x63: {  	_ =	shalt  }
0x64: {  	_ =	shalt  }
0x65: {  	_ =	shalt  }
0x66: {  	_ =	shalt  }
0x67: {  	_ =	shalt  }
0x68: {  	_ =	shalt  }
0x69: {  	_ =	shalt  }
0x6a: {  	_ =	shalt  }
0x6b: {  	_ =	shalt  }
0x6c: {  	_ =	shalt  }
0x6d: {  	_ =	shalt  }
0x6e: {  	_ =	shalt  }
0x6f: {  	_ =	shalt  }
0x70: {  	_ =	shalt  }
0x71: {  	_ =	shalt  }
0x72: {  	_ =	shalt  }
0x73: {  	_ =	shalt  }
0x74: {  	_ =	shalt  }
0x75: {  	_ =	shalt  }
0x76: {  	_ =	shalt  }
0x77: {  	_ =	shalt  }
0x78: {  	_ =	shalt  }
0x79: {  	_ =	shalt  }
0x7a: {  	_ =	shalt  }
0x7b: {  	_ =	shalt  }
0x7c: {  	_ =	shalt  }
0x7d: {  	_ =	shalt  }
0x7e: {  	_ =	shalt  }
0x7f: {  	_ =	shalt  }
0x80: {  	_ =	shalt  }
0x81: {  	_ =	shalt  }
0x82: {  	_ =	shalt  }
0x83: {  	_ =	shalt  }
0x84: {  	_ =	shalt  }
0x85: {  	_ =	shalt  }
0x86: {  	_ =	shalt  }
0x87: {  	_ =	shalt  }
.Lfunc_end0:
.L_simem_size_0:
called_computation_lowered:
.L_overlay_start_0:
0x88: {  	s2 =	sld [smem:$0x3FD9]  }
0x89: {  	s3 =	sld [smem:$0x3FFE];
	_ =	sdelay $0x1  }
0x8a: {  	s1 =	srdreg.scid  }
0x8b: {  	s0 =	sand.u32 $0x1, s1  }
0x8c: {  	s16 =	sshll.u32 s0, $0xA;
	s2 =	sadd.s32 s3, s2  }
0x8d: {  	s2 =	sadd.s32 s2, s16  }
0x8e: {  	[smem:$0x3FC2] =	sst s2  }
0x8f: {  	_ = 	snop  }
0x90: {  	(tm) =	ssettm $0x1  }
0x91: {  	s17 =	sld [smem:$0x3FFB];
	_ =	sdelay $0x3  }
0x92: {  	_ =	strace s17  }
0x93: {  	s2 =	sld [smem:$0x3FFC];
	_ =	sdelay $0x3  }
0x94: {  	_ =	strace s2  }
0x95: {  	s2 =	sld [smem:$0x3FFD];
	_ =	sdelay $0x3  }
0x96: {  	_ =	strace s2  }
0x97: {  	_ =	strace $0x8FFFFFFF  }
0x98: {  	s18 =	sld [smem:$0x3FDB];
	_ =	sdelay $0x1  }
0x99: {  	s19 =	simm.s32 $_scs_section_size  }
0x9a: {  	s4 =	simm.s32 $_size__tile_overlayer_lowered;
	s5 =	simm.s32 $_tile_overlayer_lowered  }
0x9b: {  	s22 =	simm.s32 $0x1BFF;
	s21 =	sshll.u32 s5, $0x1;
	s2 =	sadd.s32 s19, s18  }
0x9c: {  	s6 =	simm.s32 $0x0;
	s20 =	sshll.u32 s4, $0x1;
	s4 =	sadd.s32 s21, s2  }
0x9d: {  	[timem:s6], [sflag:s22] =	dma.local [hbm:s4], s20  }
0x9e: {  	_ =	swait.ge [sflag:s22], s20  }
0x9f: {  	s3 =	ssub.s32 $0x0, s20;
	[sflag:s22] =	ssyncset.done $0x0  }
0xa0: {  	[sflag:s22] =	ssyncadd.s32 s3;
	_ =	sdelay $0x1  }
0xa1: {  	s23 =	simm.s32 $0x1B8B  }
0xa2: {  	_ =	swait.ge [sflag:s23], $0x1  }
0xa3: {  	[sflag:s23] =	ssyncset.done $0x0  }
0xa4: {  	s25 =	simm.s32 $0x1B8E;
	s24 =	sld [smem:$0x3FFE];
	[sflag:s23] =	ssyncadd.s32 $0xFFFFFFFF  }
0xa5: {  	s26 =	simm.s32 $execute0_lowered;
	[smem:$0x3FD2] =	sst s25  }
0xa6: {  	s4 =	sshll.u32 s26, $0x1;
	_ =	strace $0x80000046;
	[dreg:$0x1] =	wrdreg $0xFFFFFFFF  }
0xa7: {  	s28 =	simm.s32 $_size_execute0_lowered;
	s2 =	sadd.s32 s2, s4;
	[dreg:$0x0] =	wrdreg $0x0  }
0xa8: {  	s4 =	sshll.u32 s28, $0x1;
	[dreg:$0x2] =	wrdreg s2  }
0xa9: {  	[dreg:$0x3] =	wrdreg s4  }
0xaa: {  	[dreg:$0x4] =	wrdreg $0xC0  }
0xab: {  	_ =	task [dreg:s6], $0x5FFFF  }
0xac: {  	[dreg:$0x1] =	wrdreg $0xFFFFFFFF  }
0xad: {  	[dreg:$0x0] =	wrdreg $0x60  }
0xae: {  	[dreg:$0x2] =	wrdreg s24  }
0xaf: {  	[dreg:$0x3] =	wrdreg $0x2A800  }
0xb0: {  	[dreg:$0x4] =	wrdreg $0x9  }
0xb1: {  	_ =	task.clear_ibuf [dreg:s6], $0x5FFFF;
	_ =	strace $0x90000046  }
0xb2: {  	s29 =	simm.s32 $0x9;
	_ =	strace $0x80000048  }
0xb3: {  	_ =	swait.ge [sflag:s29], $0x1  }
0xb4: {  	[sflag:s29] =	ssyncadd.s32 $0xFFFFFFFF  }
0xb5: {  	_ =	strace $0x90000048  }
0xb6: {  	_ =	sfence  }
0xb7: {  	s30 =	sld [smem:$0x0];
	_ =	sdelay $0x2  }
0xb8: {  	s31 =	sshll.u32 s1, $0xD;
	s1 =	sshrl.u32 s1, $0x2  }
0xb9: {  	s3 =	sand.u32 $0x4000, s31;
	s1 =	sadd.s32 s1, s30  }
0xba: {  	s0 =	sor.u32 s3, s0;
	s1 =	sshll.u32 s1, $0x11  }
0xbb: {  	s0 =	sor.u32 s1, s0  }
0xbc: {  	s0 =	sadd.s32 $0x8F2B, s0  }
0xbd: {  	[sflag:s0] =	ssyncadd.remote.s32 $0x1  }
0xbe: {  	_ =	sfence.sel $0xFFFF  }
0xbf: {  	[dreg:$0x0] =	wrdreg $0xFFFFFFFF;
	(pc) =	sbr.abs _section_cstart, $3  }
0xc0: {  	[dreg:$0x1] =	wrdreg $0xFFFFFFFF  }
0xc1: {  	_ =	task.clear_ibuf [dreg:s6], $0x2FFFF;
	_ =	strace $0x9FFFFFFF  }
0xc2: {  	(tm) =	ssettm $0x7FFFFFFF  }
0xc3: {  	_ =	shalt  }
tec
execute0_lowered:
.L_overlay_start_1:
0x0: {  	(tag) =	ssettag $0x1  }
0x1: {  	s4 =	rddreg [dreg:$0x0]  }
0x2: {  	s2 =	rddreg [dreg:$0x1]  }
0x3: {  	s0 =	rddreg [dreg:$0x2]  }
0x4: {  	s5 =	srdreg.scid;
	s1 =	stileid.u32  }
0x5: {  	s3 =	simm.s32 $0x0;
	s13 =	simm.s32 $0x1;
	s14 =	simm.s32 $0x2  }
0x6: {  	s15 =	simm.s32 $0x2700;
	s18 =	simm.s32 $0x0;
	s6 =	smul.u32 $0x280, s1  }
0x7: {  	s5 =	sand.u32 $0x1, s5;
	[smem:$0x7FF] =	sst s3;
	s11 =	smul.u32 $0x2780, s1  }
0x8: {  	s26 =	sadd.s32 $0x2400, s4;
	s16 =	sshll.u32 s1, $0x6;
	s7 =	smul.u32 $0x2800, s5  }
0x9: {  	s8 =	sshll.u32 s5, $0x4;
	_ =	strace $0x80000047;
	s5 =	ssub.s32 $0x2, s5  }
0xa: {  	s16 =	sor.u32 $0x1C03, s16;
	s9 =	sor.u32 s1, s8;
	s28 =	sshrl.u32 s5, $0x1  }
0xb: {  	s30 =	sshrl.u32 s11, $0x3;
	s11 =	simm.s32 $0x80;
	s7 =	sadd.s32 s6, s7  }
0xc: {  	s10 =	smul.u32 $0x2700, s9;
	s12 =	ssub.s32 s5, s28;
	s31 =	sadd.s32 s26, s30  }
.Ltmp0:
0xd: {  	p0 =	sgt.u32 s9, $0x3;
	s9 =	simm.s32 $0x2800;
	(pc) =	sbr.rel .LBB2_1-.Ltmp0, $4  }
0xe: {  	s7 =	sshrl.u32 s7, $0x3;
	s8 =	smax.u32 s12, $0x1;
	s12 =	simm.s32 $0x2780  }
0xf: {  	s7 =	sadd.s32 s7, s4;
	s10 =	sshrl.u32 s10, $0x3;
	s4 =	sadd.s32 s6, s2  }
0x10: {  	s6 =	sadd.s32 $0x9C40, s31;
	s29 =	sadd.s32 s26, s10;
	s7 =	sadd.s32 $0x15E00, s7  }
0x11: {  	v0 =	vimm.f32 $1.000000000e+00;
	v1 =	vimm.f32 $0.0e+00;
	s10 =	simm.s32 $0x3;
	s17 =	sshrl.u32 s4, $0x3;
	s5 =	sadd.s32 $0x9C80, s29  }
.LBB2_7:
0x12: {  	[spmem:s2] =	stream.indirect.scatter.add.f32 [tilespmem:s12], [sflag:$0x2], $0x1, s24, s11, $0xb8;
	[tilespmem:$0x2D00] =	vst v63  }
0x13: {  	_ =	swait.ge [sflag:s22], $0x80  }
0x14: {  	s21 =	sshra.s32 s23, $0x2;
	[sflag:s22] =	ssyncset.done $0x0  }
0x15: {  	s20 =	simm.s32 $0x2;
	s31 =	sadd.s32 $0x2700, s21;
	[sflag:s22] =	ssyncadd.s32 $0xFFFFFF80  }
0x16: {  	[spmem:s2] =	stream.indirect.scatter.add.f32 [tilespmem:s12], [sflag:$0x1], $0x1, s31, s11, $0xb8;
	[tilespmem:$0x2D00] =	vst v63  }
0x17: {  	_ =	swait.ge [sflag:s20], $0x80  }
0x18: {  	[sflag:s20] =	ssyncset.done $0x0  }
0x19: {  	s21 =	sadd.s32 $0x2780, s21;
	[sflag:s20] =	ssyncadd.s32 $0xFFFFFF80  }
0x1a: {  	[spmem:s2] =	stream.indirect.scatter.add.f32 [tilespmem:s12], [sflag:$0x2], $0x1, s21, s11, $0xb8;
	[tilespmem:$0x2D00] =	vst v63  }
.LBB2_8:
0x1b: {  	_ =	swait.ge [sflag:s19], $0x80  }
0x1c: {  	[sflag:s19] =	ssyncset.done $0x0  }
0x1d: {  	[sflag:s19] =	ssyncadd.s32 $0xFFFFFF80  }
0x1e: {  	_ =	swait.ge [sflag:s20], $0x80  }
0x1f: {  	s18 =	sadd.s32 $0x1, s18;
	[sflag:s20] =	ssyncset.done $0x0  }
0x20: {  	p1 =	sne.s32 s18, s8;
	[sflag:s20] =	ssyncadd.s32 $0xFFFFFF80  }
.Ltmp1:
0x21: {  	[bflag:$0x0] =	sbarrier.arrive $0xFFFF;
	(pc) =	sbr.rel @!p1 .LBB2_9-.Ltmp1, $4  }
0x22: {  	[hbm:s7], [sflag:s16] =	dma.local [spmem:s17], $0x50  }
0x23: {  	_ =	swait.ge [sflag:s10], $0x50  }
0x24: {  	[sflag:s10] =	ssyncset.done $0x0  }
0x25: {  	[sflag:s10] =	ssyncadd.s32 $0xFFFFFFB0  }
.LBB2_1:
0x26: {  	[tilespmem:$0x2780] =	vst v0  }
0x27: {  	[tilespmem:$0x2790] =	vst v0  }
0x28: {  	[tilespmem:$0x27A0] =	vst v0  }
0x29: {  	[tilespmem:$0x27B0] =	vst v0  }
0x2a: {  	[tilespmem:$0x27C0] =	vst v0  }
0x2b: {  	[tilespmem:$0x27D0] =	vst v0  }
0x2c: {  	[tilespmem:$0x27E0] =	vst v0  }
0x2d: {  	[tilespmem:$0x27F0] =	vst v0  }
0x2e: {  	[tilespmem:$0x2800] =	vst v1  }
0x2f: {  	[tilespmem:$0x2810] =	vst v1  }
0x30: {  	[tilespmem:$0x2820] =	vst v1  }
0x31: {  	[tilespmem:$0x2830] =	vst v1  }
0x32: {  	[tilespmem:$0x2840] =	vst v1  }
0x33: {  	[tilespmem:$0x2850] =	vst v1  }
0x34: {  	[tilespmem:$0x2860] =	vst v1  }
0x35: {  	[tilespmem:$0x2870] =	vst v1  }
0x36: {  	[tilespmem:$0x2880] =	vst v1  }
0x37: {  	[tilespmem:$0x2890] =	vst v1  }
0x38: {  	[tilespmem:$0x28A0] =	vst v1  }
0x39: {  	[tilespmem:$0x28B0] =	vst v1  }
0x3a: {  	[tilespmem:$0x28C0] =	vst v1  }
0x3b: {  	[tilespmem:$0x28D0] =	vst v1  }
0x3c: {  	[tilespmem:$0x28E0] =	vst v1  }
0x3d: {  	[tilespmem:$0x28F0] =	vst v1  }
0x3e: {  	[tilespmem:$0x2900] =	vst v1  }
0x3f: {  	[tilespmem:$0x2910] =	vst v1  }
0x40: {  	[tilespmem:$0x2920] =	vst v1  }
0x41: {  	[tilespmem:$0x2930] =	vst v1  }
0x42: {  	[tilespmem:$0x2940] =	vst v1  }
0x43: {  	[tilespmem:$0x2950] =	vst v1  }
0x44: {  	[tilespmem:$0x2960] =	vst v1  }
0x45: {  	[tilespmem:$0x2970] =	vst v1  }
0x46: {  	[tilespmem:$0x2980] =	vst v1  }
0x47: {  	[tilespmem:$0x2990] =	vst v1  }
0x48: {  	[tilespmem:$0x29A0] =	vst v1  }
0x49: {  	[tilespmem:$0x29B0] =	vst v1  }
0x4a: {  	[tilespmem:$0x29C0] =	vst v1  }
0x4b: {  	[tilespmem:$0x29D0] =	vst v1  }
0x4c: {  	[tilespmem:$0x29E0] =	vst v1  }
0x4d: {  	[tilespmem:$0x29F0] =	vst v1  }
0x4e: {  	[tilespmem:$0x2A00] =	vst v1  }
0x4f: {  	[tilespmem:$0x2A10] =	vst v1  }
0x50: {  	[tilespmem:$0x2A20] =	vst v1  }
0x51: {  	[tilespmem:$0x2A30] =	vst v1  }
0x52: {  	[tilespmem:$0x2A40] =	vst v1  }
0x53: {  	[tilespmem:$0x2A50] =	vst v1  }
0x54: {  	[tilespmem:$0x2A60] =	vst v1  }
0x55: {  	[tilespmem:$0x2A70] =	vst v1  }
0x56: {  	[spmem:s4] =	stream.linear.scatter [tilespmem:s9], [sflag:$0x3], $0x280, $0x38;
	[tilespmem:$0x2D00] =	vst v63  }
.Ltmp2:
0x57: {  	_ =	swait.ge [sflag:s10], $0x280;
	(pc) =	sbr.rel @p0 .LBB2_5-.Ltmp2, $3  }
0x58: {  	[sflag:s10] =	ssyncset.done $0x0  }
0x59: {  	[sflag:s10] =	ssyncadd.s32 $0xFFFFFD80  }
0x5a: {  	[bflag:$0x0] =	sbarrier.arrive $0xFFFF;
	_ =	sdelay $0x1  }
0x5b: {  	[tilespmem:s3], [sflag:$0x3] =	stream.linear.gather [hbm4b:s6+s3], $0x2780, $0x38;
	[tilespmem:$0x2D00] =	vst v63  }
0x5c: {  	_ =	swait.ge [sflag:s10], $0x2780  }
0x5d: {  	[sflag:s10] =	ssyncset.done $0x0  }
0x5e: {  	[sflag:s10] =	ssyncadd.s32 $0xFFFFD880  }
0x5f: {  	[spmem:s2] =	stream.indirect.scatter.add.f32 [tilespmem:s12], [sflag:$0x1], $0x1, s3, s11, $0xb8;
	[tilespmem:$0x2D00] =	vst v63  }
0x60: {  	_ = 	snop  }
0x61: {  	[spmem:s2] =	stream.indirect.scatter.add.f32 [tilespmem:s12], [sflag:$0x2], $0x1, s11, s11, $0xb8;
	[tilespmem:$0x2D00] =	vst v63  }
0x62: {  	_ =	swait.ge [sflag:s13], $0x80  }
0x63: {  	[sflag:s13] =	ssyncset.done $0x0  }
0x64: {  	s19 =	simm.s32 $0x100;
	[sflag:s13] =	ssyncadd.s32 $0xFFFFFF80  }
0x65: {  	[spmem:s2] =	stream.indirect.scatter.add.f32 [tilespmem:s12], [sflag:$0x1], $0x1, s19, s11, $0xb8;
	[tilespmem:$0x2D00] =	vst v63  }
0x66: {  	_ =	swait.ge [sflag:s14], $0x80  }
0x67: {  	[sflag:s14] =	ssyncset.done $0x0  }
0x68: {  	s20 =	simm.s32 $0x180;
	s19 =	simm.s32 $0xFFFF6C00;
	[sflag:s14] =	ssyncadd.s32 $0xFFFFFF80  }
.LBB2_3:
0x69: {  	[spmem:s2] =	stream.indirect.scatter.add.f32 [tilespmem:s12], [sflag:$0x2], $0x1, s20, s11, $0xb8;
	[tilespmem:$0x2D00] =	vst v63  }
0x6a: {  	s20 =	smov.u32 s19  }
0x6b: {  	p1 =	sne.s32 s19, $0xFFFFFC00;
	s19 =	sadd.s32 $0x400, s19;
	_ =	swait.ge [sflag:s13], $0x80  }
0x6c: {  	s20 =	sshra.s32 s20, $0x2;
	[sflag:s13] =	ssyncset.done $0x0  }
.Ltmp3:
0x6d: {  	s21 =	sadd.s32 $0x2700, s20;
	[sflag:s13] =	ssyncadd.s32 $0xFFFFFF80;
	(pc) =	sbr.rel @p1 .LBB2_3-.Ltmp3, $4  }
0x6e: {  	[spmem:s2] =	stream.indirect.scatter.add.f32 [tilespmem:s12], [sflag:$0x1], $0x1, s21, s11, $0xb8;
	[tilespmem:$0x2D00] =	vst v63  }
0x6f: {  	_ =	swait.ge [sflag:s14], $0x80  }
0x70: {  	[sflag:s14] =	ssyncset.done $0x0  }
0x71: {  	s20 =	sadd.s32 $0x2780, s20;
	[sflag:s14] =	ssyncadd.s32 $0xFFFFFF80  }
0x72: {  	[spmem:s2] =	stream.indirect.scatter.add.f32 [tilespmem:s12], [sflag:$0x2], $0x1, s20, s11, $0xb8;
	[tilespmem:$0x2D00] =	vst v63  }
.Ltmp4:
0x73: {  	s20 =	simm.s32 $0x1;
	(pc) =	sbr.rel .LBB2_8-.Ltmp4, $4  }
0x74: {  	_ =	swait.ge [sflag:s20], $0x80  }
0x75: {  	[sflag:s20] =	ssyncset.done $0x0  }
0x76: {  	s19 =	simm.s32 $0x2;
	[sflag:s20] =	ssyncadd.s32 $0xFFFFFF80  }
0x77: {  	[spmem:s2] =	stream.indirect.scatter.add.f32 [tilespmem:s12], [sflag:$0x1], $0x1, s15, s11, $0xb8;
	[tilespmem:$0x2D00] =	vst v63  }
.LBB2_5:
0x78: {  	[tilespmem:s3], [sflag:$0x3] =	stream.linear.gather [hbm4b:s5+s3], $0x2700, $0x38;
	[tilespmem:$0x2D00] =	vst v63  }
0x79: {  	_ =	swait.ge [sflag:s10], $0x2700  }
0x7a: {  	[sflag:s10] =	ssyncset.done $0x0  }
0x7b: {  	[sflag:s10] =	ssyncadd.s32 $0xFFFFD900  }
0x7c: {  	[spmem:s2] =	stream.indirect.scatter.add.f32 [tilespmem:s12], [sflag:$0x1], $0x1, s3, s11, $0xb8;
	[tilespmem:$0x2D00] =	vst v63  }
0x7d: {  	s19 =	simm.s32 $0x1  }
0x7e: {  	[spmem:s2] =	stream.indirect.scatter.add.f32 [tilespmem:s12], [sflag:$0x2], $0x1, s11, s11, $0xb8;
	[tilespmem:$0x2D00] =	vst v63  }
0x7f: {  	_ =	swait.ge [sflag:s19], $0x80  }
0x80: {  	[sflag:s19] =	ssyncset.done $0x0  }
0x81: {  	s20 =	simm.s32 $0x2;
	s21 =	simm.s32 $0x100;
	[sflag:s19] =	ssyncadd.s32 $0xFFFFFF80  }
0x82: {  	[spmem:s2] =	stream.indirect.scatter.add.f32 [tilespmem:s12], [sflag:$0x1], $0x1, s21, s11, $0xb8;
	[tilespmem:$0x2D00] =	vst v63  }
0x83: {  	_ =	swait.ge [sflag:s20], $0x80  }
0x84: {  	s23 =	simm.s32 $0xFFFF6C00;
	s24 =	simm.s32 $0x180;
	[sflag:s20] =	ssyncset.done $0x0  }
0x85: {  	s22 =	simm.s32 $0x1;
	s21 =	simm.s32 $0xFFFF7000;
	[sflag:s20] =	ssyncadd.s32 $0xFFFFFF80  }
.LBB2_6:
0x86: {  	[spmem:s2] =	stream.indirect.scatter.add.f32 [tilespmem:s12], [sflag:$0x2], $0x1, s24, s11, $0xb8;
	[tilespmem:$0x2D00] =	vst v63  }
0x87: {  	s24 =	smov.u32 s21  }
0x88: {  	p1 =	sne.s32 s21, $0xFFFFFC00;
	_ =	swait.ge [sflag:s22], $0x80  }
0x89: {  	s25 =	sshra.s32 s23, $0x2;
	[sflag:s22] =	ssyncset.done $0x0  }
.Ltmp5:
0x8a: {  	[sflag:s22] =	ssyncadd.s32 $0xFFFFFF80;
	s22 =	sadd.s32 $0x2700, s25;
	(pc) =	sbr.rel @p1 .LBB2_6-.Ltmp5, $4  }
0x8b: {  	[spmem:s2] =	stream.indirect.scatter.add.f32 [tilespmem:s12], [sflag:$0x1], $0x1, s22, s11, $0xb8;
	[tilespmem:$0x2D00] =	vst v63  }
0x8c: {  	s21 =	sadd.s32 $0x400, s21;
	s22 =	smov.u32 s19;
	_ =	swait.ge [sflag:s20], $0x80  }
0x8d: {  	s23 =	smov.u32 s24;
	[sflag:s20] =	ssyncset.done $0x0  }
0x8e: {  	s24 =	sadd.s32 $0x2780, s25;
	[sflag:s20] =	ssyncadd.s32 $0xFFFFFF80  }
.Ltmp6:
0x8f: {  	_ = 	snop;
	(pc) =	sbr.rel .LBB2_7-.Ltmp6, $1  }
0x90: {  	_ =	sdelay $0x3  }
.LBB2_9:
0x91: {  	_ =	sfence.sel $0x180000  }
0x92: {  	[bflag:$0x0] =	sbarrier.arrive $0xFFFF  }
0x93: {  	p0 =	sne.s32 s1, $0x0;
	_ =	strace $0x90000047  }
0x94: {  	s0 =	sadd.s32 @!p0 $0x100000, s0;
	[bflag:$0x2] =	sbarrier.arrive $0xFFFF  }
0x95: {  	[sflag:s0] =	ssyncadd.tile.s32 @!p0 $0x1;
	_ =	shalt  }
.Lfunc_end2:
_tile_overlayer_lowered:
.L_overlay_start_2:
0x96: {  	(tag) =	ssettag $0x2  }
0x97: {  	s0 =	rddreg [dreg:$0x0];
	s2 =	stileid.u32  }
0x98: {  	s1 =	rddreg [dreg:$0x1];
	p0 =	sne.s32 s2, $0x0  }
0x99: {  	s3 =	rddreg [dreg:$0x2];
	[bflag:$0x3] =	sbarrier.arrive $0xFFFF;
	s2 =	simm.s32 @!p0 $0x1C03  }
0x9a: {  	[timem:s3], [sflag:s2] =	dma.local @!p0 [hbm:s0], s1  }
0x9b: {  	s0 =	simm.s32 @!p0 $0x3  }
0x9c: {  	_ =	swait.ge @!p0 [sflag:s0], s1  }
0x9d: {  	s1 =	ssub.s32 @!p0 $0x0, s1;
	[sflag:s0] =	ssyncset.done @!p0 $0x0  }
0x9e: {  	[sflag:s0] =	ssyncadd.s32 @!p0 s1  }
0x9f: {  	[bflag:$0x3] =	sbarrier.arrive $0xFFFF  }
0xa0: {  	_ =	shalt  }

</sc_bundles>
